<compile_context>
chip_gen: v7x
topology: tpu7x:2x2x1
jax: 0.10.2.dev20260603
libtpu: 0.0.44.dev20260713+nightly
codegen_flags: <defaults>
</compile_context>

<pallas_src>
import jax
import jax.numpy as jnp
from jax import lax
from jax.experimental import pallas as pl
from jax.experimental.pallas import tpu as pltpu
from jax.experimental.pallas import tpu_sc as plsc

N = 10000
E = 160000
D = 256
Q = 64
NQ = 4
NR = 2
NC = 2
NS = 16
NW = NC * NS

HIST = 10240
ET = E // NS
EW = E // NW
EWP = 5008
CH = 80
K = 125
NP = 10240
RT = NP // NS
WB = 80
LT = N - (NS - 1) * (NP // NS)
W2 = 320


def _mesh():
    return plsc.VectorSubcoreMesh(
        core_axis_name="c", subcore_axis_name="s", num_cores=NC, num_subcores=NS
    )



def _deg_body(col_hbm, out_hbm, colv, hist, acc, tmp, hists_sh):
    c = lax.axis_index("c")
    s = lax.axis_index("s")
    w = c * NS + s
    pltpu.sync_copy(col_hbm.at[w], colv)
    z16 = jnp.zeros((16,), jnp.float32)
    one16 = jnp.ones((16,), jnp.float32)

    def zero(i, carry):
        hist[pl.ds(i * 16, 16)] = z16
        return carry

    lax.fori_loop(0, HIST // 16, zero, 0)

    def upd(i, carry):
        idx = colv[pl.ds(i * 16, 16)]
        plsc.addupdate_scatter(hist, [idx], one16)
        return carry

    lax.fori_loop(0, EWP // 16, upd, 0)
    pltpu.sync_copy(hist, hists_sh.at[pl.ds(s * HIST, HIST)])
    plsc.subcore_barrier()

    def zacc(i, carry):
        acc[pl.ds(i * 16, 16)] = z16
        return carry

    lax.fori_loop(0, RT // 16, zacc, 0)

    def red(t2, carry):
        pltpu.sync_copy(hists_sh.at[pl.ds(t2 * HIST + s * RT, RT)], tmp)

        def addv(i, carry2):
            acc[pl.ds(i * 16, 16)] += tmp[pl.ds(i * 16, 16)]
            return carry2

        return lax.fori_loop(0, RT // 16, addv, carry)

    lax.fori_loop(0, NS, red, 0)
    pltpu.sync_copy(acc, out_hbm.at[pl.ds(c * HIST + s * RT, RT)])


def _deg(col_t):
    fn = pl.kernel(
        _deg_body,
        out_type=jax.ShapeDtypeStruct((NC * HIST,), jnp.float32),
        mesh=_mesh(),
        scratch_types=[
            pltpu.VMEM((EWP,), jnp.int32),
            pltpu.VMEM((HIST,), jnp.float32),
            pltpu.VMEM((RT,), jnp.float32),
            pltpu.VMEM((RT,), jnp.float32),
            pltpu.VMEM_SHARED((NS * HIST,), jnp.float32),
        ],
        compiler_params=pltpu.CompilerParams(needs_layout_passes=False),
    )
    return fn(col_t)



_RB = 2000
_GRID = N // _RB


def _mm_body(x_ref, w_ref, deg_ref, t_ref, wt_ref, bt_ref,
             y_ref, dinv_ref, temb_ref):
    dinv = lax.rsqrt(deg_ref[...] + 1.0)
    dinv_ref[...] = dinv
    xw = jnp.dot(x_ref[...], w_ref[...], preferred_element_type=jnp.float32)
    y = xw * dinv
    y_ref[0] = y[:, 0 * Q:1 * Q]
    y_ref[1] = y[:, 1 * Q:2 * Q]
    y_ref[2] = y[:, 2 * Q:3 * Q]
    y_ref[3] = y[:, 3 * Q:4 * Q]

    @pl.when(pl.program_id(0) == 0)
    def _():
        te = jnp.dot(t_ref[...], wt_ref[...], preferred_element_type=jnp.float32)
        temb_ref[...] = jnp.maximum(te + bt_ref[...], 0.0)


def _mm(x, W_gcn, deg_col, t, W_t, bt2):
    return pl.pallas_call(
        _mm_body,
        grid=(_GRID,),
        in_specs=[
            pl.BlockSpec((_RB, D), lambda j: (j, 0)),
            pl.BlockSpec((D, D), lambda j: (0, 0)),
            pl.BlockSpec((_RB, 1), lambda j: (j, 0)),
            pl.BlockSpec((1, D), lambda j: (0, 0)),
            pl.BlockSpec((D, D), lambda j: (0, 0)),
            pl.BlockSpec((1, D), lambda j: (0, 0)),
        ],
        out_specs=[
            pl.BlockSpec((NQ, _RB, Q), lambda j: (0, j, 0)),
            pl.BlockSpec((_RB, 1), lambda j: (j, 0)),
            pl.BlockSpec((1, D), lambda j: (0, 0)),
        ],
        out_shape=[
            jax.ShapeDtypeStruct((NQ, N, Q), jnp.float32),
            jax.ShapeDtypeStruct((N, 1), jnp.float32),
            jax.ShapeDtypeStruct((1, D), jnp.float32),
        ],
    )(x, W_gcn, deg_col, t, W_t, bt2)



def _scat_body(y_hbm, row_hbm, col_hbm, out_hbm,
               rowi, coli, buf, zbuf, wbuf, acc_sh, *sems):
    semg = sems
    c = lax.axis_index("c")
    s = lax.axis_index("s")
    pltpu.sync_copy(row_hbm.at[s], rowi)
    pltpu.sync_copy(col_hbm.at[s], coli)

    z16 = jnp.zeros((16,), jnp.float32)

    def zrow(i, carry):
        def zcol(k, carry2):
            zbuf[i, pl.ds(k * 16, 16)] = z16
            return carry2
        return lax.fori_loop(0, Q // 16, zcol, carry)

    lax.fori_loop(0, WB, zrow, 0)

    for p in range(NR):
        q = NR * c + p
        yt = y_hbm.at[q]

        off = s * RT

        @pl.when(s < NS - 1)
        def _():
            for k2 in range(RT // W2):
                pltpu.sync_copy(yt.at[pl.ds(off + k2 * W2, W2)], wbuf)
                pltpu.sync_copy(wbuf, acc_sh.at[pl.ds(off + k2 * W2, W2)])

        @pl.when(s == NS - 1)
        def _():
            pltpu.sync_copy(yt.at[pl.ds(off, W2)], wbuf)
            pltpu.sync_copy(wbuf, acc_sh.at[pl.ds(off, W2)])
            pltpu.sync_copy(yt.at[pl.ds(off + W2, LT - W2)], wbuf.at[pl.ds(0, LT - W2)])
            pltpu.sync_copy(wbuf.at[pl.ds(0, LT - W2)], acc_sh.at[pl.ds(off + W2, LT - W2)])

            def zpad(k, carry):
                pltpu.sync_copy(
                    zbuf, acc_sh.at[pl.ds(N + k * WB, WB)]
                )
                return carry

            lax.fori_loop(0, (NP - N) // WB, zpad, 0)

        plsc.subcore_barrier()

        pltpu.async_copy(yt.at[rowi.at[0]], buf.at[0], semg[0])

        def lap(i, carry):
            j0 = 2 * i
            j1 = 2 * i + 1
            pltpu.async_copy(yt.at[rowi.at[j1]], buf.at[1], semg[1])
            pltpu.make_async_copy(yt.at[rowi.at[j0]], buf.at[0], semg[0]).wait()
            pltpu.sync_copy(buf.at[0], acc_sh.at[coli.at[j0]], add=True)

            @pl.when(i < CH // 2 - 1)
            def _():
                pltpu.async_copy(yt.at[rowi.at[j0 + 2]], buf.at[0], semg[0])

            pltpu.make_async_copy(yt.at[rowi.at[j1]], buf.at[1], semg[1]).wait()
            pltpu.sync_copy(buf.at[1], acc_sh.at[coli.at[j1]], add=True)
            return carry

        lax.fori_loop(0, CH // 2, lap, 0)
        plsc.subcore_barrier()

        @pl.when(s < NS - 1)
        def _():
            for k2 in range(RT // W2):
                pltpu.sync_copy(acc_sh.at[pl.ds(off + k2 * W2, W2)], wbuf)
                pltpu.sync_copy(wbuf, out_hbm.at[q].at[pl.ds(off + k2 * W2, W2)])

        @pl.when(s == NS - 1)
        def _():
            pltpu.sync_copy(acc_sh.at[pl.ds(off, W2)], wbuf)
            pltpu.sync_copy(wbuf, out_hbm.at[q].at[pl.ds(off, W2)])
            pltpu.sync_copy(acc_sh.at[pl.ds(off + W2, LT - W2)], wbuf.at[pl.ds(0, LT - W2)])
            pltpu.sync_copy(wbuf.at[pl.ds(0, LT - W2)], out_hbm.at[q].at[pl.ds(off + W2, LT - W2)])


def _scatter(y, row_b, col_b):
    fn = pl.kernel(
        _scat_body,
        out_type=jax.ShapeDtypeStruct((NQ, N, Q), jnp.float32),
        mesh=_mesh(),
        scratch_types=[
            pltpu.VMEM((CH, K), jnp.int32),
            pltpu.VMEM((CH, K), jnp.int32),
            pltpu.VMEM((2, K, Q), jnp.float32),
            pltpu.VMEM((WB, Q), jnp.float32),
            pltpu.VMEM((W2, Q), jnp.float32),
            pltpu.VMEM_SHARED((NP, Q), jnp.float32),
        ] + [pltpu.SemaphoreType.DMA] * 2,
        compiler_params=pltpu.CompilerParams(
            needs_layout_passes=False, use_tc_tiling_on_sc=False
        ),
    )
    return fn(y, row_b, col_b)



def _fin_body(acc_ref, dinv_ref, temb_ref, bg_ref, g_ref, b_ref,
              o_ref, s1s, s2s):
    p = pl.program_id(0)
    j = pl.program_id(1)
    a = jnp.concatenate([acc_ref[0], acc_ref[1], acc_ref[2], acc_ref[3]], axis=1)
    h = dinv_ref[...] * a + bg_ref[...] + temb_ref[...]
    hr = jnp.maximum(h, 0.0)

    @pl.when((p == 0) & (j == 0))
    def _():
        s1s[...] = jnp.zeros_like(s1s)
        s2s[...] = jnp.zeros_like(s2s)

    @pl.when(p == 0)
    def _():
        s1s[...] += jnp.sum(hr, axis=0, keepdims=True)
        s2s[...] += jnp.sum(hr * hr, axis=0, keepdims=True)

    @pl.when(p == 1)
    def _():
        mean = s1s[...] * (1.0 / N)
        var = s2s[...] * (1.0 / N) - mean * mean
        sc = g_ref[...] * lax.rsqrt(var + 1e-5)
        o_ref[...] = (hr - mean) * sc + b_ref[...]


def _fin(acc, dinv_col, temb, bg2, g2, be2):
    return pl.pallas_call(
        _fin_body,
        grid=(2, _GRID),
        in_specs=[
            pl.BlockSpec((NQ, _RB, Q), lambda p, j: (0, j, 0)),
            pl.BlockSpec((_RB, 1), lambda p, j: (j, 0)),
            pl.BlockSpec((1, D), lambda p, j: (0, 0)),
            pl.BlockSpec((1, D), lambda p, j: (0, 0)),
            pl.BlockSpec((1, D), lambda p, j: (0, 0)),
            pl.BlockSpec((1, D), lambda p, j: (0, 0)),
        ],
        out_specs=pl.BlockSpec((_RB, D), lambda p, j: (p * j, 0)),
        out_shape=jax.ShapeDtypeStruct((N, D), jnp.float32),
        scratch_shapes=[
            pltpu.VMEM((1, D), jnp.float32),
            pltpu.VMEM((1, D), jnp.float32),
        ],
    )(acc, dinv_col, temb, bg2, g2, be2)



def kernel(x, edge_index, t, W_gcn, b_gcn, W_t, b_t, gamma, beta):
    row = edge_index[0]
    col = edge_index[1]

    col_t = jnp.pad(
        col.reshape(NW, EW), ((0, 0), (0, EWP - EW)), constant_values=N
    )
    row_b = row.reshape(NS, CH, K)
    col_b = col.reshape(NS, CH, K)

    degs = _deg(col_t)
    deg_col = (degs[:N] + degs[HIST:HIST + N]).reshape(N, 1)

    bt2 = b_t.reshape(1, D)
    bg2 = b_gcn.reshape(1, D)
    g2 = gamma.reshape(1, D)
    be2 = beta.reshape(1, D)

    y, dinv_col, temb = _mm(x, W_gcn, deg_col, t, W_t, bt2)
    acc = _scatter(y, row_b, col_b)
    return _fin(acc, dinv_col, temb, bg2, g2, be2)

# --- scband reference (transcript-rebuilt; emitter-appended) ---
"""Pipeline reference for scband-block-26027501813799 (READ-ONLY COPY).

The authoritative reference and input builder live on the scoring server;
editing this copy changes nothing except your own understanding.
"""

import jax, jax.numpy as jnp
import numpy as np

N = 10000
E = 160000
D_IN = 256
D_OUT = 256
D_T = 256


def setup_inputs(seed: int = 0) -> dict:
    key = jax.random.key(seed)
    ks = jax.random.split(key, 9)
    x = jax.random.normal(ks[0], (N, D_IN), dtype=jnp.float32)
    edge_index = jax.random.randint(ks[1], (2, E), 0, N, dtype=jnp.int32)
    t = jax.random.normal(ks[2], (1, D_T), dtype=jnp.float32)
    # GCNConv linear weight (glorot-ish) and bias
    W_gcn = jax.random.normal(ks[3], (D_IN, D_OUT), dtype=jnp.float32) * (1.0 / np.sqrt(D_IN))
    b_gcn = jnp.zeros((D_OUT,), dtype=jnp.float32)
    # time_mlp: nn.Linear(time_emb_dim, out_ch)
    W_t = jax.random.normal(ks[4], (D_T, D_OUT), dtype=jnp.float32) * (1.0 / np.sqrt(D_T))
    b_t = jnp.zeros((D_OUT,), dtype=jnp.float32)
    # BatchNorm1d affine params
    gamma = jnp.ones((D_OUT,), dtype=jnp.float32)
    beta = jnp.zeros((D_OUT,), dtype=jnp.float32)
    return {"x": x, "edge_index": edge_index, "t": t, "W_gcn": W_gcn,
            "b_gcn": b_gcn, "W_t": W_t, "b_t": b_t, "gamma": gamma, "beta": beta}


def reference(x, edge_index, t, W_gcn, b_gcn, W_t, b_t, gamma, beta):
    n = x.shape[0]
    # GCNConv: add self loops, symmetric normalization, x @ W, scatter-add
    loops = jnp.arange(n, dtype=edge_index.dtype)
    row = jnp.concatenate([edge_index[0], loops])  # source
    col = jnp.concatenate([edge_index[1], loops])  # target
    deg = jnp.zeros((n,), dtype=x.dtype).at[col].add(1.0)
    deg_inv_sqrt = jnp.where(deg > 0, 1.0 / jnp.sqrt(deg), 0.0)
    norm = deg_inv_sqrt[row] * deg_inv_sqrt[col]
    xw = x @ W_gcn
    msgs = jnp.take(xw, row, axis=0) * norm[:, None]
    h = jnp.zeros((n, xw.shape[1]), dtype=x.dtype).at[col].add(msgs)
    h = h + b_gcn
    # time MLP + ReLU, broadcast (repeat) over nodes
    time_emb = jax.nn.relu(t @ W_t + b_t)  # [1, out_ch]
    h = jax.nn.relu(h + time_emb)
    # BatchNorm1d in training mode (batch statistics, biased variance)
    mean = jnp.mean(h, axis=0)
    var = jnp.var(h, axis=0)
    out = (h - mean) / jnp.sqrt(var + 1e-5) * gamma + beta
    return out


if False:  # reference __main__ guard neutralized (emitter)
    inp = setup_inputs()
    out = reference(**inp)
    print(out.shape, out.dtype)

if __name__ == "__main__":
    import jax
    _d = setup_inputs()
    print(jax.jit(kernel)(*tuple(_d.values())))

</pallas_src>

<mosaic_0001>
#map = affine_map<(d0, d1) -> (0, 0)>
#map1 = affine_map<(d0, d1) -> (0)>
module attributes {stable_mosaic.version = 14 : i64} {
  func.func @_deg_body(%arg0: i32, %arg1: i32, %arg2: memref<32x5008xi32, #tpu.memory_space<hbm>>, %arg3: memref<20480xf32, #tpu.memory_space<hbm>>, %arg4: memref<5008xi32, #tpu.memory_space<vmem>>, %arg5: memref<10240xf32, #tpu.memory_space<vmem>>, %arg6: memref<640xf32, #tpu.memory_space<vmem>>, %arg7: memref<640xf32, #tpu.memory_space<vmem>>, %arg8: memref<163840xf32, #tpu.memory_space<vmem_shared>>) attributes {dimension_semantics = [#tpu.dimension_semantics<core_parallel>, #tpu.dimension_semantics<subcore_parallel>], iteration_bounds = array<i64: 2, 16>, scalar_prefetch = 0 : i64, scratch_operands = 5 : i64, tpu.core_type = #tpu.core_type<sc_vector_subcore>, window_params = [{transform_indices = #map}, {transform_indices = #map1}]} {
    %mul3A = arith.constant 16 : i32
    %mul3A_0 = arith.muli %arg0, %mul3A : i32
    %add3A = arith.addi %mul3A_0, %arg1 : i32
    "tpu.region"() ({
      %run_scoped3A = tpu.sem_alloc : memref<!tpu.dma_semaphore, #tpu.memory_space<semaphore_mem>>
      %dma_start3A = arith.constant 0 : i32
      %dma_start3A_34 = tpu.memref_slice %arg2[%add3A, %dma_start3A] : memref<32x5008xi32, #tpu.memory_space<hbm>> -> memref<1x5008xi32, #tpu.memory_space<hbm>>
      %dma_start3A_35 = tpu.memref_squeeze %dma_start3A_34 : memref<1x5008xi32, #tpu.memory_space<hbm>> -> memref<5008xi32, #tpu.memory_space<hbm>>
      %dma_start3A_36 = arith.constant 0 : i32
      %dma_start3A_37 = tpu.memref_slice %arg2[%add3A, %dma_start3A_36] : memref<32x5008xi32, #tpu.memory_space<hbm>> -> memref<1x5008xi32, #tpu.memory_space<hbm>>
      %dma_start3A_38 = tpu.memref_squeeze %dma_start3A_37 : memref<1x5008xi32, #tpu.memory_space<hbm>> -> memref<5008xi32, #tpu.memory_space<hbm>>
      tpu.enqueue_dma source(%dma_start3A_38 : memref<5008xi32, #tpu.memory_space<hbm>>) target(%arg4 : memref<5008xi32, #tpu.memory_space<vmem>>) target_semaphore(%run_scoped3A : memref<!tpu.dma_semaphore, #tpu.memory_space<semaphore_mem>>)
      %dma_wait3A = arith.constant 0 : i32
      %dma_wait3A_39 = tpu.memref_slice %arg2[%add3A, %dma_wait3A] : memref<32x5008xi32, #tpu.memory_space<hbm>> -> memref<1x5008xi32, #tpu.memory_space<hbm>>
      %dma_wait3A_40 = tpu.memref_squeeze %dma_wait3A_39 : memref<1x5008xi32, #tpu.memory_space<hbm>> -> memref<5008xi32, #tpu.memory_space<hbm>>
      %dma_wait3A_41 = arith.constant 0 : i32
      %dma_wait3A_42 = tpu.memref_slice %arg2[%add3A, %dma_wait3A_41] : memref<32x5008xi32, #tpu.memory_space<hbm>> -> memref<1x5008xi32, #tpu.memory_space<hbm>>
      %dma_wait3A_43 = tpu.memref_squeeze %dma_wait3A_42 : memref<1x5008xi32, #tpu.memory_space<hbm>> -> memref<5008xi32, #tpu.memory_space<hbm>>
      tpu.wait_dma2 semaphore(%run_scoped3A : memref<!tpu.dma_semaphore, #tpu.memory_space<semaphore_mem>>) src(%dma_wait3A_43 : memref<5008xi32, #tpu.memory_space<hbm>>) dst(%arg4 : memref<5008xi32, #tpu.memory_space<vmem>>)
      tpu.yield
    }) : () -> ()
    %broadcast_in_dim3A = arith.constant 0.000000e+00 : f32
    %broadcast_in_dim3A_1 = vector.broadcast %broadcast_in_dim3A : f32 to vector<16xf32>
    %broadcast_in_dim3A_2 = arith.constant 1.000000e+00 : f32
    %broadcast_in_dim3A_3 = vector.broadcast %broadcast_in_dim3A_2 : f32 to vector<16xf32>
    %scan3A = arith.constant 0 : i32
    %scan3A_4 = arith.constant 0 : i32
    %scan3A_5 = arith.constant 640 : i32
    %scan3A_6 = arith.addi %scan3A_4, %scan3A_5 : i32
    %scan3A_7 = arith.constant 1 : i32
    scf.for %scan3A_34 = %scan3A_4 to %scan3A_6 step %scan3A_7  : i32 {
      %mul3A_35 = arith.constant 16 : i32
      %mul3A_36 = arith.muli %scan3A_34, %mul3A_35 : i32
      %swap3A = arith.index_cast %mul3A_36 : i32 to index
      %swap3A_37 = tpu.vector_load %arg5[%swap3A] {strides = array<i32>} : memref<10240xf32, #tpu.memory_space<vmem>>, vector<16xf32>,
      tpu.vector_store %arg5[%swap3A], %broadcast_in_dim3A_1 {strides = array<i32>} : memref<10240xf32, #tpu.memory_space<vmem>>, vector<16xf32>,
    }
    %scan3A_8 = arith.constant 640 : i32
    %scan3A_9 = arith.constant 0 : i32
    %scan3A_10 = arith.constant 0 : i32
    %scan3A_11 = arith.constant 313 : i32
    %scan3A_12 = arith.addi %scan3A_10, %scan3A_11 : i32
    %scan3A_13 = arith.constant 1 : i32
    scf.for %scan3A_34 = %scan3A_10 to %scan3A_12 step %scan3A_13  : i32 {
      %mul3A_35 = arith.constant 16 : i32
      %mul3A_36 = arith.muli %scan3A_34, %mul3A_35 : i32
      %get3A = arith.index_cast %mul3A_36 : i32 to index
      %get3A_37 = tpu.vector_load %arg4[%get3A] {strides = array<i32>} : memref<5008xi32, #tpu.memory_space<vmem>>, vector<16xi32>,
      tpu.vector_store_idx %arg5[%get3A_37], %broadcast_in_dim3A_3 {add = true} : memref<10240xf32, #tpu.memory_space<vmem>>[vector<16xi32>], vector<16xf32>,
    }
    %scan3A_14 = arith.constant 313 : i32
    %mul3A_15 = arith.constant 10240 : i32
    %mul3A_16 = arith.muli %arg1, %mul3A_15 : i32
    "tpu.region"() ({
      %run_scoped3A = tpu.sem_alloc : memref<!tpu.dma_semaphore, #tpu.memory_space<semaphore_mem>>
      %dma_start3A = tpu.memref_slice %arg8[%mul3A_16] : memref<163840xf32, #tpu.memory_space<vmem_shared>> -> memref<10240xf32, #tpu.memory_space<vmem_shared>>
      %dma_start3A_34 = tpu.memref_slice %arg8[%mul3A_16] : memref<163840xf32, #tpu.memory_space<vmem_shared>> -> memref<10240xf32, #tpu.memory_space<vmem_shared>>
      tpu.enqueue_dma source(%arg5 : memref<10240xf32, #tpu.memory_space<vmem>>) target(%dma_start3A_34 : memref<10240xf32, #tpu.memory_space<vmem_shared>>) target_semaphore(%run_scoped3A : memref<!tpu.dma_semaphore, #tpu.memory_space<semaphore_mem>>)
      %dma_wait3A = tpu.memref_slice %arg8[%mul3A_16] : memref<163840xf32, #tpu.memory_space<vmem_shared>> -> memref<10240xf32, #tpu.memory_space<vmem_shared>>
      %dma_wait3A_35 = tpu.memref_slice %arg8[%mul3A_16] : memref<163840xf32, #tpu.memory_space<vmem_shared>> -> memref<10240xf32, #tpu.memory_space<vmem_shared>>
      tpu.wait_dma2 semaphore(%run_scoped3A : memref<!tpu.dma_semaphore, #tpu.memory_space<semaphore_mem>>) src(%arg5 : memref<10240xf32, #tpu.memory_space<vmem>>) dst(%dma_wait3A_35 : memref<10240xf32, #tpu.memory_space<vmem_shared>>)
      tpu.yield
    }) : () -> ()
    %barrier3A = arith.constant 0 : index
    tpu.barrier barrier_id(%barrier3A)
    %scan3A_17 = arith.constant 0 : i32
    %scan3A_18 = arith.constant 0 : i32
    %scan3A_19 = arith.constant 40 : i32
    %scan3A_20 = arith.addi %scan3A_18, %scan3A_19 : i32
    %scan3A_21 = arith.constant 1 : i32
    scf.for %scan3A_34 = %scan3A_18 to %scan3A_20 step %scan3A_21  : i32 {
      %mul3A_35 = arith.constant 16 : i32
      %mul3A_36 = arith.muli %scan3A_34, %mul3A_35 : i32
      %swap3A = arith.index_cast %mul3A_36 : i32 to index
      %swap3A_37 = tpu.vector_load %arg6[%swap3A] {strides = array<i32>} : memref<640xf32, #tpu.memory_space<vmem>>, vector<16xf32>,
      tpu.vector_store %arg6[%swap3A], %broadcast_in_dim3A_1 {strides = array<i32>} : memref<640xf32, #tpu.memory_space<vmem>>, vector<16xf32>,
    }
    %scan3A_22 = arith.constant 40 : i32
    %scan3A_23 = arith.constant 0 : i32
    %scan3A_24 = arith.constant 0 : i32
    %scan3A_25 = arith.constant 16 : i32
    %scan3A_26 = arith.addi %scan3A_24, %scan3A_25 : i32
    %scan3A_27 = arith.constant 1 : i32
    scf.for %scan3A_34 = %scan3A_24 to %scan3A_26 step %scan3A_27  : i32 {
      %mul3A_35 = arith.constant 10240 : i32
      %mul3A_36 = arith.muli %scan3A_34, %mul3A_35 : i32
      %mul3A_37 = arith.constant 640 : i32
      %mul3A_38 = arith.muli %arg1, %mul3A_37 : i32
      %add3A_39 = arith.addi %mul3A_36, %mul3A_38 : i32
      "tpu.region"() ({
        %run_scoped3A = tpu.sem_alloc : memref<!tpu.dma_semaphore, #tpu.memory_space<semaphore_mem>>
        %dma_start3A = tpu.memref_slice %arg8[%add3A_39] : memref<163840xf32, #tpu.memory_space<vmem_shared>> -> memref<640xf32, #tpu.memory_space<vmem_shared>>
        %dma_start3A_45 = tpu.memref_slice %arg8[%add3A_39] : memref<163840xf32, #tpu.memory_space<vmem_shared>> -> memref<640xf32, #tpu.memory_space<vmem_shared>>
        tpu.enqueue_dma source(%dma_start3A_45 : memref<640xf32, #tpu.memory_space<vmem_shared>>) target(%arg7 : memref<640xf32, #tpu.memory_space<vmem>>) target_semaphore(%run_scoped3A : memref<!tpu.dma_semaphore, #tpu.memory_space<semaphore_mem>>)
        %dma_wait3A = tpu.memref_slice %arg8[%add3A_39] : memref<163840xf32, #tpu.memory_space<vmem_shared>> -> memref<640xf32, #tpu.memory_space<vmem_shared>>
        %dma_wait3A_46 = tpu.memref_slice %arg8[%add3A_39] : memref<163840xf32, #tpu.memory_space<vmem_shared>> -> memref<640xf32, #tpu.memory_space<vmem_shared>>
        tpu.wait_dma2 semaphore(%run_scoped3A : memref<!tpu.dma_semaphore, #tpu.memory_space<semaphore_mem>>) src(%dma_wait3A_46 : memref<640xf32, #tpu.memory_space<vmem_shared>>) dst(%arg7 : memref<640xf32, #tpu.memory_space<vmem>>)
        tpu.yield
      }) : () -> ()
      %scan3A_40 = arith.constant 0 : i32
      %scan3A_41 = arith.constant 40 : i32
      %scan3A_42 = arith.addi %scan3A_40, %scan3A_41 : i32
      %scan3A_43 = arith.constant 1 : i32
      scf.for %scan3A_45 = %scan3A_40 to %scan3A_42 step %scan3A_43  : i32 {
        %mul3A_46 = arith.constant 16 : i32
        %mul3A_47 = arith.muli %scan3A_45, %mul3A_46 : i32
        %get3A = arith.index_cast %mul3A_47 : i32 to index
        %get3A_48 = tpu.vector_load %arg6[%get3A] {strides = array<i32>} : memref<640xf32, #tpu.memory_space<vmem>>, vector<16xf32>,
        %mul3A_49 = arith.constant 16 : i32
        %mul3A_50 = arith.muli %scan3A_45, %mul3A_49 : i32
        %get3A_51 = arith.index_cast %mul3A_50 : i32 to index
        %get3A_52 = tpu.vector_load %arg7[%get3A_51] {strides = array<i32>} : memref<640xf32, #tpu.memory_space<vmem>>, vector<16xf32>,
        %add3A_53 = arith.addf %get3A_48, %get3A_52 : vector<16xf32>
        %swap3A = arith.index_cast %mul3A_47 : i32 to index
        %swap3A_54 = tpu.vector_load %arg6[%swap3A] {strides = array<i32>} : memref<640xf32, #tpu.memory_space<vmem>>, vector<16xf32>,
        tpu.vector_store %arg6[%swap3A], %add3A_53 {strides = array<i32>} : memref<640xf32, #tpu.memory_space<vmem>>, vector<16xf32>,
      }
      %scan3A_44 = arith.constant 40 : i32
    }
    %scan3A_28 = arith.constant 16 : i32
    %mul3A_29 = arith.constant 10240 : i32
    %mul3A_30 = arith.muli %arg0, %mul3A_29 : i32
    %mul3A_31 = arith.constant 640 : i32
    %mul3A_32 = arith.muli %arg1, %mul3A_31 : i32
    %add3A_33 = arith.addi %mul3A_30, %mul3A_32 : i32
    "tpu.region"() ({
      %run_scoped3A = tpu.sem_alloc : memref<!tpu.dma_semaphore, #tpu.memory_space<semaphore_mem>>
      %dma_start3A = tpu.memref_slice %arg3[%add3A_33] : memref<20480xf32, #tpu.memory_space<hbm>> -> memref<640xf32, #tpu.memory_space<hbm>>
      %dma_start3A_34 = tpu.memref_slice %arg3[%add3A_33] : memref<20480xf32, #tpu.memory_space<hbm>> -> memref<640xf32, #tpu.memory_space<hbm>>
      tpu.enqueue_dma source(%arg6 : memref<640xf32, #tpu.memory_space<vmem>>) target(%dma_start3A_34 : memref<640xf32, #tpu.memory_space<hbm>>) target_semaphore(%run_scoped3A : memref<!tpu.dma_semaphore, #tpu.memory_space<semaphore_mem>>)
      %dma_wait3A = tpu.memref_slice %arg3[%add3A_33] : memref<20480xf32, #tpu.memory_space<hbm>> -> memref<640xf32, #tpu.memory_space<hbm>>
      %dma_wait3A_35 = tpu.memref_slice %arg3[%add3A_33] : memref<20480xf32, #tpu.memory_space<hbm>> -> memref<640xf32, #tpu.memory_space<hbm>>
      tpu.wait_dma2 semaphore(%run_scoped3A : memref<!tpu.dma_semaphore, #tpu.memory_space<semaphore_mem>>) src(%arg6 : memref<640xf32, #tpu.memory_space<vmem>>) dst(%dma_wait3A_35 : memref<640xf32, #tpu.memory_space<hbm>>)
      tpu.yield
    }) : () -> ()
    return
  }
}

#map = affine_map<(d0, d1) -> (0, 0, 0)>
module attributes {stable_mosaic.version = 14 : i64} {
  func.func @_scat_body(%arg0: i32, %arg1: i32, %arg2: memref<4x10000x64xf32, #tpu.memory_space<hbm>>, %arg3: memref<16x80x125xi32, #tpu.memory_space<hbm>>, %arg4: memref<16x80x125xi32, #tpu.memory_space<hbm>>, %arg5: memref<4x10000x64xf32, #tpu.memory_space<hbm>>, %arg6: memref<80x125xi32, #tpu.memory_space<vmem>>, %arg7: memref<80x125xi32, #tpu.memory_space<vmem>>, %arg8: memref<2x125x64xf32, #tpu.memory_space<vmem>>, %arg9: memref<80x64xf32, #tpu.memory_space<vmem>>, %arg10: memref<320x64xf32, #tpu.memory_space<vmem>>, %arg11: memref<10240x64xf32, #tpu.memory_space<vmem_shared>>, %arg12: memref<!tpu.dma_semaphore, #tpu.memory_space<semaphore_mem>>, %arg13: memref<!tpu.dma_semaphore, #tpu.memory_space<semaphore_mem>>) attributes {dimension_semantics = [#tpu.dimension_semantics<core_parallel>, #tpu.dimension_semantics<subcore_parallel>], iteration_bounds = array<i64: 2, 16>, scalar_prefetch = 0 : i64, scratch_operands = 8 : i64, tpu.core_type = #tpu.core_type<sc_vector_subcore>, window_params = [{transform_indices = #map}, {transform_indices = #map}, {transform_indices = #map}, {transform_indices = #map}]} {
    "tpu.region"() ({
      %run_scoped3A = tpu.sem_alloc : memref<!tpu.dma_semaphore, #tpu.memory_space<semaphore_mem>>
      %dma_start3A_98 = arith.constant 0 : i32
      %dma_start3A_99 = arith.constant 0 : i32
      %dma_start3A_100 = tpu.memref_slice %arg3[%arg1, %dma_start3A_98, %dma_start3A_99] : memref<16x80x125xi32, #tpu.memory_space<hbm>> -> memref<1x80x125xi32, #tpu.memory_space<hbm>>
      %dma_start3A_101 = tpu.memref_squeeze %dma_start3A_100 : memref<1x80x125xi32, #tpu.memory_space<hbm>> -> memref<80x125xi32, #tpu.memory_space<hbm>>
      %dma_start3A_102 = arith.constant 0 : i32
      %dma_start3A_103 = arith.constant 0 : i32
      %dma_start3A_104 = tpu.memref_slice %arg3[%arg1, %dma_start3A_102, %dma_start3A_103] : memref<16x80x125xi32, #tpu.memory_space<hbm>> -> memref<1x80x125xi32, #tpu.memory_space<hbm>>
      %dma_start3A_105 = tpu.memref_squeeze %dma_start3A_104 : memref<1x80x125xi32, #tpu.memory_space<hbm>> -> memref<80x125xi32, #tpu.memory_space<hbm>>
      tpu.enqueue_dma source(%dma_start3A_105 : memref<80x125xi32, #tpu.memory_space<hbm>>) target(%arg6 : memref<80x125xi32, #tpu.memory_space<vmem>>) target_semaphore(%run_scoped3A : memref<!tpu.dma_semaphore, #tpu.memory_space<semaphore_mem>>)
      %dma_wait3A = arith.constant 0 : i32
      %dma_wait3A_106 = arith.constant 0 : i32
      %dma_wait3A_107 = tpu.memref_slice %arg3[%arg1, %dma_wait3A, %dma_wait3A_106] : memref<16x80x125xi32, #tpu.memory_space<hbm>> -> memref<1x80x125xi32, #tpu.memory_space<hbm>>
      %dma_wait3A_108 = tpu.memref_squeeze %dma_wait3A_107 : memref<1x80x125xi32, #tpu.memory_space<hbm>> -> memref<80x125xi32, #tpu.memory_space<hbm>>
      %dma_wait3A_109 = arith.constant 0 : i32
      %dma_wait3A_110 = arith.constant 0 : i32
      %dma_wait3A_111 = tpu.memref_slice %arg3[%arg1, %dma_wait3A_109, %dma_wait3A_110] : memref<16x80x125xi32, #tpu.memory_space<hbm>> -> memref<1x80x125xi32, #tpu.memory_space<hbm>>
      %dma_wait3A_112 = tpu.memref_squeeze %dma_wait3A_111 : memref<1x80x125xi32, #tpu.memory_space<hbm>> -> memref<80x125xi32, #tpu.memory_space<hbm>>
      tpu.wait_dma2 semaphore(%run_scoped3A : memref<!tpu.dma_semaphore, #tpu.memory_space<semaphore_mem>>) src(%dma_wait3A_112 : memref<80x125xi32, #tpu.memory_space<hbm>>) dst(%arg6 : memref<80x125xi32, #tpu.memory_space<vmem>>)
      tpu.yield
    }) : () -> ()
    "tpu.region"() ({
      %run_scoped3A = tpu.sem_alloc : memref<!tpu.dma_semaphore, #tpu.memory_space<semaphore_mem>>
      %dma_start3A_98 = arith.constant 0 : i32
      %dma_start3A_99 = arith.constant 0 : i32
      %dma_start3A_100 = tpu.memref_slice %arg4[%arg1, %dma_start3A_98, %dma_start3A_99] : memref<16x80x125xi32, #tpu.memory_space<hbm>> -> memref<1x80x125xi32, #tpu.memory_space<hbm>>
      %dma_start3A_101 = tpu.memref_squeeze %dma_start3A_100 : memref<1x80x125xi32, #tpu.memory_space<hbm>> -> memref<80x125xi32, #tpu.memory_space<hbm>>
      %dma_start3A_102 = arith.constant 0 : i32
      %dma_start3A_103 = arith.constant 0 : i32
      %dma_start3A_104 = tpu.memref_slice %arg4[%arg1, %dma_start3A_102, %dma_start3A_103] : memref<16x80x125xi32, #tpu.memory_space<hbm>> -> memref<1x80x125xi32, #tpu.memory_space<hbm>>
      %dma_start3A_105 = tpu.memref_squeeze %dma_start3A_104 : memref<1x80x125xi32, #tpu.memory_space<hbm>> -> memref<80x125xi32, #tpu.memory_space<hbm>>
      tpu.enqueue_dma source(%dma_start3A_105 : memref<80x125xi32, #tpu.memory_space<hbm>>) target(%arg7 : memref<80x125xi32, #tpu.memory_space<vmem>>) target_semaphore(%run_scoped3A : memref<!tpu.dma_semaphore, #tpu.memory_space<semaphore_mem>>)
      %dma_wait3A = arith.constant 0 : i32
      %dma_wait3A_106 = arith.constant 0 : i32
      %dma_wait3A_107 = tpu.memref_slice %arg4[%arg1, %dma_wait3A, %dma_wait3A_106] : memref<16x80x125xi32, #tpu.memory_space<hbm>> -> memref<1x80x125xi32, #tpu.memory_space<hbm>>
      %dma_wait3A_108 = tpu.memref_squeeze %dma_wait3A_107 : memref<1x80x125xi32, #tpu.memory_space<hbm>> -> memref<80x125xi32, #tpu.memory_space<hbm>>
      %dma_wait3A_109 = arith.constant 0 : i32
      %dma_wait3A_110 = arith.constant 0 : i32
      %dma_wait3A_111 = tpu.memref_slice %arg4[%arg1, %dma_wait3A_109, %dma_wait3A_110] : memref<16x80x125xi32, #tpu.memory_space<hbm>> -> memref<1x80x125xi32, #tpu.memory_space<hbm>>
      %dma_wait3A_112 = tpu.memref_squeeze %dma_wait3A_111 : memref<1x80x125xi32, #tpu.memory_space<hbm>> -> memref<80x125xi32, #tpu.memory_space<hbm>>
      tpu.wait_dma2 semaphore(%run_scoped3A : memref<!tpu.dma_semaphore, #tpu.memory_space<semaphore_mem>>) src(%dma_wait3A_112 : memref<80x125xi32, #tpu.memory_space<hbm>>) dst(%arg7 : memref<80x125xi32, #tpu.memory_space<vmem>>)
      tpu.yield
    }) : () -> ()
    %broadcast_in_dim3A = arith.constant 0.000000e+00 : f32
    %broadcast_in_dim3A_0 = vector.broadcast %broadcast_in_dim3A : f32 to vector<16xf32>
    %scan3A = arith.constant 0 : i32
    %scan3A_1 = arith.constant 0 : i32
    %scan3A_2 = arith.constant 80 : i32
    %scan3A_3 = arith.addi %scan3A_1, %scan3A_2 : i32
    %scan3A_4 = arith.constant 1 : i32
    scf.for %scan3A_98 = %scan3A_1 to %scan3A_3 step %scan3A_4  : i32 {
      %scan3A_99 = arith.constant 0 : i32
      %scan3A_100 = arith.constant 4 : i32
      %scan3A_101 = arith.addi %scan3A_99, %scan3A_100 : i32
      %scan3A_102 = arith.constant 1 : i32
      scf.for %scan3A_104 = %scan3A_99 to %scan3A_101 step %scan3A_102  : i32 {
        %mul3A_105 = arith.constant 16 : i32
        %mul3A_106 = arith.muli %scan3A_104, %mul3A_105 : i32
        %swap3A = arith.index_cast %scan3A_98 : i32 to index
        %swap3A_107 = arith.index_cast %mul3A_106 : i32 to index
        %swap3A_108 = tpu.vector_load %arg9[%swap3A, %swap3A_107] {strides = array<i32>} : memref<80x64xf32, #tpu.memory_space<vmem>>, vector<16xf32>,
        tpu.vector_store %arg9[%swap3A, %swap3A_107], %broadcast_in_dim3A_0 {strides = array<i32>} : memref<80x64xf32, #tpu.memory_space<vmem>>, vector<16xf32>,
      }
      %scan3A_103 = arith.constant 4 : i32
    }
    %scan3A_5 = arith.constant 80 : i32
    %mul3A = arith.constant 2 : i32
    %mul3A_6 = arith.muli %mul3A, %arg0 : i32
    %add3A = arith.constant 0 : i32
    %add3A_7 = arith.addi %mul3A_6, %add3A : i32
    %mul3A_8 = arith.constant 640 : i32
    %mul3A_9 = arith.muli %arg1, %mul3A_8 : i32
    %lt3A = arith.constant 15 : i32
    %lt3A_10 = arith.cmpi slt, %arg1, %lt3A : i32
    %convert_element_type3A = arith.extui %lt3A_10 : i1 to i32
    %cond3A = arith.constant 0 : i32
    %cond3A_11 = arith.cmpi ne, %convert_element_type3A, %cond3A : i32
    scf.if %cond3A_11 {
      %add3A_98 = arith.constant 0 : i32
      %add3A_99 = arith.addi %mul3A_9, %add3A_98 : i32
      "tpu.region"() ({
        %run_scoped3A = tpu.sem_alloc : memref<!tpu.dma_semaphore, #tpu.memory_space<semaphore_mem>>
        %dma_start3A_106 = arith.constant 0 : i32
        %dma_start3A_107 = arith.constant 0 : i32
        %dma_start3A_108 = tpu.memref_slice %arg2[%add3A_7, %dma_start3A_106, %dma_start3A_107] : memref<4x10000x64xf32, #tpu.memory_space<hbm>> -> memref<1x10000x64xf32, #tpu.memory_space<hbm>>
        %dma_start3A_109 = tpu.memref_squeeze %dma_start3A_108 : memref<1x10000x64xf32, #tpu.memory_space<hbm>> -> memref<10000x64xf32, #tpu.memory_space<hbm>>
        %dma_start3A_110 = arith.constant 0 : i32
        %dma_start3A_111 = tpu.memref_slice %dma_start3A_109[%add3A_99, %dma_start3A_110] : memref<10000x64xf32, #tpu.memory_space<hbm>> -> memref<320x64xf32, #tpu.memory_space<hbm>>
        %dma_start3A_112 = arith.constant 0 : i32
        %dma_start3A_113 = arith.constant 0 : i32
        %dma_start3A_114 = tpu.memref_slice %arg2[%add3A_7, %dma_start3A_112, %dma_start3A_113] : memref<4x10000x64xf32, #tpu.memory_space<hbm>> -> memref<1x10000x64xf32, #tpu.memory_space<hbm>>
        %dma_start3A_115 = tpu.memref_squeeze %dma_start3A_114 : memref<1x10000x64xf32, #tpu.memory_space<hbm>> -> memref<10000x64xf32, #tpu.memory_space<hbm>>
        %dma_start3A_116 = arith.constant 0 : i32
        %dma_start3A_117 = tpu.memref_slice %dma_start3A_115[%add3A_99, %dma_start3A_116] : memref<10000x64xf32, #tpu.memory_space<hbm>> -> memref<320x64xf32, #tpu.memory_space<hbm>>
        tpu.enqueue_dma source(%dma_start3A_117 : memref<320x64xf32, #tpu.memory_space<hbm>>) target(%arg10 : memref<320x64xf32, #tpu.memory_space<vmem>>) target_semaphore(%run_scoped3A : memref<!tpu.dma_semaphore, #tpu.memory_space<semaphore_mem>>)
        %dma_wait3A = arith.constant 0 : i32
        %dma_wait3A_118 = arith.constant 0 : i32
        %dma_wait3A_119 = tpu.memref_slice %arg2[%add3A_7, %dma_wait3A, %dma_wait3A_118] : memref<4x10000x64xf32, #tpu.memory_space<hbm>> -> memref<1x10000x64xf32, #tpu.memory_space<hbm>>
        %dma_wait3A_120 = tpu.memref_squeeze %dma_wait3A_119 : memref<1x10000x64xf32, #tpu.memory_space<hbm>> -> memref<10000x64xf32, #tpu.memory_space<hbm>>
        %dma_wait3A_121 = arith.constant 0 : i32
        %dma_wait3A_122 = tpu.memref_slice %dma_wait3A_120[%add3A_99, %dma_wait3A_121] : memref<10000x64xf32, #tpu.memory_space<hbm>> -> memref<320x64xf32, #tpu.memory_space<hbm>>
        %dma_wait3A_123 = arith.constant 0 : i32
        %dma_wait3A_124 = arith.constant 0 : i32
        %dma_wait3A_125 = tpu.memref_slice %arg2[%add3A_7, %dma_wait3A_123, %dma_wait3A_124] : memref<4x10000x64xf32, #tpu.memory_space<hbm>> -> memref<1x10000x64xf32, #tpu.memory_space<hbm>>
        %dma_wait3A_126 = tpu.memref_squeeze %dma_wait3A_125 : memref<1x10000x64xf32, #tpu.memory_space<hbm>> -> memref<10000x64xf32, #tpu.memory_space<hbm>>
        %dma_wait3A_127 = arith.constant 0 : i32
        %dma_wait3A_128 = tpu.memref_slice %dma_wait3A_126[%add3A_99, %dma_wait3A_127] : memref<10000x64xf32, #tpu.memory_space<hbm>> -> memref<320x64xf32, #tpu.memory_space<hbm>>
        tpu.wait_dma2 semaphore(%run_scoped3A : memref<!tpu.dma_semaphore, #tpu.memory_space<semaphore_mem>>) src(%dma_wait3A_128 : memref<320x64xf32, #tpu.memory_space<hbm>>) dst(%arg10 : memref<320x64xf32, #tpu.memory_space<vmem>>)
        tpu.yield
      }) : () -> ()
      %add3A_100 = arith.constant 0 : i32
      %add3A_101 = arith.addi %mul3A_9, %add3A_100 : i32
      "tpu.region"() ({
        %run_scoped3A = tpu.sem_alloc : memref<!tpu.dma_semaphore, #tpu.memory_space<semaphore_mem>>
        %dma_start3A_106 = arith.constant 0 : i32
        %dma_start3A_107 = tpu.memref_slice %arg11[%add3A_101, %dma_start3A_106] : memref<10240x64xf32, #tpu.memory_space<vmem_shared>> -> memref<320x64xf32, #tpu.memory_space<vmem_shared>>
        %dma_start3A_108 = arith.constant 0 : i32
        %dma_start3A_109 = tpu.memref_slice %arg11[%add3A_101, %dma_start3A_108] : memref<10240x64xf32, #tpu.memory_space<vmem_shared>> -> memref<320x64xf32, #tpu.memory_space<vmem_shared>>
        tpu.enqueue_dma source(%arg10 : memref<320x64xf32, #tpu.memory_space<vmem>>) target(%dma_start3A_109 : memref<320x64xf32, #tpu.memory_space<vmem_shared>>) target_semaphore(%run_scoped3A : memref<!tpu.dma_semaphore, #tpu.memory_space<semaphore_mem>>)
        %dma_wait3A = arith.constant 0 : i32
        %dma_wait3A_110 = tpu.memref_slice %arg11[%add3A_101, %dma_wait3A] : memref<10240x64xf32, #tpu.memory_space<vmem_shared>> -> memref<320x64xf32, #tpu.memory_space<vmem_shared>>
        %dma_wait3A_111 = arith.constant 0 : i32
        %dma_wait3A_112 = tpu.memref_slice %arg11[%add3A_101, %dma_wait3A_111] : memref<10240x64xf32, #tpu.memory_space<vmem_shared>> -> memref<320x64xf32, #tpu.memory_space<vmem_shared>>
        tpu.wait_dma2 semaphore(%run_scoped3A : memref<!tpu.dma_semaphore, #tpu.memory_space<semaphore_mem>>) src(%arg10 : memref<320x64xf32, #tpu.memory_space<vmem>>) dst(%dma_wait3A_112 : memref<320x64xf32, #tpu.memory_space<vmem_shared>>)
        tpu.yield
      }) : () -> ()
      %add3A_102 = arith.constant 320 : i32
      %add3A_103 = arith.addi %mul3A_9, %add3A_102 : i32
      "tpu.region"() ({
        %run_scoped3A = tpu.sem_alloc : memref<!tpu.dma_semaphore, #tpu.memory_space<semaphore_mem>>
        %dma_start3A_106 = arith.constant 0 : i32
        %dma_start3A_107 = arith.constant 0 : i32
        %dma_start3A_108 = tpu.memref_slice %arg2[%add3A_7, %dma_start3A_106, %dma_start3A_107] : memref<4x10000x64xf32, #tpu.memory_space<hbm>> -> memref<1x10000x64xf32, #tpu.memory_space<hbm>>
        %dma_start3A_109 = tpu.memref_squeeze %dma_start3A_108 : memref<1x10000x64xf32, #tpu.memory_space<hbm>> -> memref<10000x64xf32, #tpu.memory_space<hbm>>
        %dma_start3A_110 = arith.constant 0 : i32
        %dma_start3A_111 = tpu.memref_slice %dma_start3A_109[%add3A_103, %dma_start3A_110] : memref<10000x64xf32, #tpu.memory_space<hbm>> -> memref<320x64xf32, #tpu.memory_space<hbm>>
        %dma_start3A_112 = arith.constant 0 : i32
        %dma_start3A_113 = arith.constant 0 : i32
        %dma_start3A_114 = tpu.memref_slice %arg2[%add3A_7, %dma_start3A_112, %dma_start3A_113] : memref<4x10000x64xf32, #tpu.memory_space<hbm>> -> memref<1x10000x64xf32, #tpu.memory_space<hbm>>
        %dma_start3A_115 = tpu.memref_squeeze %dma_start3A_114 : memref<1x10000x64xf32, #tpu.memory_space<hbm>> -> memref<10000x64xf32, #tpu.memory_space<hbm>>
        %dma_start3A_116 = arith.constant 0 : i32
        %dma_start3A_117 = tpu.memref_slice %dma_start3A_115[%add3A_103, %dma_start3A_116] : memref<10000x64xf32, #tpu.memory_space<hbm>> -> memref<320x64xf32, #tpu.memory_space<hbm>>
        tpu.enqueue_dma source(%dma_start3A_117 : memref<320x64xf32, #tpu.memory_space<hbm>>) target(%arg10 : memref<320x64xf32, #tpu.memory_space<vmem>>) target_semaphore(%run_scoped3A : memref<!tpu.dma_semaphore, #tpu.memory_space<semaphore_mem>>)
        %dma_wait3A = arith.constant 0 : i32
        %dma_wait3A_118 = arith.constant 0 : i32
        %dma_wait3A_119 = tpu.memref_slice %arg2[%add3A_7, %dma_wait3A, %dma_wait3A_118] : memref<4x10000x64xf32, #tpu.memory_space<hbm>> -> memref<1x10000x64xf32, #tpu.memory_space<hbm>>
        %dma_wait3A_120 = tpu.memref_squeeze %dma_wait3A_119 : memref<1x10000x64xf32, #tpu.memory_space<hbm>> -> memref<10000x64xf32, #tpu.memory_space<hbm>>
        %dma_wait3A_121 = arith.constant 0 : i32
        %dma_wait3A_122 = tpu.memref_slice %dma_wait3A_120[%add3A_103, %dma_wait3A_121] : memref<10000x64xf32, #tpu.memory_space<hbm>> -> memref<320x64xf32, #tpu.memory_space<hbm>>
        %dma_wait3A_123 = arith.constant 0 : i32
        %dma_wait3A_124 = arith.constant 0 : i32
        %dma_wait3A_125 = tpu.memref_slice %arg2[%add3A_7, %dma_wait3A_123, %dma_wait3A_124] : memref<4x10000x64xf32, #tpu.memory_space<hbm>> -> memref<1x10000x64xf32, #tpu.memory_space<hbm>>
        %dma_wait3A_126 = tpu.memref_squeeze %dma_wait3A_125 : memref<1x10000x64xf32, #tpu.memory_space<hbm>> -> memref<10000x64xf32, #tpu.memory_space<hbm>>
        %dma_wait3A_127 = arith.constant 0 : i32
        %dma_wait3A_128 = tpu.memref_slice %dma_wait3A_126[%add3A_103, %dma_wait3A_127] : memref<10000x64xf32, #tpu.memory_space<hbm>> -> memref<320x64xf32, #tpu.memory_space<hbm>>
        tpu.wait_dma2 semaphore(%run_scoped3A : memref<!tpu.dma_semaphore, #tpu.memory_space<semaphore_mem>>) src(%dma_wait3A_128 : memref<320x64xf32, #tpu.memory_space<hbm>>) dst(%arg10 : memref<320x64xf32, #tpu.memory_space<vmem>>)
        tpu.yield
      }) : () -> ()
      %add3A_104 = arith.constant 320 : i32
      %add3A_105 = arith.addi %mul3A_9, %add3A_104 : i32
      "tpu.region"() ({
        %run_scoped3A = tpu.sem_alloc : memref<!tpu.dma_semaphore, #tpu.memory_space<semaphore_mem>>
        %dma_start3A_106 = arith.constant 0 : i32
        %dma_start3A_107 = tpu.memref_slice %arg11[%add3A_105, %dma_start3A_106] : memref<10240x64xf32, #tpu.memory_space<vmem_shared>> -> memref<320x64xf32, #tpu.memory_space<vmem_shared>>
        %dma_start3A_108 = arith.constant 0 : i32
        %dma_start3A_109 = tpu.memref_slice %arg11[%add3A_105, %dma_start3A_108] : memref<10240x64xf32, #tpu.memory_space<vmem_shared>> -> memref<320x64xf32, #tpu.memory_space<vmem_shared>>
        tpu.enqueue_dma source(%arg10 : memref<320x64xf32, #tpu.memory_space<vmem>>) target(%dma_start3A_109 : memref<320x64xf32, #tpu.memory_space<vmem_shared>>) target_semaphore(%run_scoped3A : memref<!tpu.dma_semaphore, #tpu.memory_space<semaphore_mem>>)
        %dma_wait3A = arith.constant 0 : i32
        %dma_wait3A_110 = tpu.memref_slice %arg11[%add3A_105, %dma_wait3A] : memref<10240x64xf32, #tpu.memory_space<vmem_shared>> -> memref<320x64xf32, #tpu.memory_space<vmem_shared>>
        %dma_wait3A_111 = arith.constant 0 : i32
        %dma_wait3A_112 = tpu.memref_slice %arg11[%add3A_105, %dma_wait3A_111] : memref<10240x64xf32, #tpu.memory_space<vmem_shared>> -> memref<320x64xf32, #tpu.memory_space<vmem_shared>>
        tpu.wait_dma2 semaphore(%run_scoped3A : memref<!tpu.dma_semaphore, #tpu.memory_space<semaphore_mem>>) src(%arg10 : memref<320x64xf32, #tpu.memory_space<vmem>>) dst(%dma_wait3A_112 : memref<320x64xf32, #tpu.memory_space<vmem_shared>>)
        tpu.yield
      }) : () -> ()
    } else {
    }
    %eq3A = arith.constant 15 : i32
    %eq3A_12 = arith.cmpi eq, %arg1, %eq3A : i32
    %convert_element_type3A_13 = arith.extui %eq3A_12 : i1 to i32
    %cond3A_14 = arith.constant 0 : i32
    %cond3A_15 = arith.cmpi ne, %convert_element_type3A_13, %cond3A_14 : i32
    scf.if %cond3A_15 {
      "tpu.region"() ({
        %run_scoped3A = tpu.sem_alloc : memref<!tpu.dma_semaphore, #tpu.memory_space<semaphore_mem>>
        %dma_start3A_108 = arith.constant 0 : i32
        %dma_start3A_109 = arith.constant 0 : i32
        %dma_start3A_110 = tpu.memref_slice %arg2[%add3A_7, %dma_start3A_108, %dma_start3A_109] : memref<4x10000x64xf32, #tpu.memory_space<hbm>> -> memref<1x10000x64xf32, #tpu.memory_space<hbm>>
        %dma_start3A_111 = tpu.memref_squeeze %dma_start3A_110 : memref<1x10000x64xf32, #tpu.memory_space<hbm>> -> memref<10000x64xf32, #tpu.memory_space<hbm>>
        %dma_start3A_112 = arith.constant 0 : i32
        %dma_start3A_113 = tpu.memref_slice %dma_start3A_111[%mul3A_9, %dma_start3A_112] : memref<10000x64xf32, #tpu.memory_space<hbm>> -> memref<320x64xf32, #tpu.memory_space<hbm>>
        %dma_start3A_114 = arith.constant 0 : i32
        %dma_start3A_115 = arith.constant 0 : i32
        %dma_start3A_116 = tpu.memref_slice %arg2[%add3A_7, %dma_start3A_114, %dma_start3A_115] : memref<4x10000x64xf32, #tpu.memory_space<hbm>> -> memref<1x10000x64xf32, #tpu.memory_space<hbm>>
        %dma_start3A_117 = tpu.memref_squeeze %dma_start3A_116 : memref<1x10000x64xf32, #tpu.memory_space<hbm>> -> memref<10000x64xf32, #tpu.memory_space<hbm>>
        %dma_start3A_118 = arith.constant 0 : i32
        %dma_start3A_119 = tpu.memref_slice %dma_start3A_117[%mul3A_9, %dma_start3A_118] : memref<10000x64xf32, #tpu.memory_space<hbm>> -> memref<320x64xf32, #tpu.memory_space<hbm>>
        tpu.enqueue_dma source(%dma_start3A_119 : memref<320x64xf32, #tpu.memory_space<hbm>>) target(%arg10 : memref<320x64xf32, #tpu.memory_space<vmem>>) target_semaphore(%run_scoped3A : memref<!tpu.dma_semaphore, #tpu.memory_space<semaphore_mem>>)
        %dma_wait3A = arith.constant 0 : i32
        %dma_wait3A_120 = arith.constant 0 : i32
        %dma_wait3A_121 = tpu.memref_slice %arg2[%add3A_7, %dma_wait3A, %dma_wait3A_120] : memref<4x10000x64xf32, #tpu.memory_space<hbm>> -> memref<1x10000x64xf32, #tpu.memory_space<hbm>>
        %dma_wait3A_122 = tpu.memref_squeeze %dma_wait3A_121 : memref<1x10000x64xf32, #tpu.memory_space<hbm>> -> memref<10000x64xf32, #tpu.memory_space<hbm>>
        %dma_wait3A_123 = arith.constant 0 : i32
        %dma_wait3A_124 = tpu.memref_slice %dma_wait3A_122[%mul3A_9, %dma_wait3A_123] : memref<10000x64xf32, #tpu.memory_space<hbm>> -> memref<320x64xf32, #tpu.memory_space<hbm>>
        %dma_wait3A_125 = arith.constant 0 : i32
        %dma_wait3A_126 = arith.constant 0 : i32
        %dma_wait3A_127 = tpu.memref_slice %arg2[%add3A_7, %dma_wait3A_125, %dma_wait3A_126] : memref<4x10000x64xf32, #tpu.memory_space<hbm>> -> memref<1x10000x64xf32, #tpu.memory_space<hbm>>
        %dma_wait3A_128 = tpu.memref_squeeze %dma_wait3A_127 : memref<1x10000x64xf32, #tpu.memory_space<hbm>> -> memref<10000x64xf32, #tpu.memory_space<hbm>>
        %dma_wait3A_129 = arith.constant 0 : i32
        %dma_wait3A_130 = tpu.memref_slice %dma_wait3A_128[%mul3A_9, %dma_wait3A_129] : memref<10000x64xf32, #tpu.memory_space<hbm>> -> memref<320x64xf32, #tpu.memory_space<hbm>>
        tpu.wait_dma2 semaphore(%run_scoped3A : memref<!tpu.dma_semaphore, #tpu.memory_space<semaphore_mem>>) src(%dma_wait3A_130 : memref<320x64xf32, #tpu.memory_space<hbm>>) dst(%arg10 : memref<320x64xf32, #tpu.memory_space<vmem>>)
        tpu.yield
      }) : () -> ()
      "tpu.region"() ({
        %run_scoped3A = tpu.sem_alloc : memref<!tpu.dma_semaphore, #tpu.memory_space<semaphore_mem>>
        %dma_start3A_108 = arith.constant 0 : i32
        %dma_start3A_109 = tpu.memref_slice %arg11[%mul3A_9, %dma_start3A_108] : memref<10240x64xf32, #tpu.memory_space<vmem_shared>> -> memref<320x64xf32, #tpu.memory_space<vmem_shared>>
        %dma_start3A_110 = arith.constant 0 : i32
        %dma_start3A_111 = tpu.memref_slice %arg11[%mul3A_9, %dma_start3A_110] : memref<10240x64xf32, #tpu.memory_space<vmem_shared>> -> memref<320x64xf32, #tpu.memory_space<vmem_shared>>
        tpu.enqueue_dma source(%arg10 : memref<320x64xf32, #tpu.memory_space<vmem>>) target(%dma_start3A_111 : memref<320x64xf32, #tpu.memory_space<vmem_shared>>) target_semaphore(%run_scoped3A : memref<!tpu.dma_semaphore, #tpu.memory_space<semaphore_mem>>)
        %dma_wait3A = arith.constant 0 : i32
        %dma_wait3A_112 = tpu.memref_slice %arg11[%mul3A_9, %dma_wait3A] : memref<10240x64xf32, #tpu.memory_space<vmem_shared>> -> memref<320x64xf32, #tpu.memory_space<vmem_shared>>
        %dma_wait3A_113 = arith.constant 0 : i32
        %dma_wait3A_114 = tpu.memref_slice %arg11[%mul3A_9, %dma_wait3A_113] : memref<10240x64xf32, #tpu.memory_space<vmem_shared>> -> memref<320x64xf32, #tpu.memory_space<vmem_shared>>
        tpu.wait_dma2 semaphore(%run_scoped3A : memref<!tpu.dma_semaphore, #tpu.memory_space<semaphore_mem>>) src(%arg10 : memref<320x64xf32, #tpu.memory_space<vmem>>) dst(%dma_wait3A_114 : memref<320x64xf32, #tpu.memory_space<vmem_shared>>)
        tpu.yield
      }) : () -> ()
      %add3A_98 = arith.constant 320 : i32
      %add3A_99 = arith.addi %mul3A_9, %add3A_98 : i32
      "tpu.region"() ({
        %run_scoped3A = tpu.sem_alloc : memref<!tpu.dma_semaphore, #tpu.memory_space<semaphore_mem>>
        %dma_start3A_108 = arith.constant 0 : i32
        %dma_start3A_109 = arith.constant 0 : i32
        %dma_start3A_110 = tpu.memref_slice %arg10[%dma_start3A_108, %dma_start3A_109] : memref<320x64xf32, #tpu.memory_space<vmem>> -> memref<80x64xf32, #tpu.memory_space<vmem>>
        %dma_start3A_111 = arith.constant 0 : i32
        %dma_start3A_112 = arith.constant 0 : i32
        %dma_start3A_113 = tpu.memref_slice %arg2[%add3A_7, %dma_start3A_111, %dma_start3A_112] : memref<4x10000x64xf32, #tpu.memory_space<hbm>> -> memref<1x10000x64xf32, #tpu.memory_space<hbm>>
        %dma_start3A_114 = tpu.memref_squeeze %dma_start3A_113 : memref<1x10000x64xf32, #tpu.memory_space<hbm>> -> memref<10000x64xf32, #tpu.memory_space<hbm>>
        %dma_start3A_115 = arith.constant 0 : i32
        %dma_start3A_116 = tpu.memref_slice %dma_start3A_114[%add3A_99, %dma_start3A_115] : memref<10000x64xf32, #tpu.memory_space<hbm>> -> memref<80x64xf32, #tpu.memory_space<hbm>>
        %dma_start3A_117 = arith.constant 0 : i32
        %dma_start3A_118 = arith.constant 0 : i32
        %dma_start3A_119 = tpu.memref_slice %arg10[%dma_start3A_117, %dma_start3A_118] : memref<320x64xf32, #tpu.memory_space<vmem>> -> memref<80x64xf32, #tpu.memory_space<vmem>>
        %dma_start3A_120 = arith.constant 0 : i32
        %dma_start3A_121 = arith.constant 0 : i32
        %dma_start3A_122 = tpu.memref_slice %arg2[%add3A_7, %dma_start3A_120, %dma_start3A_121] : memref<4x10000x64xf32, #tpu.memory_space<hbm>> -> memref<1x10000x64xf32, #tpu.memory_space<hbm>>
        %dma_start3A_123 = tpu.memref_squeeze %dma_start3A_122 : memref<1x10000x64xf32, #tpu.memory_space<hbm>> -> memref<10000x64xf32, #tpu.memory_space<hbm>>
        %dma_start3A_124 = arith.constant 0 : i32
        %dma_start3A_125 = tpu.memref_slice %dma_start3A_123[%add3A_99, %dma_start3A_124] : memref<10000x64xf32, #tpu.memory_space<hbm>> -> memref<80x64xf32, #tpu.memory_space<hbm>>
        tpu.enqueue_dma source(%dma_start3A_125 : memref<80x64xf32, #tpu.memory_space<hbm>>) target(%dma_start3A_119 : memref<80x64xf32, #tpu.memory_space<vmem>>) target_semaphore(%run_scoped3A : memref<!tpu.dma_semaphore, #tpu.memory_space<semaphore_mem>>)
        %dma_wait3A = arith.constant 0 : i32
        %dma_wait3A_126 = arith.constant 0 : i32
        %dma_wait3A_127 = tpu.memref_slice %arg10[%dma_wait3A, %dma_wait3A_126] : memref<320x64xf32, #tpu.memory_space<vmem>> -> memref<80x64xf32, #tpu.memory_space<vmem>>
        %dma_wait3A_128 = arith.constant 0 : i32
        %dma_wait3A_129 = arith.constant 0 : i32
        %dma_wait3A_130 = tpu.memref_slice %arg2[%add3A_7, %dma_wait3A_128, %dma_wait3A_129] : memref<4x10000x64xf32, #tpu.memory_space<hbm>> -> memref<1x10000x64xf32, #tpu.memory_space<hbm>>
        %dma_wait3A_131 = tpu.memref_squeeze %dma_wait3A_130 : memref<1x10000x64xf32, #tpu.memory_space<hbm>> -> memref<10000x64xf32, #tpu.memory_space<hbm>>
        %dma_wait3A_132 = arith.constant 0 : i32
        %dma_wait3A_133 = tpu.memref_slice %dma_wait3A_131[%add3A_99, %dma_wait3A_132] : memref<10000x64xf32, #tpu.memory_space<hbm>> -> memref<80x64xf32, #tpu.memory_space<hbm>>
        %dma_wait3A_134 = arith.constant 0 : i32
        %dma_wait3A_135 = arith.constant 0 : i32
        %dma_wait3A_136 = tpu.memref_slice %arg10[%dma_wait3A_134, %dma_wait3A_135] : memref<320x64xf32, #tpu.memory_space<vmem>> -> memref<80x64xf32, #tpu.memory_space<vmem>>
        %dma_wait3A_137 = arith.constant 0 : i32
        %dma_wait3A_138 = arith.constant 0 : i32
        %dma_wait3A_139 = tpu.memref_slice %arg2[%add3A_7, %dma_wait3A_137, %dma_wait3A_138] : memref<4x10000x64xf32, #tpu.memory_space<hbm>> -> memref<1x10000x64xf32, #tpu.memory_space<hbm>>
        %dma_wait3A_140 = tpu.memref_squeeze %dma_wait3A_139 : memref<1x10000x64xf32, #tpu.memory_space<hbm>> -> memref<10000x64xf32, #tpu.memory_space<hbm>>
        %dma_wait3A_141 = arith.constant 0 : i32
        %dma_wait3A_142 = tpu.memref_slice %dma_wait3A_140[%add3A_99, %dma_wait3A_141] : memref<10000x64xf32, #tpu.memory_space<hbm>> -> memref<80x64xf32, #tpu.memory_space<hbm>>
        tpu.wait_dma2 semaphore(%run_scoped3A : memref<!tpu.dma_semaphore, #tpu.memory_space<semaphore_mem>>) src(%dma_wait3A_142 : memref<80x64xf32, #tpu.memory_space<hbm>>) dst(%dma_wait3A_136 : memref<80x64xf32, #tpu.memory_space<vmem>>)
        tpu.yield
      }) : () -> ()
      %add3A_100 = arith.constant 320 : i32
      %add3A_101 = arith.addi %mul3A_9, %add3A_100 : i32
      "tpu.region"() ({
        %run_scoped3A = tpu.sem_alloc : memref<!tpu.dma_semaphore, #tpu.memory_space<semaphore_mem>>
        %dma_start3A_108 = arith.constant 0 : i32
        %dma_start3A_109 = arith.constant 0 : i32
        %dma_start3A_110 = tpu.memref_slice %arg10[%dma_start3A_108, %dma_start3A_109] : memref<320x64xf32, #tpu.memory_space<vmem>> -> memref<80x64xf32, #tpu.memory_space<vmem>>
        %dma_start3A_111 = arith.constant 0 : i32
        %dma_start3A_112 = tpu.memref_slice %arg11[%add3A_101, %dma_start3A_111] : memref<10240x64xf32, #tpu.memory_space<vmem_shared>> -> memref<80x64xf32, #tpu.memory_space<vmem_shared>>
        %dma_start3A_113 = arith.constant 0 : i32
        %dma_start3A_114 = tpu.memref_slice %arg11[%add3A_101, %dma_start3A_113] : memref<10240x64xf32, #tpu.memory_space<vmem_shared>> -> memref<80x64xf32, #tpu.memory_space<vmem_shared>>
        %dma_start3A_115 = arith.constant 0 : i32
        %dma_start3A_116 = arith.constant 0 : i32
        %dma_start3A_117 = tpu.memref_slice %arg10[%dma_start3A_115, %dma_start3A_116] : memref<320x64xf32, #tpu.memory_space<vmem>> -> memref<80x64xf32, #tpu.memory_space<vmem>>
        tpu.enqueue_dma source(%dma_start3A_117 : memref<80x64xf32, #tpu.memory_space<vmem>>) target(%dma_start3A_114 : memref<80x64xf32, #tpu.memory_space<vmem_shared>>) target_semaphore(%run_scoped3A : memref<!tpu.dma_semaphore, #tpu.memory_space<semaphore_mem>>)
        %dma_wait3A = arith.constant 0 : i32
        %dma_wait3A_118 = arith.constant 0 : i32
        %dma_wait3A_119 = tpu.memref_slice %arg10[%dma_wait3A, %dma_wait3A_118] : memref<320x64xf32, #tpu.memory_space<vmem>> -> memref<80x64xf32, #tpu.memory_space<vmem>>
        %dma_wait3A_120 = arith.constant 0 : i32
        %dma_wait3A_121 = tpu.memref_slice %arg11[%add3A_101, %dma_wait3A_120] : memref<10240x64xf32, #tpu.memory_space<vmem_shared>> -> memref<80x64xf32, #tpu.memory_space<vmem_shared>>
        %dma_wait3A_122 = arith.constant 0 : i32
        %dma_wait3A_123 = tpu.memref_slice %arg11[%add3A_101, %dma_wait3A_122] : memref<10240x64xf32, #tpu.memory_space<vmem_shared>> -> memref<80x64xf32, #tpu.memory_space<vmem_shared>>
        %dma_wait3A_124 = arith.constant 0 : i32
        %dma_wait3A_125 = arith.constant 0 : i32
        %dma_wait3A_126 = tpu.memref_slice %arg10[%dma_wait3A_124, %dma_wait3A_125] : memref<320x64xf32, #tpu.memory_space<vmem>> -> memref<80x64xf32, #tpu.memory_space<vmem>>
        tpu.wait_dma2 semaphore(%run_scoped3A : memref<!tpu.dma_semaphore, #tpu.memory_space<semaphore_mem>>) src(%dma_wait3A_126 : memref<80x64xf32, #tpu.memory_space<vmem>>) dst(%dma_wait3A_123 : memref<80x64xf32, #tpu.memory_space<vmem_shared>>)
        tpu.yield
      }) : () -> ()
      %scan3A_102 = arith.constant 0 : i32
      %scan3A_103 = arith.constant 0 : i32
      %scan3A_104 = arith.constant 3 : i32
      %scan3A_105 = arith.addi %scan3A_103, %scan3A_104 : i32
      %scan3A_106 = arith.constant 1 : i32
      scf.for %scan3A_108 = %scan3A_103 to %scan3A_105 step %scan3A_106  : i32 {
        %mul3A_109 = arith.constant 80 : i32
        %mul3A_110 = arith.muli %scan3A_108, %mul3A_109 : i32
        %add3A_111 = arith.constant 10000 : i32
        %add3A_112 = arith.addi %add3A_111, %mul3A_110 : i32
        "tpu.region"() ({
          %run_scoped3A = tpu.sem_alloc : memref<!tpu.dma_semaphore, #tpu.memory_space<semaphore_mem>>
          %dma_start3A_113 = arith.constant 0 : i32
          %dma_start3A_114 = tpu.memref_slice %arg11[%add3A_112, %dma_start3A_113] : memref<10240x64xf32, #tpu.memory_space<vmem_shared>> -> memref<80x64xf32, #tpu.memory_space<vmem_shared>>
          %dma_start3A_115 = arith.constant 0 : i32
          %dma_start3A_116 = tpu.memref_slice %arg11[%add3A_112, %dma_start3A_115] : memref<10240x64xf32, #tpu.memory_space<vmem_shared>> -> memref<80x64xf32, #tpu.memory_space<vmem_shared>>
          tpu.enqueue_dma source(%arg9 : memref<80x64xf32, #tpu.memory_space<vmem>>) target(%dma_start3A_116 : memref<80x64xf32, #tpu.memory_space<vmem_shared>>) target_semaphore(%run_scoped3A : memref<!tpu.dma_semaphore, #tpu.memory_space<semaphore_mem>>)
          %dma_wait3A = arith.constant 0 : i32
          %dma_wait3A_117 = tpu.memref_slice %arg11[%add3A_112, %dma_wait3A] : memref<10240x64xf32, #tpu.memory_space<vmem_shared>> -> memref<80x64xf32, #tpu.memory_space<vmem_shared>>
          %dma_wait3A_118 = arith.constant 0 : i32
          %dma_wait3A_119 = tpu.memref_slice %arg11[%add3A_112, %dma_wait3A_118] : memref<10240x64xf32, #tpu.memory_space<vmem_shared>> -> memref<80x64xf32, #tpu.memory_space<vmem_shared>>
          tpu.wait_dma2 semaphore(%run_scoped3A : memref<!tpu.dma_semaphore, #tpu.memory_space<semaphore_mem>>) src(%arg9 : memref<80x64xf32, #tpu.memory_space<vmem>>) dst(%dma_wait3A_119 : memref<80x64xf32, #tpu.memory_space<vmem_shared>>)
          tpu.yield
        }) : () -> ()
      }
      %scan3A_107 = arith.constant 3 : i32
    } else {
    }
    %barrier3A = arith.constant 0 : index
    tpu.barrier barrier_id(%barrier3A)
    %dma_start3A = arith.constant 0 : i32
    %dma_start3A_16 = arith.constant 0 : i32
    %dma_start3A_17 = arith.constant 0 : i32
    %dma_start3A_18 = arith.constant 0 : i32
    %dma_start3A_19 = tpu.memref_slice %arg8[%dma_start3A_16, %dma_start3A_17, %dma_start3A_18] : memref<2x125x64xf32, #tpu.memory_space<vmem>> -> memref<1x125x64xf32, #tpu.memory_space<vmem>>
    %dma_start3A_20 = tpu.memref_squeeze %dma_start3A_19 : memref<1x125x64xf32, #tpu.memory_space<vmem>> -> memref<125x64xf32, #tpu.memory_space<vmem>>
    %dma_start3A_21 = arith.constant 0 : i32
    %dma_start3A_22 = tpu.memref_slice %arg6[%dma_start3A, %dma_start3A_21] : memref<80x125xi32, #tpu.memory_space<vmem>> -> memref<1x125xi32, #tpu.memory_space<vmem>>
    %dma_start3A_23 = tpu.memref_squeeze %dma_start3A_22 : memref<1x125xi32, #tpu.memory_space<vmem>> -> memref<125xi32, #tpu.memory_space<vmem>>
    %dma_start3A_24 = arith.constant 0 : i32
    %dma_start3A_25 = arith.constant 0 : i32
    %dma_start3A_26 = tpu.memref_slice %arg2[%add3A_7, %dma_start3A_24, %dma_start3A_25] : memref<4x10000x64xf32, #tpu.memory_space<hbm>> -> memref<1x10000x64xf32, #tpu.memory_space<hbm>>
    %dma_start3A_27 = tpu.memref_squeeze %dma_start3A_26 : memref<1x10000x64xf32, #tpu.memory_space<hbm>> -> memref<10000x64xf32, #tpu.memory_space<hbm>>
    %dma_start3A_28 = arith.constant 0 : i32
    %dma_start3A_29 = arith.constant 0 : i32
    %dma_start3A_30 = tpu.memref_slice %dma_start3A_27[%dma_start3A_28, %dma_start3A_29] : memref<10000x64xf32, #tpu.memory_space<hbm>> -> memref<10000x64xf32, #tpu.memory_space<hbm>>
    tpu.enqueue_indirect_dma source(%dma_start3A_30 : memref<10000x64xf32, #tpu.memory_space<hbm>>) target(%dma_start3A_20 : memref<125x64xf32, #tpu.memory_space<vmem>>) offsets(%dma_start3A_23 : memref<125xi32, #tpu.memory_space<vmem>>) semaphore(%arg12 : memref<!tpu.dma_semaphore, #tpu.memory_space<semaphore_mem>>)
    %scan3A_31 = arith.constant 0 : i32
    %scan3A_32 = arith.constant 0 : i32
    %scan3A_33 = arith.constant 40 : i32
    %scan3A_34 = arith.addi %scan3A_32, %scan3A_33 : i32
    %scan3A_35 = arith.constant 1 : i32
    scf.for %scan3A_98 = %scan3A_32 to %scan3A_34 step %scan3A_35  : i32 {
      %mul3A_99 = arith.constant 2 : i32
      %mul3A_100 = arith.muli %mul3A_99, %scan3A_98 : i32
      %mul3A_101 = arith.constant 2 : i32
      %mul3A_102 = arith.muli %mul3A_101, %scan3A_98 : i32
      %add3A_103 = arith.constant 1 : i32
      %add3A_104 = arith.addi %mul3A_102, %add3A_103 : i32
      %dma_start3A_105 = arith.constant 1 : i32
      %dma_start3A_106 = arith.constant 0 : i32
      %dma_start3A_107 = arith.constant 0 : i32
      %dma_start3A_108 = tpu.memref_slice %arg8[%dma_start3A_105, %dma_start3A_106, %dma_start3A_107] : memref<2x125x64xf32, #tpu.memory_space<vmem>> -> memref<1x125x64xf32, #tpu.memory_space<vmem>>
      %dma_start3A_109 = tpu.memref_squeeze %dma_start3A_108 : memref<1x125x64xf32, #tpu.memory_space<vmem>> -> memref<125x64xf32, #tpu.memory_space<vmem>>
      %dma_start3A_110 = arith.constant 0 : i32
      %dma_start3A_111 = tpu.memref_slice %arg6[%add3A_104, %dma_start3A_110] : memref<80x125xi32, #tpu.memory_space<vmem>> -> memref<1x125xi32, #tpu.memory_space<vmem>>
      %dma_start3A_112 = tpu.memref_squeeze %dma_start3A_111 : memref<1x125xi32, #tpu.memory_space<vmem>> -> memref<125xi32, #tpu.memory_space<vmem>>
      %dma_start3A_113 = arith.constant 0 : i32
      %dma_start3A_114 = arith.constant 0 : i32
      %dma_start3A_115 = tpu.memref_slice %arg2[%add3A_7, %dma_start3A_113, %dma_start3A_114] : memref<4x10000x64xf32, #tpu.memory_space<hbm>> -> memref<1x10000x64xf32, #tpu.memory_space<hbm>>
      %dma_start3A_116 = tpu.memref_squeeze %dma_start3A_115 : memref<1x10000x64xf32, #tpu.memory_space<hbm>> -> memref<10000x64xf32, #tpu.memory_space<hbm>>
      %dma_start3A_117 = arith.constant 0 : i32
      %dma_start3A_118 = arith.constant 0 : i32
      %dma_start3A_119 = tpu.memref_slice %dma_start3A_116[%dma_start3A_117, %dma_start3A_118] : memref<10000x64xf32, #tpu.memory_space<hbm>> -> memref<10000x64xf32, #tpu.memory_space<hbm>>
      tpu.enqueue_indirect_dma source(%dma_start3A_119 : memref<10000x64xf32, #tpu.memory_space<hbm>>) target(%dma_start3A_109 : memref<125x64xf32, #tpu.memory_space<vmem>>) offsets(%dma_start3A_112 : memref<125xi32, #tpu.memory_space<vmem>>) semaphore(%arg13 : memref<!tpu.dma_semaphore, #tpu.memory_space<semaphore_mem>>)
      %dma_wait3A = arith.constant 0 : i32
      %dma_wait3A_120 = arith.constant 0 : i32
      %dma_wait3A_121 = arith.constant 0 : i32
      %dma_wait3A_122 = tpu.memref_slice %arg8[%dma_wait3A, %dma_wait3A_120, %dma_wait3A_121] : memref<2x125x64xf32, #tpu.memory_space<vmem>> -> memref<1x125x64xf32, #tpu.memory_space<vmem>>
      %dma_wait3A_123 = tpu.memref_squeeze %dma_wait3A_122 : memref<1x125x64xf32, #tpu.memory_space<vmem>> -> memref<125x64xf32, #tpu.memory_space<vmem>>
      %dma_wait3A_124 = arith.constant 0 : i32
      %dma_wait3A_125 = tpu.memref_slice %arg6[%mul3A_100, %dma_wait3A_124] : memref<80x125xi32, #tpu.memory_space<vmem>> -> memref<1x125xi32, #tpu.memory_space<vmem>>
      %dma_wait3A_126 = tpu.memref_squeeze %dma_wait3A_125 : memref<1x125xi32, #tpu.memory_space<vmem>> -> memref<125xi32, #tpu.memory_space<vmem>>
      %dma_wait3A_127 = arith.constant 0 : i32
      %dma_wait3A_128 = arith.constant 0 : i32
      %dma_wait3A_129 = tpu.memref_slice %arg2[%add3A_7, %dma_wait3A_127, %dma_wait3A_128] : memref<4x10000x64xf32, #tpu.memory_space<hbm>> -> memref<1x10000x64xf32, #tpu.memory_space<hbm>>
      %dma_wait3A_130 = tpu.memref_squeeze %dma_wait3A_129 : memref<1x10000x64xf32, #tpu.memory_space<hbm>> -> memref<10000x64xf32, #tpu.memory_space<hbm>>
      %dma_wait3A_131 = arith.constant 0 : i32
      %dma_wait3A_132 = arith.constant 0 : i32
      %dma_wait3A_133 = tpu.memref_slice %dma_wait3A_130[%dma_wait3A_131, %dma_wait3A_132] : memref<10000x64xf32, #tpu.memory_space<hbm>> -> memref<10000x64xf32, #tpu.memory_space<hbm>>
      tpu.wait_indirect_dma semaphore(%arg12 : memref<!tpu.dma_semaphore, #tpu.memory_space<semaphore_mem>>) src(%dma_wait3A_133 : memref<10000x64xf32, #tpu.memory_space<hbm>>) dst(%dma_wait3A_123 : memref<125x64xf32, #tpu.memory_space<vmem>>)
      %run_scoped3A = arith.constant 0 : i32
      "tpu.region"() ({
        %run_scoped3A_155 = tpu.sem_alloc : memref<!tpu.dma_semaphore, #tpu.memory_space<semaphore_mem>>
        %dma_start3A_156 = arith.constant 0 : i32
        %dma_start3A_157 = arith.constant 0 : i32
        %dma_start3A_158 = tpu.memref_slice %arg8[%run_scoped3A, %dma_start3A_156, %dma_start3A_157] : memref<2x125x64xf32, #tpu.memory_space<vmem>> -> memref<1x125x64xf32, #tpu.memory_space<vmem>>
        %dma_start3A_159 = tpu.memref_squeeze %dma_start3A_158 : memref<1x125x64xf32, #tpu.memory_space<vmem>> -> memref<125x64xf32, #tpu.memory_space<vmem>>
        %dma_start3A_160 = arith.constant 0 : i32
        %dma_start3A_161 = tpu.memref_slice %arg7[%mul3A_100, %dma_start3A_160] : memref<80x125xi32, #tpu.memory_space<vmem>> -> memref<1x125xi32, #tpu.memory_space<vmem>>
        %dma_start3A_162 = tpu.memref_squeeze %dma_start3A_161 : memref<1x125xi32, #tpu.memory_space<vmem>> -> memref<125xi32, #tpu.memory_space<vmem>>
        %dma_start3A_163 = arith.constant 0 : i32
        %dma_start3A_164 = arith.constant 0 : i32
        %dma_start3A_165 = tpu.memref_slice %arg11[%dma_start3A_163, %dma_start3A_164] : memref<10240x64xf32, #tpu.memory_space<vmem_shared>> -> memref<10240x64xf32, #tpu.memory_space<vmem_shared>>
        tpu.enqueue_indirect_dma source(%dma_start3A_159 : memref<125x64xf32, #tpu.memory_space<vmem>>) target(%dma_start3A_165 : memref<10240x64xf32, #tpu.memory_space<vmem_shared>>) offsets(%dma_start3A_162 : memref<125xi32, #tpu.memory_space<vmem>>) semaphore(%run_scoped3A_155 : memref<!tpu.dma_semaphore, #tpu.memory_space<semaphore_mem>>) {add = true}
        %dma_wait3A_166 = arith.constant 0 : i32
        %dma_wait3A_167 = arith.constant 0 : i32
        %dma_wait3A_168 = tpu.memref_slice %arg8[%run_scoped3A, %dma_wait3A_166, %dma_wait3A_167] : memref<2x125x64xf32, #tpu.memory_space<vmem>> -> memref<1x125x64xf32, #tpu.memory_space<vmem>>
        %dma_wait3A_169 = tpu.memref_squeeze %dma_wait3A_168 : memref<1x125x64xf32, #tpu.memory_space<vmem>> -> memref<125x64xf32, #tpu.memory_space<vmem>>
        %dma_wait3A_170 = arith.constant 0 : i32
        %dma_wait3A_171 = tpu.memref_slice %arg7[%mul3A_100, %dma_wait3A_170] : memref<80x125xi32, #tpu.memory_space<vmem>> -> memref<1x125xi32, #tpu.memory_space<vmem>>
        %dma_wait3A_172 = tpu.memref_squeeze %dma_wait3A_171 : memref<1x125xi32, #tpu.memory_space<vmem>> -> memref<125xi32, #tpu.memory_space<vmem>>
        %dma_wait3A_173 = arith.constant 0 : i32
        %dma_wait3A_174 = arith.constant 0 : i32
        %dma_wait3A_175 = tpu.memref_slice %arg11[%dma_wait3A_173, %dma_wait3A_174] : memref<10240x64xf32, #tpu.memory_space<vmem_shared>> -> memref<10240x64xf32, #tpu.memory_space<vmem_shared>>
        tpu.wait_indirect_dma semaphore(%run_scoped3A_155 : memref<!tpu.dma_semaphore, #tpu.memory_space<semaphore_mem>>) src(%dma_wait3A_169 : memref<125x64xf32, #tpu.memory_space<vmem>>) dst(%dma_wait3A_175 : memref<10240x64xf32, #tpu.memory_space<vmem_shared>>)
        tpu.yield
      }) : () -> ()
      %lt3A_134 = arith.constant 39 : i32
      %lt3A_135 = arith.cmpi slt, %scan3A_98, %lt3A_134 : i32
      %convert_element_type3A_136 = arith.extui %lt3A_135 : i1 to i32
      %cond3A_137 = arith.constant 0 : i32
      %cond3A_138 = arith.cmpi ne, %convert_element_type3A_136, %cond3A_137 : i32
      scf.if %cond3A_138 {
        %add3A_155 = arith.constant 2 : i32
        %add3A_156 = arith.addi %mul3A_100, %add3A_155 : i32
        %dma_start3A_157 = arith.constant 0 : i32
        %dma_start3A_158 = arith.constant 0 : i32
        %dma_start3A_159 = arith.constant 0 : i32
        %dma_start3A_160 = tpu.memref_slice %arg8[%dma_start3A_157, %dma_start3A_158, %dma_start3A_159] : memref<2x125x64xf32, #tpu.memory_space<vmem>> -> memref<1x125x64xf32, #tpu.memory_space<vmem>>
        %dma_start3A_161 = tpu.memref_squeeze %dma_start3A_160 : memref<1x125x64xf32, #tpu.memory_space<vmem>> -> memref<125x64xf32, #tpu.memory_space<vmem>>
        %dma_start3A_162 = arith.constant 0 : i32
        %dma_start3A_163 = tpu.memref_slice %arg6[%add3A_156, %dma_start3A_162] : memref<80x125xi32, #tpu.memory_space<vmem>> -> memref<1x125xi32, #tpu.memory_space<vmem>>
        %dma_start3A_164 = tpu.memref_squeeze %dma_start3A_163 : memref<1x125xi32, #tpu.memory_space<vmem>> -> memref<125xi32, #tpu.memory_space<vmem>>
        %dma_start3A_165 = arith.constant 0 : i32
        %dma_start3A_166 = arith.constant 0 : i32
        %dma_start3A_167 = tpu.memref_slice %arg2[%add3A_7, %dma_start3A_165, %dma_start3A_166] : memref<4x10000x64xf32, #tpu.memory_space<hbm>> -> memref<1x10000x64xf32, #tpu.memory_space<hbm>>
        %dma_start3A_168 = tpu.memref_squeeze %dma_start3A_167 : memref<1x10000x64xf32, #tpu.memory_space<hbm>> -> memref<10000x64xf32, #tpu.memory_space<hbm>>
        %dma_start3A_169 = arith.constant 0 : i32
        %dma_start3A_170 = arith.constant 0 : i32
        %dma_start3A_171 = tpu.memref_slice %dma_start3A_168[%dma_start3A_169, %dma_start3A_170] : memref<10000x64xf32, #tpu.memory_space<hbm>> -> memref<10000x64xf32, #tpu.memory_space<hbm>>
        tpu.enqueue_indirect_dma source(%dma_start3A_171 : memref<10000x64xf32, #tpu.memory_space<hbm>>) target(%dma_start3A_161 : memref<125x64xf32, #tpu.memory_space<vmem>>) offsets(%dma_start3A_164 : memref<125xi32, #tpu.memory_space<vmem>>) semaphore(%arg12 : memref<!tpu.dma_semaphore, #tpu.memory_space<semaphore_mem>>)
      } else {
      }
      %dma_wait3A_139 = arith.constant 1 : i32
      %dma_wait3A_140 = arith.constant 0 : i32
      %dma_wait3A_141 = arith.constant 0 : i32
      %dma_wait3A_142 = tpu.memref_slice %arg8[%dma_wait3A_139, %dma_wait3A_140, %dma_wait3A_141] : memref<2x125x64xf32, #tpu.memory_space<vmem>> -> memref<1x125x64xf32, #tpu.memory_space<vmem>>
      %dma_wait3A_143 = tpu.memref_squeeze %dma_wait3A_142 : memref<1x125x64xf32, #tpu.memory_space<vmem>> -> memref<125x64xf32, #tpu.memory_space<vmem>>
      %dma_wait3A_144 = arith.constant 0 : i32
      %dma_wait3A_145 = tpu.memref_slice %arg6[%add3A_104, %dma_wait3A_144] : memref<80x125xi32, #tpu.memory_space<vmem>> -> memref<1x125xi32, #tpu.memory_space<vmem>>
      %dma_wait3A_146 = tpu.memref_squeeze %dma_wait3A_145 : memref<1x125xi32, #tpu.memory_space<vmem>> -> memref<125xi32, #tpu.memory_space<vmem>>
      %dma_wait3A_147 = arith.constant 0 : i32
      %dma_wait3A_148 = arith.constant 0 : i32
      %dma_wait3A_149 = tpu.memref_slice %arg2[%add3A_7, %dma_wait3A_147, %dma_wait3A_148] : memref<4x10000x64xf32, #tpu.memory_space<hbm>> -> memref<1x10000x64xf32, #tpu.memory_space<hbm>>
      %dma_wait3A_150 = tpu.memref_squeeze %dma_wait3A_149 : memref<1x10000x64xf32, #tpu.memory_space<hbm>> -> memref<10000x64xf32, #tpu.memory_space<hbm>>
      %dma_wait3A_151 = arith.constant 0 : i32
      %dma_wait3A_152 = arith.constant 0 : i32
      %dma_wait3A_153 = tpu.memref_slice %dma_wait3A_150[%dma_wait3A_151, %dma_wait3A_152] : memref<10000x64xf32, #tpu.memory_space<hbm>> -> memref<10000x64xf32, #tpu.memory_space<hbm>>
      tpu.wait_indirect_dma semaphore(%arg13 : memref<!tpu.dma_semaphore, #tpu.memory_space<semaphore_mem>>) src(%dma_wait3A_153 : memref<10000x64xf32, #tpu.memory_space<hbm>>) dst(%dma_wait3A_143 : memref<125x64xf32, #tpu.memory_space<vmem>>)
      %run_scoped3A_154 = arith.constant 1 : i32
      "tpu.region"() ({
        %run_scoped3A_155 = tpu.sem_alloc : memref<!tpu.dma_semaphore, #tpu.memory_space<semaphore_mem>>
        %dma_start3A_156 = arith.constant 0 : i32
        %dma_start3A_157 = arith.constant 0 : i32
        %dma_start3A_158 = tpu.memref_slice %arg8[%run_scoped3A_154, %dma_start3A_156, %dma_start3A_157] : memref<2x125x64xf32, #tpu.memory_space<vmem>> -> memref<1x125x64xf32, #tpu.memory_space<vmem>>
        %dma_start3A_159 = tpu.memref_squeeze %dma_start3A_158 : memref<1x125x64xf32, #tpu.memory_space<vmem>> -> memref<125x64xf32, #tpu.memory_space<vmem>>
        %dma_start3A_160 = arith.constant 0 : i32
        %dma_start3A_161 = tpu.memref_slice %arg7[%add3A_104, %dma_start3A_160] : memref<80x125xi32, #tpu.memory_space<vmem>> -> memref<1x125xi32, #tpu.memory_space<vmem>>
        %dma_start3A_162 = tpu.memref_squeeze %dma_start3A_161 : memref<1x125xi32, #tpu.memory_space<vmem>> -> memref<125xi32, #tpu.memory_space<vmem>>
        %dma_start3A_163 = arith.constant 0 : i32
        %dma_start3A_164 = arith.constant 0 : i32
        %dma_start3A_165 = tpu.memref_slice %arg11[%dma_start3A_163, %dma_start3A_164] : memref<10240x64xf32, #tpu.memory_space<vmem_shared>> -> memref<10240x64xf32, #tpu.memory_space<vmem_shared>>
        tpu.enqueue_indirect_dma source(%dma_start3A_159 : memref<125x64xf32, #tpu.memory_space<vmem>>) target(%dma_start3A_165 : memref<10240x64xf32, #tpu.memory_space<vmem_shared>>) offsets(%dma_start3A_162 : memref<125xi32, #tpu.memory_space<vmem>>) semaphore(%run_scoped3A_155 : memref<!tpu.dma_semaphore, #tpu.memory_space<semaphore_mem>>) {add = true}
        %dma_wait3A_166 = arith.constant 0 : i32
        %dma_wait3A_167 = arith.constant 0 : i32
        %dma_wait3A_168 = tpu.memref_slice %arg8[%run_scoped3A_154, %dma_wait3A_166, %dma_wait3A_167] : memref<2x125x64xf32, #tpu.memory_space<vmem>> -> memref<1x125x64xf32, #tpu.memory_space<vmem>>
        %dma_wait3A_169 = tpu.memref_squeeze %dma_wait3A_168 : memref<1x125x64xf32, #tpu.memory_space<vmem>> -> memref<125x64xf32, #tpu.memory_space<vmem>>
        %dma_wait3A_170 = arith.constant 0 : i32
        %dma_wait3A_171 = tpu.memref_slice %arg7[%add3A_104, %dma_wait3A_170] : memref<80x125xi32, #tpu.memory_space<vmem>> -> memref<1x125xi32, #tpu.memory_space<vmem>>
        %dma_wait3A_172 = tpu.memref_squeeze %dma_wait3A_171 : memref<1x125xi32, #tpu.memory_space<vmem>> -> memref<125xi32, #tpu.memory_space<vmem>>
        %dma_wait3A_173 = arith.constant 0 : i32
        %dma_wait3A_174 = arith.constant 0 : i32
        %dma_wait3A_175 = tpu.memref_slice %arg11[%dma_wait3A_173, %dma_wait3A_174] : memref<10240x64xf32, #tpu.memory_space<vmem_shared>> -> memref<10240x64xf32, #tpu.memory_space<vmem_shared>>
        tpu.wait_indirect_dma semaphore(%run_scoped3A_155 : memref<!tpu.dma_semaphore, #tpu.memory_space<semaphore_mem>>) src(%dma_wait3A_169 : memref<125x64xf32, #tpu.memory_space<vmem>>) dst(%dma_wait3A_175 : memref<10240x64xf32, #tpu.memory_space<vmem_shared>>)
        tpu.yield
      }) : () -> ()
    }
    %scan3A_36 = arith.constant 40 : i32
    %barrier3A_37 = arith.constant 0 : index
    tpu.barrier barrier_id(%barrier3A_37)
    %lt3A_38 = arith.constant 15 : i32
    %lt3A_39 = arith.cmpi slt, %arg1, %lt3A_38 : i32
    %convert_element_type3A_40 = arith.extui %lt3A_39 : i1 to i32
    %cond3A_41 = arith.constant 0 : i32
    %cond3A_42 = arith.cmpi ne, %convert_element_type3A_40, %cond3A_41 : i32
    scf.if %cond3A_42 {
      %add3A_98 = arith.constant 0 : i32
      %add3A_99 = arith.addi %mul3A_9, %add3A_98 : i32
      "tpu.region"() ({
        %run_scoped3A = tpu.sem_alloc : memref<!tpu.dma_semaphore, #tpu.memory_space<semaphore_mem>>
        %dma_start3A_106 = arith.constant 0 : i32
        %dma_start3A_107 = tpu.memref_slice %arg11[%add3A_99, %dma_start3A_106] : memref<10240x64xf32, #tpu.memory_space<vmem_shared>> -> memref<320x64xf32, #tpu.memory_space<vmem_shared>>
        %dma_start3A_108 = arith.constant 0 : i32
        %dma_start3A_109 = tpu.memref_slice %arg11[%add3A_99, %dma_start3A_108] : memref<10240x64xf32, #tpu.memory_space<vmem_shared>> -> memref<320x64xf32, #tpu.memory_space<vmem_shared>>
        tpu.enqueue_dma source(%dma_start3A_109 : memref<320x64xf32, #tpu.memory_space<vmem_shared>>) target(%arg10 : memref<320x64xf32, #tpu.memory_space<vmem>>) target_semaphore(%run_scoped3A : memref<!tpu.dma_semaphore, #tpu.memory_space<semaphore_mem>>)
        %dma_wait3A = arith.constant 0 : i32
        %dma_wait3A_110 = tpu.memref_slice %arg11[%add3A_99, %dma_wait3A] : memref<10240x64xf32, #tpu.memory_space<vmem_shared>> -> memref<320x64xf32, #tpu.memory_space<vmem_shared>>
        %dma_wait3A_111 = arith.constant 0 : i32
        %dma_wait3A_112 = tpu.memref_slice %arg11[%add3A_99, %dma_wait3A_111] : memref<10240x64xf32, #tpu.memory_space<vmem_shared>> -> memref<320x64xf32, #tpu.memory_space<vmem_shared>>
        tpu.wait_dma2 semaphore(%run_scoped3A : memref<!tpu.dma_semaphore, #tpu.memory_space<semaphore_mem>>) src(%dma_wait3A_112 : memref<320x64xf32, #tpu.memory_space<vmem_shared>>) dst(%arg10 : memref<320x64xf32, #tpu.memory_space<vmem>>)
        tpu.yield
      }) : () -> ()
      %add3A_100 = arith.constant 0 : i32
      %add3A_101 = arith.addi %mul3A_9, %add3A_100 : i32
      "tpu.region"() ({
        %run_scoped3A = tpu.sem_alloc : memref<!tpu.dma_semaphore, #tpu.memory_space<semaphore_mem>>
        %dma_start3A_106 = arith.constant 0 : i32
        %dma_start3A_107 = arith.constant 0 : i32
        %dma_start3A_108 = tpu.memref_slice %arg5[%add3A_7, %dma_start3A_106, %dma_start3A_107] : memref<4x10000x64xf32, #tpu.memory_space<hbm>> -> memref<1x10000x64xf32, #tpu.memory_space<hbm>>
        %dma_start3A_109 = tpu.memref_squeeze %dma_start3A_108 : memref<1x10000x64xf32, #tpu.memory_space<hbm>> -> memref<10000x64xf32, #tpu.memory_space<hbm>>
        %dma_start3A_110 = arith.constant 0 : i32
        %dma_start3A_111 = tpu.memref_slice %dma_start3A_109[%add3A_101, %dma_start3A_110] : memref<10000x64xf32, #tpu.memory_space<hbm>> -> memref<320x64xf32, #tpu.memory_space<hbm>>
        %dma_start3A_112 = arith.constant 0 : i32
        %dma_start3A_113 = arith.constant 0 : i32
        %dma_start3A_114 = tpu.memref_slice %arg5[%add3A_7, %dma_start3A_112, %dma_start3A_113] : memref<4x10000x64xf32, #tpu.memory_space<hbm>> -> memref<1x10000x64xf32, #tpu.memory_space<hbm>>
        %dma_start3A_115 = tpu.memref_squeeze %dma_start3A_114 : memref<1x10000x64xf32, #tpu.memory_space<hbm>> -> memref<10000x64xf32, #tpu.memory_space<hbm>>
        %dma_start3A_116 = arith.constant 0 : i32
        %dma_start3A_117 = tpu.memref_slice %dma_start3A_115[%add3A_101, %dma_start3A_116] : memref<10000x64xf32, #tpu.memory_space<hbm>> -> memref<320x64xf32, #tpu.memory_space<hbm>>
        tpu.enqueue_dma source(%arg10 : memref<320x64xf32, #tpu.memory_space<vmem>>) target(%dma_start3A_117 : memref<320x64xf32, #tpu.memory_space<hbm>>) target_semaphore(%run_scoped3A : memref<!tpu.dma_semaphore, #tpu.memory_space<semaphore_mem>>)
        %dma_wait3A = arith.constant 0 : i32
        %dma_wait3A_118 = arith.constant 0 : i32
        %dma_wait3A_119 = tpu.memref_slice %arg5[%add3A_7, %dma_wait3A, %dma_wait3A_118] : memref<4x10000x64xf32, #tpu.memory_space<hbm>> -> memref<1x10000x64xf32, #tpu.memory_space<hbm>>
        %dma_wait3A_120 = tpu.memref_squeeze %dma_wait3A_119 : memref<1x10000x64xf32, #tpu.memory_space<hbm>> -> memref<10000x64xf32, #tpu.memory_space<hbm>>
        %dma_wait3A_121 = arith.constant 0 : i32
        %dma_wait3A_122 = tpu.memref_slice %dma_wait3A_120[%add3A_101, %dma_wait3A_121] : memref<10000x64xf32, #tpu.memory_space<hbm>> -> memref<320x64xf32, #tpu.memory_space<hbm>>
        %dma_wait3A_123 = arith.constant 0 : i32
        %dma_wait3A_124 = arith.constant 0 : i32
        %dma_wait3A_125 = tpu.memref_slice %arg5[%add3A_7, %dma_wait3A_123, %dma_wait3A_124] : memref<4x10000x64xf32, #tpu.memory_space<hbm>> -> memref<1x10000x64xf32, #tpu.memory_space<hbm>>
        %dma_wait3A_126 = tpu.memref_squeeze %dma_wait3A_125 : memref<1x10000x64xf32, #tpu.memory_space<hbm>> -> memref<10000x64xf32, #tpu.memory_space<hbm>>
        %dma_wait3A_127 = arith.constant 0 : i32
        %dma_wait3A_128 = tpu.memref_slice %dma_wait3A_126[%add3A_101, %dma_wait3A_127] : memref<10000x64xf32, #tpu.memory_space<hbm>> -> memref<320x64xf32, #tpu.memory_space<hbm>>
        tpu.wait_dma2 semaphore(%run_scoped3A : memref<!tpu.dma_semaphore, #tpu.memory_space<semaphore_mem>>) src(%arg10 : memref<320x64xf32, #tpu.memory_space<vmem>>) dst(%dma_wait3A_128 : memref<320x64xf32, #tpu.memory_space<hbm>>)
        tpu.yield
      }) : () -> ()
      %add3A_102 = arith.constant 320 : i32
      %add3A_103 = arith.addi %mul3A_9, %add3A_102 : i32
      "tpu.region"() ({
        %run_scoped3A = tpu.sem_alloc : memref<!tpu.dma_semaphore, #tpu.memory_space<semaphore_mem>>
        %dma_start3A_106 = arith.constant 0 : i32
        %dma_start3A_107 = tpu.memref_slice %arg11[%add3A_103, %dma_start3A_106] : memref<10240x64xf32, #tpu.memory_space<vmem_shared>> -> memref<320x64xf32, #tpu.memory_space<vmem_shared>>
        %dma_start3A_108 = arith.constant 0 : i32
        %dma_start3A_109 = tpu.memref_slice %arg11[%add3A_103, %dma_start3A_108] : memref<10240x64xf32, #tpu.memory_space<vmem_shared>> -> memref<320x64xf32, #tpu.memory_space<vmem_shared>>
        tpu.enqueue_dma source(%dma_start3A_109 : memref<320x64xf32, #tpu.memory_space<vmem_shared>>) target(%arg10 : memref<320x64xf32, #tpu.memory_space<vmem>>) target_semaphore(%run_scoped3A : memref<!tpu.dma_semaphore, #tpu.memory_space<semaphore_mem>>)
        %dma_wait3A = arith.constant 0 : i32
        %dma_wait3A_110 = tpu.memref_slice %arg11[%add3A_103, %dma_wait3A] : memref<10240x64xf32, #tpu.memory_space<vmem_shared>> -> memref<320x64xf32, #tpu.memory_space<vmem_shared>>
        %dma_wait3A_111 = arith.constant 0 : i32
        %dma_wait3A_112 = tpu.memref_slice %arg11[%add3A_103, %dma_wait3A_111] : memref<10240x64xf32, #tpu.memory_space<vmem_shared>> -> memref<320x64xf32, #tpu.memory_space<vmem_shared>>
        tpu.wait_dma2 semaphore(%run_scoped3A : memref<!tpu.dma_semaphore, #tpu.memory_space<semaphore_mem>>) src(%dma_wait3A_112 : memref<320x64xf32, #tpu.memory_space<vmem_shared>>) dst(%arg10 : memref<320x64xf32, #tpu.memory_space<vmem>>)
        tpu.yield
      }) : () -> ()
      %add3A_104 = arith.constant 320 : i32
      %add3A_105 = arith.addi %mul3A_9, %add3A_104 : i32
      "tpu.region"() ({
        %run_scoped3A = tpu.sem_alloc : memref<!tpu.dma_semaphore, #tpu.memory_space<semaphore_mem>>
        %dma_start3A_106 = arith.constant 0 : i32
        %dma_start3A_107 = arith.constant 0 : i32
        %dma_start3A_108 = tpu.memref_slice %arg5[%add3A_7, %dma_start3A_106, %dma_start3A_107] : memref<4x10000x64xf32, #tpu.memory_space<hbm>> -> memref<1x10000x64xf32, #tpu.memory_space<hbm>>
        %dma_start3A_109 = tpu.memref_squeeze %dma_start3A_108 : memref<1x10000x64xf32, #tpu.memory_space<hbm>> -> memref<10000x64xf32, #tpu.memory_space<hbm>>
        %dma_start3A_110 = arith.constant 0 : i32
        %dma_start3A_111 = tpu.memref_slice %dma_start3A_109[%add3A_105, %dma_start3A_110] : memref<10000x64xf32, #tpu.memory_space<hbm>> -> memref<320x64xf32, #tpu.memory_space<hbm>>
        %dma_start3A_112 = arith.constant 0 : i32
        %dma_start3A_113 = arith.constant 0 : i32
        %dma_start3A_114 = tpu.memref_slice %arg5[%add3A_7, %dma_start3A_112, %dma_start3A_113] : memref<4x10000x64xf32, #tpu.memory_space<hbm>> -> memref<1x10000x64xf32, #tpu.memory_space<hbm>>
        %dma_start3A_115 = tpu.memref_squeeze %dma_start3A_114 : memref<1x10000x64xf32, #tpu.memory_space<hbm>> -> memref<10000x64xf32, #tpu.memory_space<hbm>>
        %dma_start3A_116 = arith.constant 0 : i32
        %dma_start3A_117 = tpu.memref_slice %dma_start3A_115[%add3A_105, %dma_start3A_116] : memref<10000x64xf32, #tpu.memory_space<hbm>> -> memref<320x64xf32, #tpu.memory_space<hbm>>
        tpu.enqueue_dma source(%arg10 : memref<320x64xf32, #tpu.memory_space<vmem>>) target(%dma_start3A_117 : memref<320x64xf32, #tpu.memory_space<hbm>>) target_semaphore(%run_scoped3A : memref<!tpu.dma_semaphore, #tpu.memory_space<semaphore_mem>>)
        %dma_wait3A = arith.constant 0 : i32
        %dma_wait3A_118 = arith.constant 0 : i32
        %dma_wait3A_119 = tpu.memref_slice %arg5[%add3A_7, %dma_wait3A, %dma_wait3A_118] : memref<4x10000x64xf32, #tpu.memory_space<hbm>> -> memref<1x10000x64xf32, #tpu.memory_space<hbm>>
        %dma_wait3A_120 = tpu.memref_squeeze %dma_wait3A_119 : memref<1x10000x64xf32, #tpu.memory_space<hbm>> -> memref<10000x64xf32, #tpu.memory_space<hbm>>
        %dma_wait3A_121 = arith.constant 0 : i32
        %dma_wait3A_122 = tpu.memref_slice %dma_wait3A_120[%add3A_105, %dma_wait3A_121] : memref<10000x64xf32, #tpu.memory_space<hbm>> -> memref<320x64xf32, #tpu.memory_space<hbm>>
        %dma_wait3A_123 = arith.constant 0 : i32
        %dma_wait3A_124 = arith.constant 0 : i32
        %dma_wait3A_125 = tpu.memref_slice %arg5[%add3A_7, %dma_wait3A_123, %dma_wait3A_124] : memref<4x10000x64xf32, #tpu.memory_space<hbm>> -> memref<1x10000x64xf32, #tpu.memory_space<hbm>>
        %dma_wait3A_126 = tpu.memref_squeeze %dma_wait3A_125 : memref<1x10000x64xf32, #tpu.memory_space<hbm>> -> memref<10000x64xf32, #tpu.memory_space<hbm>>
        %dma_wait3A_127 = arith.constant 0 : i32
        %dma_wait3A_128 = tpu.memref_slice %dma_wait3A_126[%add3A_105, %dma_wait3A_127] : memref<10000x64xf32, #tpu.memory_space<hbm>> -> memref<320x64xf32, #tpu.memory_space<hbm>>
        tpu.wait_dma2 semaphore(%run_scoped3A : memref<!tpu.dma_semaphore, #tpu.memory_space<semaphore_mem>>) src(%arg10 : memref<320x64xf32, #tpu.memory_space<vmem>>) dst(%dma_wait3A_128 : memref<320x64xf32, #tpu.memory_space<hbm>>)
        tpu.yield
      }) : () -> ()
    } else {
    }
    %eq3A_43 = arith.constant 15 : i32
    %eq3A_44 = arith.cmpi eq, %arg1, %eq3A_43 : i32
    %convert_element_type3A_45 = arith.extui %eq3A_44 : i1 to i32
    %cond3A_46 = arith.constant 0 : i32
    %cond3A_47 = arith.cmpi ne, %convert_element_type3A_45, %cond3A_46 : i32
    scf.if %cond3A_47 {
      "tpu.region"() ({
        %run_scoped3A = tpu.sem_alloc : memref<!tpu.dma_semaphore, #tpu.memory_space<semaphore_mem>>
        %dma_start3A_102 = arith.constant 0 : i32
        %dma_start3A_103 = tpu.memref_slice %arg11[%mul3A_9, %dma_start3A_102] : memref<10240x64xf32, #tpu.memory_space<vmem_shared>> -> memref<320x64xf32, #tpu.memory_space<vmem_shared>>
        %dma_start3A_104 = arith.constant 0 : i32
        %dma_start3A_105 = tpu.memref_slice %arg11[%mul3A_9, %dma_start3A_104] : memref<10240x64xf32, #tpu.memory_space<vmem_shared>> -> memref<320x64xf32, #tpu.memory_space<vmem_shared>>
        tpu.enqueue_dma source(%dma_start3A_105 : memref<320x64xf32, #tpu.memory_space<vmem_shared>>) target(%arg10 : memref<320x64xf32, #tpu.memory_space<vmem>>) target_semaphore(%run_scoped3A : memref<!tpu.dma_semaphore, #tpu.memory_space<semaphore_mem>>)
        %dma_wait3A = arith.constant 0 : i32
        %dma_wait3A_106 = tpu.memref_slice %arg11[%mul3A_9, %dma_wait3A] : memref<10240x64xf32, #tpu.memory_space<vmem_shared>> -> memref<320x64xf32, #tpu.memory_space<vmem_shared>>
        %dma_wait3A_107 = arith.constant 0 : i32
        %dma_wait3A_108 = tpu.memref_slice %arg11[%mul3A_9, %dma_wait3A_107] : memref<10240x64xf32, #tpu.memory_space<vmem_shared>> -> memref<320x64xf32, #tpu.memory_space<vmem_shared>>
        tpu.wait_dma2 semaphore(%run_scoped3A : memref<!tpu.dma_semaphore, #tpu.memory_space<semaphore_mem>>) src(%dma_wait3A_108 : memref<320x64xf32, #tpu.memory_space<vmem_shared>>) dst(%arg10 : memref<320x64xf32, #tpu.memory_space<vmem>>)
        tpu.yield
      }) : () -> ()
      "tpu.region"() ({
        %run_scoped3A = tpu.sem_alloc : memref<!tpu.dma_semaphore, #tpu.memory_space<semaphore_mem>>
        %dma_start3A_102 = arith.constant 0 : i32
        %dma_start3A_103 = arith.constant 0 : i32
        %dma_start3A_104 = tpu.memref_slice %arg5[%add3A_7, %dma_start3A_102, %dma_start3A_103] : memref<4x10000x64xf32, #tpu.memory_space<hbm>> -> memref<1x10000x64xf32, #tpu.memory_space<hbm>>
        %dma_start3A_105 = tpu.memref_squeeze %dma_start3A_104 : memref<1x10000x64xf32, #tpu.memory_space<hbm>> -> memref<10000x64xf32, #tpu.memory_space<hbm>>
        %dma_start3A_106 = arith.constant 0 : i32
        %dma_start3A_107 = tpu.memref_slice %dma_start3A_105[%mul3A_9, %dma_start3A_106] : memref<10000x64xf32, #tpu.memory_space<hbm>> -> memref<320x64xf32, #tpu.memory_space<hbm>>
        %dma_start3A_108 = arith.constant 0 : i32
        %dma_start3A_109 = arith.constant 0 : i32
        %dma_start3A_110 = tpu.memref_slice %arg5[%add3A_7, %dma_start3A_108, %dma_start3A_109] : memref<4x10000x64xf32, #tpu.memory_space<hbm>> -> memref<1x10000x64xf32, #tpu.memory_space<hbm>>
        %dma_start3A_111 = tpu.memref_squeeze %dma_start3A_110 : memref<1x10000x64xf32, #tpu.memory_space<hbm>> -> memref<10000x64xf32, #tpu.memory_space<hbm>>
        %dma_start3A_112 = arith.constant 0 : i32
        %dma_start3A_113 = tpu.memref_slice %dma_start3A_111[%mul3A_9, %dma_start3A_112] : memref<10000x64xf32, #tpu.memory_space<hbm>> -> memref<320x64xf32, #tpu.memory_space<hbm>>
        tpu.enqueue_dma source(%arg10 : memref<320x64xf32, #tpu.memory_space<vmem>>) target(%dma_start3A_113 : memref<320x64xf32, #tpu.memory_space<hbm>>) target_semaphore(%run_scoped3A : memref<!tpu.dma_semaphore, #tpu.memory_space<semaphore_mem>>)
        %dma_wait3A = arith.constant 0 : i32
        %dma_wait3A_114 = arith.constant 0 : i32
        %dma_wait3A_115 = tpu.memref_slice %arg5[%add3A_7, %dma_wait3A, %dma_wait3A_114] : memref<4x10000x64xf32, #tpu.memory_space<hbm>> -> memref<1x10000x64xf32, #tpu.memory_space<hbm>>
        %dma_wait3A_116 = tpu.memref_squeeze %dma_wait3A_115 : memref<1x10000x64xf32, #tpu.memory_space<hbm>> -> memref<10000x64xf32, #tpu.memory_space<hbm>>
        %dma_wait3A_117 = arith.constant 0 : i32
        %dma_wait3A_118 = tpu.memref_slice %dma_wait3A_116[%mul3A_9, %dma_wait3A_117] : memref<10000x64xf32, #tpu.memory_space<hbm>> -> memref<320x64xf32, #tpu.memory_space<hbm>>
        %dma_wait3A_119 = arith.constant 0 : i32
        %dma_wait3A_120 = arith.constant 0 : i32
        %dma_wait3A_121 = tpu.memref_slice %arg5[%add3A_7, %dma_wait3A_119, %dma_wait3A_120] : memref<4x10000x64xf32, #tpu.memory_space<hbm>> -> memref<1x10000x64xf32, #tpu.memory_space<hbm>>
        %dma_wait3A_122 = tpu.memref_squeeze %dma_wait3A_121 : memref<1x10000x64xf32, #tpu.memory_space<hbm>> -> memref<10000x64xf32, #tpu.memory_space<hbm>>
        %dma_wait3A_123 = arith.constant 0 : i32
        %dma_wait3A_124 = tpu.memref_slice %dma_wait3A_122[%mul3A_9, %dma_wait3A_123] : memref<10000x64xf32, #tpu.memory_space<hbm>> -> memref<320x64xf32, #tpu.memory_space<hbm>>
        tpu.wait_dma2 semaphore(%run_scoped3A : memref<!tpu.dma_semaphore, #tpu.memory_space<semaphore_mem>>) src(%arg10 : memref<320x64xf32, #tpu.memory_space<vmem>>) dst(%dma_wait3A_124 : memref<320x64xf32, #tpu.memory_space<hbm>>)
        tpu.yield
      }) : () -> ()
      %add3A_98 = arith.constant 320 : i32
      %add3A_99 = arith.addi %mul3A_9, %add3A_98 : i32
      "tpu.region"() ({
        %run_scoped3A = tpu.sem_alloc : memref<!tpu.dma_semaphore, #tpu.memory_space<semaphore_mem>>
        %dma_start3A_102 = arith.constant 0 : i32
        %dma_start3A_103 = arith.constant 0 : i32
        %dma_start3A_104 = tpu.memref_slice %arg10[%dma_start3A_102, %dma_start3A_103] : memref<320x64xf32, #tpu.memory_space<vmem>> -> memref<80x64xf32, #tpu.memory_space<vmem>>
        %dma_start3A_105 = arith.constant 0 : i32
        %dma_start3A_106 = tpu.memref_slice %arg11[%add3A_99, %dma_start3A_105] : memref<10240x64xf32, #tpu.memory_space<vmem_shared>> -> memref<80x64xf32, #tpu.memory_space<vmem_shared>>
        %dma_start3A_107 = arith.constant 0 : i32
        %dma_start3A_108 = arith.constant 0 : i32
        %dma_start3A_109 = tpu.memref_slice %arg10[%dma_start3A_107, %dma_start3A_108] : memref<320x64xf32, #tpu.memory_space<vmem>> -> memref<80x64xf32, #tpu.memory_space<vmem>>
        %dma_start3A_110 = arith.constant 0 : i32
        %dma_start3A_111 = tpu.memref_slice %arg11[%add3A_99, %dma_start3A_110] : memref<10240x64xf32, #tpu.memory_space<vmem_shared>> -> memref<80x64xf32, #tpu.memory_space<vmem_shared>>
        tpu.enqueue_dma source(%dma_start3A_111 : memref<80x64xf32, #tpu.memory_space<vmem_shared>>) target(%dma_start3A_109 : memref<80x64xf32, #tpu.memory_space<vmem>>) target_semaphore(%run_scoped3A : memref<!tpu.dma_semaphore, #tpu.memory_space<semaphore_mem>>)
        %dma_wait3A = arith.constant 0 : i32
        %dma_wait3A_112 = arith.constant 0 : i32
        %dma_wait3A_113 = tpu.memref_slice %arg10[%dma_wait3A, %dma_wait3A_112] : memref<320x64xf32, #tpu.memory_space<vmem>> -> memref<80x64xf32, #tpu.memory_space<vmem>>
        %dma_wait3A_114 = arith.constant 0 : i32
        %dma_wait3A_115 = tpu.memref_slice %arg11[%add3A_99, %dma_wait3A_114] : memref<10240x64xf32, #tpu.memory_space<vmem_shared>> -> memref<80x64xf32, #tpu.memory_space<vmem_shared>>
        %dma_wait3A_116 = arith.constant 0 : i32
        %dma_wait3A_117 = arith.constant 0 : i32
        %dma_wait3A_118 = tpu.memref_slice %arg10[%dma_wait3A_116, %dma_wait3A_117] : memref<320x64xf32, #tpu.memory_space<vmem>> -> memref<80x64xf32, #tpu.memory_space<vmem>>
        %dma_wait3A_119 = arith.constant 0 : i32
        %dma_wait3A_120 = tpu.memref_slice %arg11[%add3A_99, %dma_wait3A_119] : memref<10240x64xf32, #tpu.memory_space<vmem_shared>> -> memref<80x64xf32, #tpu.memory_space<vmem_shared>>
        tpu.wait_dma2 semaphore(%run_scoped3A : memref<!tpu.dma_semaphore, #tpu.memory_space<semaphore_mem>>) src(%dma_wait3A_120 : memref<80x64xf32, #tpu.memory_space<vmem_shared>>) dst(%dma_wait3A_118 : memref<80x64xf32, #tpu.memory_space<vmem>>)
        tpu.yield
      }) : () -> ()
      %add3A_100 = arith.constant 320 : i32
      %add3A_101 = arith.addi %mul3A_9, %add3A_100 : i32
      "tpu.region"() ({
        %run_scoped3A = tpu.sem_alloc : memref<!tpu.dma_semaphore, #tpu.memory_space<semaphore_mem>>
        %dma_start3A_102 = arith.constant 0 : i32
        %dma_start3A_103 = arith.constant 0 : i32
        %dma_start3A_104 = tpu.memref_slice %arg10[%dma_start3A_102, %dma_start3A_103] : memref<320x64xf32, #tpu.memory_space<vmem>> -> memref<80x64xf32, #tpu.memory_space<vmem>>
        %dma_start3A_105 = arith.constant 0 : i32
        %dma_start3A_106 = arith.constant 0 : i32
        %dma_start3A_107 = tpu.memref_slice %arg5[%add3A_7, %dma_start3A_105, %dma_start3A_106] : memref<4x10000x64xf32, #tpu.memory_space<hbm>> -> memref<1x10000x64xf32, #tpu.memory_space<hbm>>
        %dma_start3A_108 = tpu.memref_squeeze %dma_start3A_107 : memref<1x10000x64xf32, #tpu.memory_space<hbm>> -> memref<10000x64xf32, #tpu.memory_space<hbm>>
        %dma_start3A_109 = arith.constant 0 : i32
        %dma_start3A_110 = tpu.memref_slice %dma_start3A_108[%add3A_101, %dma_start3A_109] : memref<10000x64xf32, #tpu.memory_space<hbm>> -> memref<80x64xf32, #tpu.memory_space<hbm>>
        %dma_start3A_111 = arith.constant 0 : i32
        %dma_start3A_112 = arith.constant 0 : i32
        %dma_start3A_113 = tpu.memref_slice %arg5[%add3A_7, %dma_start3A_111, %dma_start3A_112] : memref<4x10000x64xf32, #tpu.memory_space<hbm>> -> memref<1x10000x64xf32, #tpu.memory_space<hbm>>
        %dma_start3A_114 = tpu.memref_squeeze %dma_start3A_113 : memref<1x10000x64xf32, #tpu.memory_space<hbm>> -> memref<10000x64xf32, #tpu.memory_space<hbm>>
        %dma_start3A_115 = arith.constant 0 : i32
        %dma_start3A_116 = tpu.memref_slice %dma_start3A_114[%add3A_101, %dma_start3A_115] : memref<10000x64xf32, #tpu.memory_space<hbm>> -> memref<80x64xf32, #tpu.memory_space<hbm>>
        %dma_start3A_117 = arith.constant 0 : i32
        %dma_start3A_118 = arith.constant 0 : i32
        %dma_start3A_119 = tpu.memref_slice %arg10[%dma_start3A_117, %dma_start3A_118] : memref<320x64xf32, #tpu.memory_space<vmem>> -> memref<80x64xf32, #tpu.memory_space<vmem>>
        tpu.enqueue_dma source(%dma_start3A_119 : memref<80x64xf32, #tpu.memory_space<vmem>>) target(%dma_start3A_116 : memref<80x64xf32, #tpu.memory_space<hbm>>) target_semaphore(%run_scoped3A : memref<!tpu.dma_semaphore, #tpu.memory_space<semaphore_mem>>)
        %dma_wait3A = arith.constant 0 : i32
        %dma_wait3A_120 = arith.constant 0 : i32
        %dma_wait3A_121 = tpu.memref_slice %arg10[%dma_wait3A, %dma_wait3A_120] : memref<320x64xf32, #tpu.memory_space<vmem>> -> memref<80x64xf32, #tpu.memory_space<vmem>>
        %dma_wait3A_122 = arith.constant 0 : i32
        %dma_wait3A_123 = arith.constant 0 : i32
        %dma_wait3A_124 = tpu.memref_slice %arg5[%add3A_7, %dma_wait3A_122, %dma_wait3A_123] : memref<4x10000x64xf32, #tpu.memory_space<hbm>> -> memref<1x10000x64xf32, #tpu.memory_space<hbm>>
        %dma_wait3A_125 = tpu.memref_squeeze %dma_wait3A_124 : memref<1x10000x64xf32, #tpu.memory_space<hbm>> -> memref<10000x64xf32, #tpu.memory_space<hbm>>
        %dma_wait3A_126 = arith.constant 0 : i32
        %dma_wait3A_127 = tpu.memref_slice %dma_wait3A_125[%add3A_101, %dma_wait3A_126] : memref<10000x64xf32, #tpu.memory_space<hbm>> -> memref<80x64xf32, #tpu.memory_space<hbm>>
        %dma_wait3A_128 = arith.constant 0 : i32
        %dma_wait3A_129 = arith.constant 0 : i32
        %dma_wait3A_130 = tpu.memref_slice %arg5[%add3A_7, %dma_wait3A_128, %dma_wait3A_129] : memref<4x10000x64xf32, #tpu.memory_space<hbm>> -> memref<1x10000x64xf32, #tpu.memory_space<hbm>>
        %dma_wait3A_131 = tpu.memref_squeeze %dma_wait3A_130 : memref<1x10000x64xf32, #tpu.memory_space<hbm>> -> memref<10000x64xf32, #tpu.memory_space<hbm>>
        %dma_wait3A_132 = arith.constant 0 : i32
        %dma_wait3A_133 = tpu.memref_slice %dma_wait3A_131[%add3A_101, %dma_wait3A_132] : memref<10000x64xf32, #tpu.memory_space<hbm>> -> memref<80x64xf32, #tpu.memory_space<hbm>>
        %dma_wait3A_134 = arith.constant 0 : i32
        %dma_wait3A_135 = arith.constant 0 : i32
        %dma_wait3A_136 = tpu.memref_slice %arg10[%dma_wait3A_134, %dma_wait3A_135] : memref<320x64xf32, #tpu.memory_space<vmem>> -> memref<80x64xf32, #tpu.memory_space<vmem>>
        tpu.wait_dma2 semaphore(%run_scoped3A : memref<!tpu.dma_semaphore, #tpu.memory_space<semaphore_mem>>) src(%dma_wait3A_136 : memref<80x64xf32, #tpu.memory_space<vmem>>) dst(%dma_wait3A_133 : memref<80x64xf32, #tpu.memory_space<hbm>>)
        tpu.yield
      }) : () -> ()
    } else {
    }
    %mul3A_48 = arith.constant 2 : i32
    %mul3A_49 = arith.muli %mul3A_48, %arg0 : i32
    %add3A_50 = arith.constant 1 : i32
    %add3A_51 = arith.addi %mul3A_49, %add3A_50 : i32
    %mul3A_52 = arith.constant 640 : i32
    %mul3A_53 = arith.muli %arg1, %mul3A_52 : i32
    %lt3A_54 = arith.constant 15 : i32
    %lt3A_55 = arith.cmpi slt, %arg1, %lt3A_54 : i32
    %convert_element_type3A_56 = arith.extui %lt3A_55 : i1 to i32
    %cond3A_57 = arith.constant 0 : i32
    %cond3A_58 = arith.cmpi ne, %convert_element_type3A_56, %cond3A_57 : i32
    scf.if %cond3A_58 {
      %add3A_98 = arith.constant 0 : i32
      %add3A_99 = arith.addi %mul3A_53, %add3A_98 : i32
      "tpu.region"() ({
        %run_scoped3A = tpu.sem_alloc : memref<!tpu.dma_semaphore, #tpu.memory_space<semaphore_mem>>
        %dma_start3A_106 = arith.constant 0 : i32
        %dma_start3A_107 = arith.constant 0 : i32
        %dma_start3A_108 = tpu.memref_slice %arg2[%add3A_51, %dma_start3A_106, %dma_start3A_107] : memref<4x10000x64xf32, #tpu.memory_space<hbm>> -> memref<1x10000x64xf32, #tpu.memory_space<hbm>>
        %dma_start3A_109 = tpu.memref_squeeze %dma_start3A_108 : memref<1x10000x64xf32, #tpu.memory_space<hbm>> -> memref<10000x64xf32, #tpu.memory_space<hbm>>
        %dma_start3A_110 = arith.constant 0 : i32
        %dma_start3A_111 = tpu.memref_slice %dma_start3A_109[%add3A_99, %dma_start3A_110] : memref<10000x64xf32, #tpu.memory_space<hbm>> -> memref<320x64xf32, #tpu.memory_space<hbm>>
        %dma_start3A_112 = arith.constant 0 : i32
        %dma_start3A_113 = arith.constant 0 : i32
        %dma_start3A_114 = tpu.memref_slice %arg2[%add3A_51, %dma_start3A_112, %dma_start3A_113] : memref<4x10000x64xf32, #tpu.memory_space<hbm>> -> memref<1x10000x64xf32, #tpu.memory_space<hbm>>
        %dma_start3A_115 = tpu.memref_squeeze %dma_start3A_114 : memref<1x10000x64xf32, #tpu.memory_space<hbm>> -> memref<10000x64xf32, #tpu.memory_space<hbm>>
        %dma_start3A_116 = arith.constant 0 : i32
        %dma_start3A_117 = tpu.memref_slice %dma_start3A_115[%add3A_99, %dma_start3A_116] : memref<10000x64xf32, #tpu.memory_space<hbm>> -> memref<320x64xf32, #tpu.memory_space<hbm>>
        tpu.enqueue_dma source(%dma_start3A_117 : memref<320x64xf32, #tpu.memory_space<hbm>>) target(%arg10 : memref<320x64xf32, #tpu.memory_space<vmem>>) target_semaphore(%run_scoped3A : memref<!tpu.dma_semaphore, #tpu.memory_space<semaphore_mem>>)
        %dma_wait3A = arith.constant 0 : i32
        %dma_wait3A_118 = arith.constant 0 : i32
        %dma_wait3A_119 = tpu.memref_slice %arg2[%add3A_51, %dma_wait3A, %dma_wait3A_118] : memref<4x10000x64xf32, #tpu.memory_space<hbm>> -> memref<1x10000x64xf32, #tpu.memory_space<hbm>>
        %dma_wait3A_120 = tpu.memref_squeeze %dma_wait3A_119 : memref<1x10000x64xf32, #tpu.memory_space<hbm>> -> memref<10000x64xf32, #tpu.memory_space<hbm>>
        %dma_wait3A_121 = arith.constant 0 : i32
        %dma_wait3A_122 = tpu.memref_slice %dma_wait3A_120[%add3A_99, %dma_wait3A_121] : memref<10000x64xf32, #tpu.memory_space<hbm>> -> memref<320x64xf32, #tpu.memory_space<hbm>>
        %dma_wait3A_123 = arith.constant 0 : i32
        %dma_wait3A_124 = arith.constant 0 : i32
        %dma_wait3A_125 = tpu.memref_slice %arg2[%add3A_51, %dma_wait3A_123, %dma_wait3A_124] : memref<4x10000x64xf32, #tpu.memory_space<hbm>> -> memref<1x10000x64xf32, #tpu.memory_space<hbm>>
        %dma_wait3A_126 = tpu.memref_squeeze %dma_wait3A_125 : memref<1x10000x64xf32, #tpu.memory_space<hbm>> -> memref<10000x64xf32, #tpu.memory_space<hbm>>
        %dma_wait3A_127 = arith.constant 0 : i32
        %dma_wait3A_128 = tpu.memref_slice %dma_wait3A_126[%add3A_99, %dma_wait3A_127] : memref<10000x64xf32, #tpu.memory_space<hbm>> -> memref<320x64xf32, #tpu.memory_space<hbm>>
        tpu.wait_dma2 semaphore(%run_scoped3A : memref<!tpu.dma_semaphore, #tpu.memory_space<semaphore_mem>>) src(%dma_wait3A_128 : memref<320x64xf32, #tpu.memory_space<hbm>>) dst(%arg10 : memref<320x64xf32, #tpu.memory_space<vmem>>)
        tpu.yield
      }) : () -> ()
      %add3A_100 = arith.constant 0 : i32
      %add3A_101 = arith.addi %mul3A_53, %add3A_100 : i32
      "tpu.region"() ({
        %run_scoped3A = tpu.sem_alloc : memref<!tpu.dma_semaphore, #tpu.memory_space<semaphore_mem>>
        %dma_start3A_106 = arith.constant 0 : i32
        %dma_start3A_107 = tpu.memref_slice %arg11[%add3A_101, %dma_start3A_106] : memref<10240x64xf32, #tpu.memory_space<vmem_shared>> -> memref<320x64xf32, #tpu.memory_space<vmem_shared>>
        %dma_start3A_108 = arith.constant 0 : i32
        %dma_start3A_109 = tpu.memref_slice %arg11[%add3A_101, %dma_start3A_108] : memref<10240x64xf32, #tpu.memory_space<vmem_shared>> -> memref<320x64xf32, #tpu.memory_space<vmem_shared>>
        tpu.enqueue_dma source(%arg10 : memref<320x64xf32, #tpu.memory_space<vmem>>) target(%dma_start3A_109 : memref<320x64xf32, #tpu.memory_space<vmem_shared>>) target_semaphore(%run_scoped3A : memref<!tpu.dma_semaphore, #tpu.memory_space<semaphore_mem>>)
        %dma_wait3A = arith.constant 0 : i32
        %dma_wait3A_110 = tpu.memref_slice %arg11[%add3A_101, %dma_wait3A] : memref<10240x64xf32, #tpu.memory_space<vmem_shared>> -> memref<320x64xf32, #tpu.memory_space<vmem_shared>>
        %dma_wait3A_111 = arith.constant 0 : i32
        %dma_wait3A_112 = tpu.memref_slice %arg11[%add3A_101, %dma_wait3A_111] : memref<10240x64xf32, #tpu.memory_space<vmem_shared>> -> memref<320x64xf32, #tpu.memory_space<vmem_shared>>
        tpu.wait_dma2 semaphore(%run_scoped3A : memref<!tpu.dma_semaphore, #tpu.memory_space<semaphore_mem>>) src(%arg10 : memref<320x64xf32, #tpu.memory_space<vmem>>) dst(%dma_wait3A_112 : memref<320x64xf32, #tpu.memory_space<vmem_shared>>)
        tpu.yield
      }) : () -> ()
      %add3A_102 = arith.constant 320 : i32
      %add3A_103 = arith.addi %mul3A_53, %add3A_102 : i32
      "tpu.region"() ({
        %run_scoped3A = tpu.sem_alloc : memref<!tpu.dma_semaphore, #tpu.memory_space<semaphore_mem>>
        %dma_start3A_106 = arith.constant 0 : i32
        %dma_start3A_107 = arith.constant 0 : i32
        %dma_start3A_108 = tpu.memref_slice %arg2[%add3A_51, %dma_start3A_106, %dma_start3A_107] : memref<4x10000x64xf32, #tpu.memory_space<hbm>> -> memref<1x10000x64xf32, #tpu.memory_space<hbm>>
        %dma_start3A_109 = tpu.memref_squeeze %dma_start3A_108 : memref<1x10000x64xf32, #tpu.memory_space<hbm>> -> memref<10000x64xf32, #tpu.memory_space<hbm>>
        %dma_start3A_110 = arith.constant 0 : i32
        %dma_start3A_111 = tpu.memref_slice %dma_start3A_109[%add3A_103, %dma_start3A_110] : memref<10000x64xf32, #tpu.memory_space<hbm>> -> memref<320x64xf32, #tpu.memory_space<hbm>>
        %dma_start3A_112 = arith.constant 0 : i32
        %dma_start3A_113 = arith.constant 0 : i32
        %dma_start3A_114 = tpu.memref_slice %arg2[%add3A_51, %dma_start3A_112, %dma_start3A_113] : memref<4x10000x64xf32, #tpu.memory_space<hbm>> -> memref<1x10000x64xf32, #tpu.memory_space<hbm>>
        %dma_start3A_115 = tpu.memref_squeeze %dma_start3A_114 : memref<1x10000x64xf32, #tpu.memory_space<hbm>> -> memref<10000x64xf32, #tpu.memory_space<hbm>>
        %dma_start3A_116 = arith.constant 0 : i32
        %dma_start3A_117 = tpu.memref_slice %dma_start3A_115[%add3A_103, %dma_start3A_116] : memref<10000x64xf32, #tpu.memory_space<hbm>> -> memref<320x64xf32, #tpu.memory_space<hbm>>
        tpu.enqueue_dma source(%dma_start3A_117 : memref<320x64xf32, #tpu.memory_space<hbm>>) target(%arg10 : memref<320x64xf32, #tpu.memory_space<vmem>>) target_semaphore(%run_scoped3A : memref<!tpu.dma_semaphore, #tpu.memory_space<semaphore_mem>>)
        %dma_wait3A = arith.constant 0 : i32
        %dma_wait3A_118 = arith.constant 0 : i32
        %dma_wait3A_119 = tpu.memref_slice %arg2[%add3A_51, %dma_wait3A, %dma_wait3A_118] : memref<4x10000x64xf32, #tpu.memory_space<hbm>> -> memref<1x10000x64xf32, #tpu.memory_space<hbm>>
        %dma_wait3A_120 = tpu.memref_squeeze %dma_wait3A_119 : memref<1x10000x64xf32, #tpu.memory_space<hbm>> -> memref<10000x64xf32, #tpu.memory_space<hbm>>
        %dma_wait3A_121 = arith.constant 0 : i32
        %dma_wait3A_122 = tpu.memref_slice %dma_wait3A_120[%add3A_103, %dma_wait3A_121] : memref<10000x64xf32, #tpu.memory_space<hbm>> -> memref<320x64xf32, #tpu.memory_space<hbm>>
        %dma_wait3A_123 = arith.constant 0 : i32
        %dma_wait3A_124 = arith.constant 0 : i32
        %dma_wait3A_125 = tpu.memref_slice %arg2[%add3A_51, %dma_wait3A_123, %dma_wait3A_124] : memref<4x10000x64xf32, #tpu.memory_space<hbm>> -> memref<1x10000x64xf32, #tpu.memory_space<hbm>>
        %dma_wait3A_126 = tpu.memref_squeeze %dma_wait3A_125 : memref<1x10000x64xf32, #tpu.memory_space<hbm>> -> memref<10000x64xf32, #tpu.memory_space<hbm>>
        %dma_wait3A_127 = arith.constant 0 : i32
        %dma_wait3A_128 = tpu.memref_slice %dma_wait3A_126[%add3A_103, %dma_wait3A_127] : memref<10000x64xf32, #tpu.memory_space<hbm>> -> memref<320x64xf32, #tpu.memory_space<hbm>>
        tpu.wait_dma2 semaphore(%run_scoped3A : memref<!tpu.dma_semaphore, #tpu.memory_space<semaphore_mem>>) src(%dma_wait3A_128 : memref<320x64xf32, #tpu.memory_space<hbm>>) dst(%arg10 : memref<320x64xf32, #tpu.memory_space<vmem>>)
        tpu.yield
      }) : () -> ()
      %add3A_104 = arith.constant 320 : i32
      %add3A_105 = arith.addi %mul3A_53, %add3A_104 : i32
      "tpu.region"() ({
        %run_scoped3A = tpu.sem_alloc : memref<!tpu.dma_semaphore, #tpu.memory_space<semaphore_mem>>
        %dma_start3A_106 = arith.constant 0 : i32
        %dma_start3A_107 = tpu.memref_slice %arg11[%add3A_105, %dma_start3A_106] : memref<10240x64xf32, #tpu.memory_space<vmem_shared>> -> memref<320x64xf32, #tpu.memory_space<vmem_shared>>
        %dma_start3A_108 = arith.constant 0 : i32
        %dma_start3A_109 = tpu.memref_slice %arg11[%add3A_105, %dma_start3A_108] : memref<10240x64xf32, #tpu.memory_space<vmem_shared>> -> memref<320x64xf32, #tpu.memory_space<vmem_shared>>
        tpu.enqueue_dma source(%arg10 : memref<320x64xf32, #tpu.memory_space<vmem>>) target(%dma_start3A_109 : memref<320x64xf32, #tpu.memory_space<vmem_shared>>) target_semaphore(%run_scoped3A : memref<!tpu.dma_semaphore, #tpu.memory_space<semaphore_mem>>)
        %dma_wait3A = arith.constant 0 : i32
        %dma_wait3A_110 = tpu.memref_slice %arg11[%add3A_105, %dma_wait3A] : memref<10240x64xf32, #tpu.memory_space<vmem_shared>> -> memref<320x64xf32, #tpu.memory_space<vmem_shared>>
        %dma_wait3A_111 = arith.constant 0 : i32
        %dma_wait3A_112 = tpu.memref_slice %arg11[%add3A_105, %dma_wait3A_111] : memref<10240x64xf32, #tpu.memory_space<vmem_shared>> -> memref<320x64xf32, #tpu.memory_space<vmem_shared>>
        tpu.wait_dma2 semaphore(%run_scoped3A : memref<!tpu.dma_semaphore, #tpu.memory_space<semaphore_mem>>) src(%arg10 : memref<320x64xf32, #tpu.memory_space<vmem>>) dst(%dma_wait3A_112 : memref<320x64xf32, #tpu.memory_space<vmem_shared>>)
        tpu.yield
      }) : () -> ()
    } else {
    }
    %eq3A_59 = arith.constant 15 : i32
    %eq3A_60 = arith.cmpi eq, %arg1, %eq3A_59 : i32
    %convert_element_type3A_61 = arith.extui %eq3A_60 : i1 to i32
    %cond3A_62 = arith.constant 0 : i32
    %cond3A_63 = arith.cmpi ne, %convert_element_type3A_61, %cond3A_62 : i32
    scf.if %cond3A_63 {
      "tpu.region"() ({
        %run_scoped3A = tpu.sem_alloc : memref<!tpu.dma_semaphore, #tpu.memory_space<semaphore_mem>>
        %dma_start3A_108 = arith.constant 0 : i32
        %dma_start3A_109 = arith.constant 0 : i32
        %dma_start3A_110 = tpu.memref_slice %arg2[%add3A_51, %dma_start3A_108, %dma_start3A_109] : memref<4x10000x64xf32, #tpu.memory_space<hbm>> -> memref<1x10000x64xf32, #tpu.memory_space<hbm>>
        %dma_start3A_111 = tpu.memref_squeeze %dma_start3A_110 : memref<1x10000x64xf32, #tpu.memory_space<hbm>> -> memref<10000x64xf32, #tpu.memory_space<hbm>>
        %dma_start3A_112 = arith.constant 0 : i32
        %dma_start3A_113 = tpu.memref_slice %dma_start3A_111[%mul3A_53, %dma_start3A_112] : memref<10000x64xf32, #tpu.memory_space<hbm>> -> memref<320x64xf32, #tpu.memory_space<hbm>>
        %dma_start3A_114 = arith.constant 0 : i32
        %dma_start3A_115 = arith.constant 0 : i32
        %dma_start3A_116 = tpu.memref_slice %arg2[%add3A_51, %dma_start3A_114, %dma_start3A_115] : memref<4x10000x64xf32, #tpu.memory_space<hbm>> -> memref<1x10000x64xf32, #tpu.memory_space<hbm>>
        %dma_start3A_117 = tpu.memref_squeeze %dma_start3A_116 : memref<1x10000x64xf32, #tpu.memory_space<hbm>> -> memref<10000x64xf32, #tpu.memory_space<hbm>>
        %dma_start3A_118 = arith.constant 0 : i32
        %dma_start3A_119 = tpu.memref_slice %dma_start3A_117[%mul3A_53, %dma_start3A_118] : memref<10000x64xf32, #tpu.memory_space<hbm>> -> memref<320x64xf32, #tpu.memory_space<hbm>>
        tpu.enqueue_dma source(%dma_start3A_119 : memref<320x64xf32, #tpu.memory_space<hbm>>) target(%arg10 : memref<320x64xf32, #tpu.memory_space<vmem>>) target_semaphore(%run_scoped3A : memref<!tpu.dma_semaphore, #tpu.memory_space<semaphore_mem>>)
        %dma_wait3A = arith.constant 0 : i32
        %dma_wait3A_120 = arith.constant 0 : i32
        %dma_wait3A_121 = tpu.memref_slice %arg2[%add3A_51, %dma_wait3A, %dma_wait3A_120] : memref<4x10000x64xf32, #tpu.memory_space<hbm>> -> memref<1x10000x64xf32, #tpu.memory_space<hbm>>
        %dma_wait3A_122 = tpu.memref_squeeze %dma_wait3A_121 : memref<1x10000x64xf32, #tpu.memory_space<hbm>> -> memref<10000x64xf32, #tpu.memory_space<hbm>>
        %dma_wait3A_123 = arith.constant 0 : i32
        %dma_wait3A_124 = tpu.memref_slice %dma_wait3A_122[%mul3A_53, %dma_wait3A_123] : memref<10000x64xf32, #tpu.memory_space<hbm>> -> memref<320x64xf32, #tpu.memory_space<hbm>>
        %dma_wait3A_125 = arith.constant 0 : i32
        %dma_wait3A_126 = arith.constant 0 : i32
        %dma_wait3A_127 = tpu.memref_slice %arg2[%add3A_51, %dma_wait3A_125, %dma_wait3A_126] : memref<4x10000x64xf32, #tpu.memory_space<hbm>> -> memref<1x10000x64xf32, #tpu.memory_space<hbm>>
        %dma_wait3A_128 = tpu.memref_squeeze %dma_wait3A_127 : memref<1x10000x64xf32, #tpu.memory_space<hbm>> -> memref<10000x64xf32, #tpu.memory_space<hbm>>
        %dma_wait3A_129 = arith.constant 0 : i32
        %dma_wait3A_130 = tpu.memref_slice %dma_wait3A_128[%mul3A_53, %dma_wait3A_129] : memref<10000x64xf32, #tpu.memory_space<hbm>> -> memref<320x64xf32, #tpu.memory_space<hbm>>
        tpu.wait_dma2 semaphore(%run_scoped3A : memref<!tpu.dma_semaphore, #tpu.memory_space<semaphore_mem>>) src(%dma_wait3A_130 : memref<320x64xf32, #tpu.memory_space<hbm>>) dst(%arg10 : memref<320x64xf32, #tpu.memory_space<vmem>>)
        tpu.yield
      }) : () -> ()
      "tpu.region"() ({
        %run_scoped3A = tpu.sem_alloc : memref<!tpu.dma_semaphore, #tpu.memory_space<semaphore_mem>>
        %dma_start3A_108 = arith.constant 0 : i32
        %dma_start3A_109 = tpu.memref_slice %arg11[%mul3A_53, %dma_start3A_108] : memref<10240x64xf32, #tpu.memory_space<vmem_shared>> -> memref<320x64xf32, #tpu.memory_space<vmem_shared>>
        %dma_start3A_110 = arith.constant 0 : i32
        %dma_start3A_111 = tpu.memref_slice %arg11[%mul3A_53, %dma_start3A_110] : memref<10240x64xf32, #tpu.memory_space<vmem_shared>> -> memref<320x64xf32, #tpu.memory_space<vmem_shared>>
        tpu.enqueue_dma source(%arg10 : memref<320x64xf32, #tpu.memory_space<vmem>>) target(%dma_start3A_111 : memref<320x64xf32, #tpu.memory_space<vmem_shared>>) target_semaphore(%run_scoped3A : memref<!tpu.dma_semaphore, #tpu.memory_space<semaphore_mem>>)
        %dma_wait3A = arith.constant 0 : i32
        %dma_wait3A_112 = tpu.memref_slice %arg11[%mul3A_53, %dma_wait3A] : memref<10240x64xf32, #tpu.memory_space<vmem_shared>> -> memref<320x64xf32, #tpu.memory_space<vmem_shared>>
        %dma_wait3A_113 = arith.constant 0 : i32
        %dma_wait3A_114 = tpu.memref_slice %arg11[%mul3A_53, %dma_wait3A_113] : memref<10240x64xf32, #tpu.memory_space<vmem_shared>> -> memref<320x64xf32, #tpu.memory_space<vmem_shared>>
        tpu.wait_dma2 semaphore(%run_scoped3A : memref<!tpu.dma_semaphore, #tpu.memory_space<semaphore_mem>>) src(%arg10 : memref<320x64xf32, #tpu.memory_space<vmem>>) dst(%dma_wait3A_114 : memref<320x64xf32, #tpu.memory_space<vmem_shared>>)
        tpu.yield
      }) : () -> ()
      %add3A_98 = arith.constant 320 : i32
      %add3A_99 = arith.addi %mul3A_53, %add3A_98 : i32
      "tpu.region"() ({
        %run_scoped3A = tpu.sem_alloc : memref<!tpu.dma_semaphore, #tpu.memory_space<semaphore_mem>>
        %dma_start3A_108 = arith.constant 0 : i32
        %dma_start3A_109 = arith.constant 0 : i32
        %dma_start3A_110 = tpu.memref_slice %arg10[%dma_start3A_108, %dma_start3A_109] : memref<320x64xf32, #tpu.memory_space<vmem>> -> memref<80x64xf32, #tpu.memory_space<vmem>>
        %dma_start3A_111 = arith.constant 0 : i32
        %dma_start3A_112 = arith.constant 0 : i32
        %dma_start3A_113 = tpu.memref_slice %arg2[%add3A_51, %dma_start3A_111, %dma_start3A_112] : memref<4x10000x64xf32, #tpu.memory_space<hbm>> -> memref<1x10000x64xf32, #tpu.memory_space<hbm>>
        %dma_start3A_114 = tpu.memref_squeeze %dma_start3A_113 : memref<1x10000x64xf32, #tpu.memory_space<hbm>> -> memref<10000x64xf32, #tpu.memory_space<hbm>>
        %dma_start3A_115 = arith.constant 0 : i32
        %dma_start3A_116 = tpu.memref_slice %dma_start3A_114[%add3A_99, %dma_start3A_115] : memref<10000x64xf32, #tpu.memory_space<hbm>> -> memref<80x64xf32, #tpu.memory_space<hbm>>
        %dma_start3A_117 = arith.constant 0 : i32
        %dma_start3A_118 = arith.constant 0 : i32
        %dma_start3A_119 = tpu.memref_slice %arg10[%dma_start3A_117, %dma_start3A_118] : memref<320x64xf32, #tpu.memory_space<vmem>> -> memref<80x64xf32, #tpu.memory_space<vmem>>
        %dma_start3A_120 = arith.constant 0 : i32
        %dma_start3A_121 = arith.constant 0 : i32
        %dma_start3A_122 = tpu.memref_slice %arg2[%add3A_51, %dma_start3A_120, %dma_start3A_121] : memref<4x10000x64xf32, #tpu.memory_space<hbm>> -> memref<1x10000x64xf32, #tpu.memory_space<hbm>>
        %dma_start3A_123 = tpu.memref_squeeze %dma_start3A_122 : memref<1x10000x64xf32, #tpu.memory_space<hbm>> -> memref<10000x64xf32, #tpu.memory_space<hbm>>
        %dma_start3A_124 = arith.constant 0 : i32
        %dma_start3A_125 = tpu.memref_slice %dma_start3A_123[%add3A_99, %dma_start3A_124] : memref<10000x64xf32, #tpu.memory_space<hbm>> -> memref<80x64xf32, #tpu.memory_space<hbm>>
        tpu.enqueue_dma source(%dma_start3A_125 : memref<80x64xf32, #tpu.memory_space<hbm>>) target(%dma_start3A_119 : memref<80x64xf32, #tpu.memory_space<vmem>>) target_semaphore(%run_scoped3A : memref<!tpu.dma_semaphore, #tpu.memory_space<semaphore_mem>>)
        %dma_wait3A = arith.constant 0 : i32
        %dma_wait3A_126 = arith.constant 0 : i32
        %dma_wait3A_127 = tpu.memref_slice %arg10[%dma_wait3A, %dma_wait3A_126] : memref<320x64xf32, #tpu.memory_space<vmem>> -> memref<80x64xf32, #tpu.memory_space<vmem>>
        %dma_wait3A_128 = arith.constant 0 : i32
        %dma_wait3A_129 = arith.constant 0 : i32
        %dma_wait3A_130 = tpu.memref_slice %arg2[%add3A_51, %dma_wait3A_128, %dma_wait3A_129] : memref<4x10000x64xf32, #tpu.memory_space<hbm>> -> memref<1x10000x64xf32, #tpu.memory_space<hbm>>
        %dma_wait3A_131 = tpu.memref_squeeze %dma_wait3A_130 : memref<1x10000x64xf32, #tpu.memory_space<hbm>> -> memref<10000x64xf32, #tpu.memory_space<hbm>>
        %dma_wait3A_132 = arith.constant 0 : i32
        %dma_wait3A_133 = tpu.memref_slice %dma_wait3A_131[%add3A_99, %dma_wait3A_132] : memref<10000x64xf32, #tpu.memory_space<hbm>> -> memref<80x64xf32, #tpu.memory_space<hbm>>
        %dma_wait3A_134 = arith.constant 0 : i32
        %dma_wait3A_135 = arith.constant 0 : i32
        %dma_wait3A_136 = tpu.memref_slice %arg10[%dma_wait3A_134, %dma_wait3A_135] : memref<320x64xf32, #tpu.memory_space<vmem>> -> memref<80x64xf32, #tpu.memory_space<vmem>>
        %dma_wait3A_137 = arith.constant 0 : i32
        %dma_wait3A_138 = arith.constant 0 : i32
        %dma_wait3A_139 = tpu.memref_slice %arg2[%add3A_51, %dma_wait3A_137, %dma_wait3A_138] : memref<4x10000x64xf32, #tpu.memory_space<hbm>> -> memref<1x10000x64xf32, #tpu.memory_space<hbm>>
        %dma_wait3A_140 = tpu.memref_squeeze %dma_wait3A_139 : memref<1x10000x64xf32, #tpu.memory_space<hbm>> -> memref<10000x64xf32, #tpu.memory_space<hbm>>
        %dma_wait3A_141 = arith.constant 0 : i32
        %dma_wait3A_142 = tpu.memref_slice %dma_wait3A_140[%add3A_99, %dma_wait3A_141] : memref<10000x64xf32, #tpu.memory_space<hbm>> -> memref<80x64xf32, #tpu.memory_space<hbm>>
        tpu.wait_dma2 semaphore(%run_scoped3A : memref<!tpu.dma_semaphore, #tpu.memory_space<semaphore_mem>>) src(%dma_wait3A_142 : memref<80x64xf32, #tpu.memory_space<hbm>>) dst(%dma_wait3A_136 : memref<80x64xf32, #tpu.memory_space<vmem>>)
        tpu.yield
      }) : () -> ()
      %add3A_100 = arith.constant 320 : i32
      %add3A_101 = arith.addi %mul3A_53, %add3A_100 : i32
      "tpu.region"() ({
        %run_scoped3A = tpu.sem_alloc : memref<!tpu.dma_semaphore, #tpu.memory_space<semaphore_mem>>
        %dma_start3A_108 = arith.constant 0 : i32
        %dma_start3A_109 = arith.constant 0 : i32
        %dma_start3A_110 = tpu.memref_slice %arg10[%dma_start3A_108, %dma_start3A_109] : memref<320x64xf32, #tpu.memory_space<vmem>> -> memref<80x64xf32, #tpu.memory_space<vmem>>
        %dma_start3A_111 = arith.constant 0 : i32
        %dma_start3A_112 = tpu.memref_slice %arg11[%add3A_101, %dma_start3A_111] : memref<10240x64xf32, #tpu.memory_space<vmem_shared>> -> memref<80x64xf32, #tpu.memory_space<vmem_shared>>
        %dma_start3A_113 = arith.constant 0 : i32
        %dma_start3A_114 = tpu.memref_slice %arg11[%add3A_101, %dma_start3A_113] : memref<10240x64xf32, #tpu.memory_space<vmem_shared>> -> memref<80x64xf32, #tpu.memory_space<vmem_shared>>
        %dma_start3A_115 = arith.constant 0 : i32
        %dma_start3A_116 = arith.constant 0 : i32
        %dma_start3A_117 = tpu.memref_slice %arg10[%dma_start3A_115, %dma_start3A_116] : memref<320x64xf32, #tpu.memory_space<vmem>> -> memref<80x64xf32, #tpu.memory_space<vmem>>
        tpu.enqueue_dma source(%dma_start3A_117 : memref<80x64xf32, #tpu.memory_space<vmem>>) target(%dma_start3A_114 : memref<80x64xf32, #tpu.memory_space<vmem_shared>>) target_semaphore(%run_scoped3A : memref<!tpu.dma_semaphore, #tpu.memory_space<semaphore_mem>>)
        %dma_wait3A = arith.constant 0 : i32
        %dma_wait3A_118 = arith.constant 0 : i32
        %dma_wait3A_119 = tpu.memref_slice %arg10[%dma_wait3A, %dma_wait3A_118] : memref<320x64xf32, #tpu.memory_space<vmem>> -> memref<80x64xf32, #tpu.memory_space<vmem>>
        %dma_wait3A_120 = arith.constant 0 : i32
        %dma_wait3A_121 = tpu.memref_slice %arg11[%add3A_101, %dma_wait3A_120] : memref<10240x64xf32, #tpu.memory_space<vmem_shared>> -> memref<80x64xf32, #tpu.memory_space<vmem_shared>>
        %dma_wait3A_122 = arith.constant 0 : i32
        %dma_wait3A_123 = tpu.memref_slice %arg11[%add3A_101, %dma_wait3A_122] : memref<10240x64xf32, #tpu.memory_space<vmem_shared>> -> memref<80x64xf32, #tpu.memory_space<vmem_shared>>
        %dma_wait3A_124 = arith.constant 0 : i32
        %dma_wait3A_125 = arith.constant 0 : i32
        %dma_wait3A_126 = tpu.memref_slice %arg10[%dma_wait3A_124, %dma_wait3A_125] : memref<320x64xf32, #tpu.memory_space<vmem>> -> memref<80x64xf32, #tpu.memory_space<vmem>>
        tpu.wait_dma2 semaphore(%run_scoped3A : memref<!tpu.dma_semaphore, #tpu.memory_space<semaphore_mem>>) src(%dma_wait3A_126 : memref<80x64xf32, #tpu.memory_space<vmem>>) dst(%dma_wait3A_123 : memref<80x64xf32, #tpu.memory_space<vmem_shared>>)
        tpu.yield
      }) : () -> ()
      %scan3A_102 = arith.constant 0 : i32
      %scan3A_103 = arith.constant 0 : i32
      %scan3A_104 = arith.constant 3 : i32
      %scan3A_105 = arith.addi %scan3A_103, %scan3A_104 : i32
      %scan3A_106 = arith.constant 1 : i32
      scf.for %scan3A_108 = %scan3A_103 to %scan3A_105 step %scan3A_106  : i32 {
        %mul3A_109 = arith.constant 80 : i32
        %mul3A_110 = arith.muli %scan3A_108, %mul3A_109 : i32
        %add3A_111 = arith.constant 10000 : i32
        %add3A_112 = arith.addi %add3A_111, %mul3A_110 : i32
        "tpu.region"() ({
          %run_scoped3A = tpu.sem_alloc : memref<!tpu.dma_semaphore, #tpu.memory_space<semaphore_mem>>
          %dma_start3A_113 = arith.constant 0 : i32
          %dma_start3A_114 = tpu.memref_slice %arg11[%add3A_112, %dma_start3A_113] : memref<10240x64xf32, #tpu.memory_space<vmem_shared>> -> memref<80x64xf32, #tpu.memory_space<vmem_shared>>
          %dma_start3A_115 = arith.constant 0 : i32
          %dma_start3A_116 = tpu.memref_slice %arg11[%add3A_112, %dma_start3A_115] : memref<10240x64xf32, #tpu.memory_space<vmem_shared>> -> memref<80x64xf32, #tpu.memory_space<vmem_shared>>
          tpu.enqueue_dma source(%arg9 : memref<80x64xf32, #tpu.memory_space<vmem>>) target(%dma_start3A_116 : memref<80x64xf32, #tpu.memory_space<vmem_shared>>) target_semaphore(%run_scoped3A : memref<!tpu.dma_semaphore, #tpu.memory_space<semaphore_mem>>)
          %dma_wait3A = arith.constant 0 : i32
          %dma_wait3A_117 = tpu.memref_slice %arg11[%add3A_112, %dma_wait3A] : memref<10240x64xf32, #tpu.memory_space<vmem_shared>> -> memref<80x64xf32, #tpu.memory_space<vmem_shared>>
          %dma_wait3A_118 = arith.constant 0 : i32
          %dma_wait3A_119 = tpu.memref_slice %arg11[%add3A_112, %dma_wait3A_118] : memref<10240x64xf32, #tpu.memory_space<vmem_shared>> -> memref<80x64xf32, #tpu.memory_space<vmem_shared>>
          tpu.wait_dma2 semaphore(%run_scoped3A : memref<!tpu.dma_semaphore, #tpu.memory_space<semaphore_mem>>) src(%arg9 : memref<80x64xf32, #tpu.memory_space<vmem>>) dst(%dma_wait3A_119 : memref<80x64xf32, #tpu.memory_space<vmem_shared>>)
          tpu.yield
        }) : () -> ()
      }
      %scan3A_107 = arith.constant 3 : i32
    } else {
    }
    %barrier3A_64 = arith.constant 0 : index
    tpu.barrier barrier_id(%barrier3A_64)
    %dma_start3A_65 = arith.constant 0 : i32
    %dma_start3A_66 = arith.constant 0 : i32
    %dma_start3A_67 = arith.constant 0 : i32
    %dma_start3A_68 = arith.constant 0 : i32
    %dma_start3A_69 = tpu.memref_slice %arg8[%dma_start3A_66, %dma_start3A_67, %dma_start3A_68] : memref<2x125x64xf32, #tpu.memory_space<vmem>> -> memref<1x125x64xf32, #tpu.memory_space<vmem>>
    %dma_start3A_70 = tpu.memref_squeeze %dma_start3A_69 : memref<1x125x64xf32, #tpu.memory_space<vmem>> -> memref<125x64xf32, #tpu.memory_space<vmem>>
    %dma_start3A_71 = arith.constant 0 : i32
    %dma_start3A_72 = tpu.memref_slice %arg6[%dma_start3A_65, %dma_start3A_71] : memref<80x125xi32, #tpu.memory_space<vmem>> -> memref<1x125xi32, #tpu.memory_space<vmem>>
    %dma_start3A_73 = tpu.memref_squeeze %dma_start3A_72 : memref<1x125xi32, #tpu.memory_space<vmem>> -> memref<125xi32, #tpu.memory_space<vmem>>
    %dma_start3A_74 = arith.constant 0 : i32
    %dma_start3A_75 = arith.constant 0 : i32
    %dma_start3A_76 = tpu.memref_slice %arg2[%add3A_51, %dma_start3A_74, %dma_start3A_75] : memref<4x10000x64xf32, #tpu.memory_space<hbm>> -> memref<1x10000x64xf32, #tpu.memory_space<hbm>>
    %dma_start3A_77 = tpu.memref_squeeze %dma_start3A_76 : memref<1x10000x64xf32, #tpu.memory_space<hbm>> -> memref<10000x64xf32, #tpu.memory_space<hbm>>
    %dma_start3A_78 = arith.constant 0 : i32
    %dma_start3A_79 = arith.constant 0 : i32
    %dma_start3A_80 = tpu.memref_slice %dma_start3A_77[%dma_start3A_78, %dma_start3A_79] : memref<10000x64xf32, #tpu.memory_space<hbm>> -> memref<10000x64xf32, #tpu.memory_space<hbm>>
    tpu.enqueue_indirect_dma source(%dma_start3A_80 : memref<10000x64xf32, #tpu.memory_space<hbm>>) target(%dma_start3A_70 : memref<125x64xf32, #tpu.memory_space<vmem>>) offsets(%dma_start3A_73 : memref<125xi32, #tpu.memory_space<vmem>>) semaphore(%arg12 : memref<!tpu.dma_semaphore, #tpu.memory_space<semaphore_mem>>)
    %scan3A_81 = arith.constant 0 : i32
    %scan3A_82 = arith.constant 0 : i32
    %scan3A_83 = arith.constant 40 : i32
    %scan3A_84 = arith.addi %scan3A_82, %scan3A_83 : i32
    %scan3A_85 = arith.constant 1 : i32
    scf.for %scan3A_98 = %scan3A_82 to %scan3A_84 step %scan3A_85  : i32 {
      %mul3A_99 = arith.constant 2 : i32
      %mul3A_100 = arith.muli %mul3A_99, %scan3A_98 : i32
      %mul3A_101 = arith.constant 2 : i32
      %mul3A_102 = arith.muli %mul3A_101, %scan3A_98 : i32
      %add3A_103 = arith.constant 1 : i32
      %add3A_104 = arith.addi %mul3A_102, %add3A_103 : i32
      %dma_start3A_105 = arith.constant 1 : i32
      %dma_start3A_106 = arith.constant 0 : i32
      %dma_start3A_107 = arith.constant 0 : i32
      %dma_start3A_108 = tpu.memref_slice %arg8[%dma_start3A_105, %dma_start3A_106, %dma_start3A_107] : memref<2x125x64xf32, #tpu.memory_space<vmem>> -> memref<1x125x64xf32, #tpu.memory_space<vmem>>
      %dma_start3A_109 = tpu.memref_squeeze %dma_start3A_108 : memref<1x125x64xf32, #tpu.memory_space<vmem>> -> memref<125x64xf32, #tpu.memory_space<vmem>>
      %dma_start3A_110 = arith.constant 0 : i32
      %dma_start3A_111 = tpu.memref_slice %arg6[%add3A_104, %dma_start3A_110] : memref<80x125xi32, #tpu.memory_space<vmem>> -> memref<1x125xi32, #tpu.memory_space<vmem>>
      %dma_start3A_112 = tpu.memref_squeeze %dma_start3A_111 : memref<1x125xi32, #tpu.memory_space<vmem>> -> memref<125xi32, #tpu.memory_space<vmem>>
      %dma_start3A_113 = arith.constant 0 : i32
      %dma_start3A_114 = arith.constant 0 : i32
      %dma_start3A_115 = tpu.memref_slice %arg2[%add3A_51, %dma_start3A_113, %dma_start3A_114] : memref<4x10000x64xf32, #tpu.memory_space<hbm>> -> memref<1x10000x64xf32, #tpu.memory_space<hbm>>
      %dma_start3A_116 = tpu.memref_squeeze %dma_start3A_115 : memref<1x10000x64xf32, #tpu.memory_space<hbm>> -> memref<10000x64xf32, #tpu.memory_space<hbm>>
      %dma_start3A_117 = arith.constant 0 : i32
      %dma_start3A_118 = arith.constant 0 : i32
      %dma_start3A_119 = tpu.memref_slice %dma_start3A_116[%dma_start3A_117, %dma_start3A_118] : memref<10000x64xf32, #tpu.memory_space<hbm>> -> memref<10000x64xf32, #tpu.memory_space<hbm>>
      tpu.enqueue_indirect_dma source(%dma_start3A_119 : memref<10000x64xf32, #tpu.memory_space<hbm>>) target(%dma_start3A_109 : memref<125x64xf32, #tpu.memory_space<vmem>>) offsets(%dma_start3A_112 : memref<125xi32, #tpu.memory_space<vmem>>) semaphore(%arg13 : memref<!tpu.dma_semaphore, #tpu.memory_space<semaphore_mem>>)
      %dma_wait3A = arith.constant 0 : i32
      %dma_wait3A_120 = arith.constant 0 : i32
      %dma_wait3A_121 = arith.constant 0 : i32
      %dma_wait3A_122 = tpu.memref_slice %arg8[%dma_wait3A, %dma_wait3A_120, %dma_wait3A_121] : memref<2x125x64xf32, #tpu.memory_space<vmem>> -> memref<1x125x64xf32, #tpu.memory_space<vmem>>
      %dma_wait3A_123 = tpu.memref_squeeze %dma_wait3A_122 : memref<1x125x64xf32, #tpu.memory_space<vmem>> -> memref<125x64xf32, #tpu.memory_space<vmem>>
      %dma_wait3A_124 = arith.constant 0 : i32
      %dma_wait3A_125 = tpu.memref_slice %arg6[%mul3A_100, %dma_wait3A_124] : memref<80x125xi32, #tpu.memory_space<vmem>> -> memref<1x125xi32, #tpu.memory_space<vmem>>
      %dma_wait3A_126 = tpu.memref_squeeze %dma_wait3A_125 : memref<1x125xi32, #tpu.memory_space<vmem>> -> memref<125xi32, #tpu.memory_space<vmem>>
      %dma_wait3A_127 = arith.constant 0 : i32
      %dma_wait3A_128 = arith.constant 0 : i32
      %dma_wait3A_129 = tpu.memref_slice %arg2[%add3A_51, %dma_wait3A_127, %dma_wait3A_128] : memref<4x10000x64xf32, #tpu.memory_space<hbm>> -> memref<1x10000x64xf32, #tpu.memory_space<hbm>>
      %dma_wait3A_130 = tpu.memref_squeeze %dma_wait3A_129 : memref<1x10000x64xf32, #tpu.memory_space<hbm>> -> memref<10000x64xf32, #tpu.memory_space<hbm>>
      %dma_wait3A_131 = arith.constant 0 : i32
      %dma_wait3A_132 = arith.constant 0 : i32
      %dma_wait3A_133 = tpu.memref_slice %dma_wait3A_130[%dma_wait3A_131, %dma_wait3A_132] : memref<10000x64xf32, #tpu.memory_space<hbm>> -> memref<10000x64xf32, #tpu.memory_space<hbm>>
      tpu.wait_indirect_dma semaphore(%arg12 : memref<!tpu.dma_semaphore, #tpu.memory_space<semaphore_mem>>) src(%dma_wait3A_133 : memref<10000x64xf32, #tpu.memory_space<hbm>>) dst(%dma_wait3A_123 : memref<125x64xf32, #tpu.memory_space<vmem>>)
      %run_scoped3A = arith.constant 0 : i32
      "tpu.region"() ({
        %run_scoped3A_155 = tpu.sem_alloc : memref<!tpu.dma_semaphore, #tpu.memory_space<semaphore_mem>>
        %dma_start3A_156 = arith.constant 0 : i32
        %dma_start3A_157 = arith.constant 0 : i32
        %dma_start3A_158 = tpu.memref_slice %arg8[%run_scoped3A, %dma_start3A_156, %dma_start3A_157] : memref<2x125x64xf32, #tpu.memory_space<vmem>> -> memref<1x125x64xf32, #tpu.memory_space<vmem>>
        %dma_start3A_159 = tpu.memref_squeeze %dma_start3A_158 : memref<1x125x64xf32, #tpu.memory_space<vmem>> -> memref<125x64xf32, #tpu.memory_space<vmem>>
        %dma_start3A_160 = arith.constant 0 : i32
        %dma_start3A_161 = tpu.memref_slice %arg7[%mul3A_100, %dma_start3A_160] : memref<80x125xi32, #tpu.memory_space<vmem>> -> memref<1x125xi32, #tpu.memory_space<vmem>>
        %dma_start3A_162 = tpu.memref_squeeze %dma_start3A_161 : memref<1x125xi32, #tpu.memory_space<vmem>> -> memref<125xi32, #tpu.memory_space<vmem>>
        %dma_start3A_163 = arith.constant 0 : i32
        %dma_start3A_164 = arith.constant 0 : i32
        %dma_start3A_165 = tpu.memref_slice %arg11[%dma_start3A_163, %dma_start3A_164] : memref<10240x64xf32, #tpu.memory_space<vmem_shared>> -> memref<10240x64xf32, #tpu.memory_space<vmem_shared>>
        tpu.enqueue_indirect_dma source(%dma_start3A_159 : memref<125x64xf32, #tpu.memory_space<vmem>>) target(%dma_start3A_165 : memref<10240x64xf32, #tpu.memory_space<vmem_shared>>) offsets(%dma_start3A_162 : memref<125xi32, #tpu.memory_space<vmem>>) semaphore(%run_scoped3A_155 : memref<!tpu.dma_semaphore, #tpu.memory_space<semaphore_mem>>) {add = true}
        %dma_wait3A_166 = arith.constant 0 : i32
        %dma_wait3A_167 = arith.constant 0 : i32
        %dma_wait3A_168 = tpu.memref_slice %arg8[%run_scoped3A, %dma_wait3A_166, %dma_wait3A_167] : memref<2x125x64xf32, #tpu.memory_space<vmem>> -> memref<1x125x64xf32, #tpu.memory_space<vmem>>
        %dma_wait3A_169 = tpu.memref_squeeze %dma_wait3A_168 : memref<1x125x64xf32, #tpu.memory_space<vmem>> -> memref<125x64xf32, #tpu.memory_space<vmem>>
        %dma_wait3A_170 = arith.constant 0 : i32
        %dma_wait3A_171 = tpu.memref_slice %arg7[%mul3A_100, %dma_wait3A_170] : memref<80x125xi32, #tpu.memory_space<vmem>> -> memref<1x125xi32, #tpu.memory_space<vmem>>
        %dma_wait3A_172 = tpu.memref_squeeze %dma_wait3A_171 : memref<1x125xi32, #tpu.memory_space<vmem>> -> memref<125xi32, #tpu.memory_space<vmem>>
        %dma_wait3A_173 = arith.constant 0 : i32
        %dma_wait3A_174 = arith.constant 0 : i32
        %dma_wait3A_175 = tpu.memref_slice %arg11[%dma_wait3A_173, %dma_wait3A_174] : memref<10240x64xf32, #tpu.memory_space<vmem_shared>> -> memref<10240x64xf32, #tpu.memory_space<vmem_shared>>
        tpu.wait_indirect_dma semaphore(%run_scoped3A_155 : memref<!tpu.dma_semaphore, #tpu.memory_space<semaphore_mem>>) src(%dma_wait3A_169 : memref<125x64xf32, #tpu.memory_space<vmem>>) dst(%dma_wait3A_175 : memref<10240x64xf32, #tpu.memory_space<vmem_shared>>)
        tpu.yield
      }) : () -> ()
      %lt3A_134 = arith.constant 39 : i32
      %lt3A_135 = arith.cmpi slt, %scan3A_98, %lt3A_134 : i32
      %convert_element_type3A_136 = arith.extui %lt3A_135 : i1 to i32
      %cond3A_137 = arith.constant 0 : i32
      %cond3A_138 = arith.cmpi ne, %convert_element_type3A_136, %cond3A_137 : i32
      scf.if %cond3A_138 {
        %add3A_155 = arith.constant 2 : i32
        %add3A_156 = arith.addi %mul3A_100, %add3A_155 : i32
        %dma_start3A_157 = arith.constant 0 : i32
        %dma_start3A_158 = arith.constant 0 : i32
        %dma_start3A_159 = arith.constant 0 : i32
        %dma_start3A_160 = tpu.memref_slice %arg8[%dma_start3A_157, %dma_start3A_158, %dma_start3A_159] : memref<2x125x64xf32, #tpu.memory_space<vmem>> -> memref<1x125x64xf32, #tpu.memory_space<vmem>>
        %dma_start3A_161 = tpu.memref_squeeze %dma_start3A_160 : memref<1x125x64xf32, #tpu.memory_space<vmem>> -> memref<125x64xf32, #tpu.memory_space<vmem>>
        %dma_start3A_162 = arith.constant 0 : i32
        %dma_start3A_163 = tpu.memref_slice %arg6[%add3A_156, %dma_start3A_162] : memref<80x125xi32, #tpu.memory_space<vmem>> -> memref<1x125xi32, #tpu.memory_space<vmem>>
        %dma_start3A_164 = tpu.memref_squeeze %dma_start3A_163 : memref<1x125xi32, #tpu.memory_space<vmem>> -> memref<125xi32, #tpu.memory_space<vmem>>
        %dma_start3A_165 = arith.constant 0 : i32
        %dma_start3A_166 = arith.constant 0 : i32
        %dma_start3A_167 = tpu.memref_slice %arg2[%add3A_51, %dma_start3A_165, %dma_start3A_166] : memref<4x10000x64xf32, #tpu.memory_space<hbm>> -> memref<1x10000x64xf32, #tpu.memory_space<hbm>>
        %dma_start3A_168 = tpu.memref_squeeze %dma_start3A_167 : memref<1x10000x64xf32, #tpu.memory_space<hbm>> -> memref<10000x64xf32, #tpu.memory_space<hbm>>
        %dma_start3A_169 = arith.constant 0 : i32
        %dma_start3A_170 = arith.constant 0 : i32
        %dma_start3A_171 = tpu.memref_slice %dma_start3A_168[%dma_start3A_169, %dma_start3A_170] : memref<10000x64xf32, #tpu.memory_space<hbm>> -> memref<10000x64xf32, #tpu.memory_space<hbm>>
        tpu.enqueue_indirect_dma source(%dma_start3A_171 : memref<10000x64xf32, #tpu.memory_space<hbm>>) target(%dma_start3A_161 : memref<125x64xf32, #tpu.memory_space<vmem>>) offsets(%dma_start3A_164 : memref<125xi32, #tpu.memory_space<vmem>>) semaphore(%arg12 : memref<!tpu.dma_semaphore, #tpu.memory_space<semaphore_mem>>)
      } else {
      }
      %dma_wait3A_139 = arith.constant 1 : i32
      %dma_wait3A_140 = arith.constant 0 : i32
      %dma_wait3A_141 = arith.constant 0 : i32
      %dma_wait3A_142 = tpu.memref_slice %arg8[%dma_wait3A_139, %dma_wait3A_140, %dma_wait3A_141] : memref<2x125x64xf32, #tpu.memory_space<vmem>> -> memref<1x125x64xf32, #tpu.memory_space<vmem>>
      %dma_wait3A_143 = tpu.memref_squeeze %dma_wait3A_142 : memref<1x125x64xf32, #tpu.memory_space<vmem>> -> memref<125x64xf32, #tpu.memory_space<vmem>>
      %dma_wait3A_144 = arith.constant 0 : i32
      %dma_wait3A_145 = tpu.memref_slice %arg6[%add3A_104, %dma_wait3A_144] : memref<80x125xi32, #tpu.memory_space<vmem>> -> memref<1x125xi32, #tpu.memory_space<vmem>>
      %dma_wait3A_146 = tpu.memref_squeeze %dma_wait3A_145 : memref<1x125xi32, #tpu.memory_space<vmem>> -> memref<125xi32, #tpu.memory_space<vmem>>
      %dma_wait3A_147 = arith.constant 0 : i32
      %dma_wait3A_148 = arith.constant 0 : i32
      %dma_wait3A_149 = tpu.memref_slice %arg2[%add3A_51, %dma_wait3A_147, %dma_wait3A_148] : memref<4x10000x64xf32, #tpu.memory_space<hbm>> -> memref<1x10000x64xf32, #tpu.memory_space<hbm>>
      %dma_wait3A_150 = tpu.memref_squeeze %dma_wait3A_149 : memref<1x10000x64xf32, #tpu.memory_space<hbm>> -> memref<10000x64xf32, #tpu.memory_space<hbm>>
      %dma_wait3A_151 = arith.constant 0 : i32
      %dma_wait3A_152 = arith.constant 0 : i32
      %dma_wait3A_153 = tpu.memref_slice %dma_wait3A_150[%dma_wait3A_151, %dma_wait3A_152] : memref<10000x64xf32, #tpu.memory_space<hbm>> -> memref<10000x64xf32, #tpu.memory_space<hbm>>
      tpu.wait_indirect_dma semaphore(%arg13 : memref<!tpu.dma_semaphore, #tpu.memory_space<semaphore_mem>>) src(%dma_wait3A_153 : memref<10000x64xf32, #tpu.memory_space<hbm>>) dst(%dma_wait3A_143 : memref<125x64xf32, #tpu.memory_space<vmem>>)
      %run_scoped3A_154 = arith.constant 1 : i32
      "tpu.region"() ({
        %run_scoped3A_155 = tpu.sem_alloc : memref<!tpu.dma_semaphore, #tpu.memory_space<semaphore_mem>>
        %dma_start3A_156 = arith.constant 0 : i32
        %dma_start3A_157 = arith.constant 0 : i32
        %dma_start3A_158 = tpu.memref_slice %arg8[%run_scoped3A_154, %dma_start3A_156, %dma_start3A_157] : memref<2x125x64xf32, #tpu.memory_space<vmem>> -> memref<1x125x64xf32, #tpu.memory_space<vmem>>
        %dma_start3A_159 = tpu.memref_squeeze %dma_start3A_158 : memref<1x125x64xf32, #tpu.memory_space<vmem>> -> memref<125x64xf32, #tpu.memory_space<vmem>>
        %dma_start3A_160 = arith.constant 0 : i32
        %dma_start3A_161 = tpu.memref_slice %arg7[%add3A_104, %dma_start3A_160] : memref<80x125xi32, #tpu.memory_space<vmem>> -> memref<1x125xi32, #tpu.memory_space<vmem>>
        %dma_start3A_162 = tpu.memref_squeeze %dma_start3A_161 : memref<1x125xi32, #tpu.memory_space<vmem>> -> memref<125xi32, #tpu.memory_space<vmem>>
        %dma_start3A_163 = arith.constant 0 : i32
        %dma_start3A_164 = arith.constant 0 : i32
        %dma_start3A_165 = tpu.memref_slice %arg11[%dma_start3A_163, %dma_start3A_164] : memref<10240x64xf32, #tpu.memory_space<vmem_shared>> -> memref<10240x64xf32, #tpu.memory_space<vmem_shared>>
        tpu.enqueue_indirect_dma source(%dma_start3A_159 : memref<125x64xf32, #tpu.memory_space<vmem>>) target(%dma_start3A_165 : memref<10240x64xf32, #tpu.memory_space<vmem_shared>>) offsets(%dma_start3A_162 : memref<125xi32, #tpu.memory_space<vmem>>) semaphore(%run_scoped3A_155 : memref<!tpu.dma_semaphore, #tpu.memory_space<semaphore_mem>>) {add = true}
        %dma_wait3A_166 = arith.constant 0 : i32
        %dma_wait3A_167 = arith.constant 0 : i32
        %dma_wait3A_168 = tpu.memref_slice %arg8[%run_scoped3A_154, %dma_wait3A_166, %dma_wait3A_167] : memref<2x125x64xf32, #tpu.memory_space<vmem>> -> memref<1x125x64xf32, #tpu.memory_space<vmem>>
        %dma_wait3A_169 = tpu.memref_squeeze %dma_wait3A_168 : memref<1x125x64xf32, #tpu.memory_space<vmem>> -> memref<125x64xf32, #tpu.memory_space<vmem>>
        %dma_wait3A_170 = arith.constant 0 : i32
        %dma_wait3A_171 = tpu.memref_slice %arg7[%add3A_104, %dma_wait3A_170] : memref<80x125xi32, #tpu.memory_space<vmem>> -> memref<1x125xi32, #tpu.memory_space<vmem>>
        %dma_wait3A_172 = tpu.memref_squeeze %dma_wait3A_171 : memref<1x125xi32, #tpu.memory_space<vmem>> -> memref<125xi32, #tpu.memory_space<vmem>>
        %dma_wait3A_173 = arith.constant 0 : i32
        %dma_wait3A_174 = arith.constant 0 : i32
        %dma_wait3A_175 = tpu.memref_slice %arg11[%dma_wait3A_173, %dma_wait3A_174] : memref<10240x64xf32, #tpu.memory_space<vmem_shared>> -> memref<10240x64xf32, #tpu.memory_space<vmem_shared>>
        tpu.wait_indirect_dma semaphore(%run_scoped3A_155 : memref<!tpu.dma_semaphore, #tpu.memory_space<semaphore_mem>>) src(%dma_wait3A_169 : memref<125x64xf32, #tpu.memory_space<vmem>>) dst(%dma_wait3A_175 : memref<10240x64xf32, #tpu.memory_space<vmem_shared>>)
        tpu.yield
      }) : () -> ()
    }
    %scan3A_86 = arith.constant 40 : i32
    %barrier3A_87 = arith.constant 0 : index
    tpu.barrier barrier_id(%barrier3A_87)
    %lt3A_88 = arith.constant 15 : i32
    %lt3A_89 = arith.cmpi slt, %arg1, %lt3A_88 : i32
    %convert_element_type3A_90 = arith.extui %lt3A_89 : i1 to i32
    %cond3A_91 = arith.constant 0 : i32
    %cond3A_92 = arith.cmpi ne, %convert_element_type3A_90, %cond3A_91 : i32
    scf.if %cond3A_92 {
      %add3A_98 = arith.constant 0 : i32
      %add3A_99 = arith.addi %mul3A_53, %add3A_98 : i32
      "tpu.region"() ({
        %run_scoped3A = tpu.sem_alloc : memref<!tpu.dma_semaphore, #tpu.memory_space<semaphore_mem>>
        %dma_start3A_106 = arith.constant 0 : i32
        %dma_start3A_107 = tpu.memref_slice %arg11[%add3A_99, %dma_start3A_106] : memref<10240x64xf32, #tpu.memory_space<vmem_shared>> -> memref<320x64xf32, #tpu.memory_space<vmem_shared>>
        %dma_start3A_108 = arith.constant 0 : i32
        %dma_start3A_109 = tpu.memref_slice %arg11[%add3A_99, %dma_start3A_108] : memref<10240x64xf32, #tpu.memory_space<vmem_shared>> -> memref<320x64xf32, #tpu.memory_space<vmem_shared>>
        tpu.enqueue_dma source(%dma_start3A_109 : memref<320x64xf32, #tpu.memory_space<vmem_shared>>) target(%arg10 : memref<320x64xf32, #tpu.memory_space<vmem>>) target_semaphore(%run_scoped3A : memref<!tpu.dma_semaphore, #tpu.memory_space<semaphore_mem>>)
        %dma_wait3A = arith.constant 0 : i32
        %dma_wait3A_110 = tpu.memref_slice %arg11[%add3A_99, %dma_wait3A] : memref<10240x64xf32, #tpu.memory_space<vmem_shared>> -> memref<320x64xf32, #tpu.memory_space<vmem_shared>>
        %dma_wait3A_111 = arith.constant 0 : i32
        %dma_wait3A_112 = tpu.memref_slice %arg11[%add3A_99, %dma_wait3A_111] : memref<10240x64xf32, #tpu.memory_space<vmem_shared>> -> memref<320x64xf32, #tpu.memory_space<vmem_shared>>
        tpu.wait_dma2 semaphore(%run_scoped3A : memref<!tpu.dma_semaphore, #tpu.memory_space<semaphore_mem>>) src(%dma_wait3A_112 : memref<320x64xf32, #tpu.memory_space<vmem_shared>>) dst(%arg10 : memref<320x64xf32, #tpu.memory_space<vmem>>)
        tpu.yield
      }) : () -> ()
      %add3A_100 = arith.constant 0 : i32
      %add3A_101 = arith.addi %mul3A_53, %add3A_100 : i32
      "tpu.region"() ({
        %run_scoped3A = tpu.sem_alloc : memref<!tpu.dma_semaphore, #tpu.memory_space<semaphore_mem>>
        %dma_start3A_106 = arith.constant 0 : i32
        %dma_start3A_107 = arith.constant 0 : i32
        %dma_start3A_108 = tpu.memref_slice %arg5[%add3A_51, %dma_start3A_106, %dma_start3A_107] : memref<4x10000x64xf32, #tpu.memory_space<hbm>> -> memref<1x10000x64xf32, #tpu.memory_space<hbm>>
        %dma_start3A_109 = tpu.memref_squeeze %dma_start3A_108 : memref<1x10000x64xf32, #tpu.memory_space<hbm>> -> memref<10000x64xf32, #tpu.memory_space<hbm>>
        %dma_start3A_110 = arith.constant 0 : i32
        %dma_start3A_111 = tpu.memref_slice %dma_start3A_109[%add3A_101, %dma_start3A_110] : memref<10000x64xf32, #tpu.memory_space<hbm>> -> memref<320x64xf32, #tpu.memory_space<hbm>>
        %dma_start3A_112 = arith.constant 0 : i32
        %dma_start3A_113 = arith.constant 0 : i32
        %dma_start3A_114 = tpu.memref_slice %arg5[%add3A_51, %dma_start3A_112, %dma_start3A_113] : memref<4x10000x64xf32, #tpu.memory_space<hbm>> -> memref<1x10000x64xf32, #tpu.memory_space<hbm>>
        %dma_start3A_115 = tpu.memref_squeeze %dma_start3A_114 : memref<1x10000x64xf32, #tpu.memory_space<hbm>> -> memref<10000x64xf32, #tpu.memory_space<hbm>>
        %dma_start3A_116 = arith.constant 0 : i32
        %dma_start3A_117 = tpu.memref_slice %dma_start3A_115[%add3A_101, %dma_start3A_116] : memref<10000x64xf32, #tpu.memory_space<hbm>> -> memref<320x64xf32, #tpu.memory_space<hbm>>
        tpu.enqueue_dma source(%arg10 : memref<320x64xf32, #tpu.memory_space<vmem>>) target(%dma_start3A_117 : memref<320x64xf32, #tpu.memory_space<hbm>>) target_semaphore(%run_scoped3A : memref<!tpu.dma_semaphore, #tpu.memory_space<semaphore_mem>>)
        %dma_wait3A = arith.constant 0 : i32
        %dma_wait3A_118 = arith.constant 0 : i32
        %dma_wait3A_119 = tpu.memref_slice %arg5[%add3A_51, %dma_wait3A, %dma_wait3A_118] : memref<4x10000x64xf32, #tpu.memory_space<hbm>> -> memref<1x10000x64xf32, #tpu.memory_space<hbm>>
        %dma_wait3A_120 = tpu.memref_squeeze %dma_wait3A_119 : memref<1x10000x64xf32, #tpu.memory_space<hbm>> -> memref<10000x64xf32, #tpu.memory_space<hbm>>
        %dma_wait3A_121 = arith.constant 0 : i32
        %dma_wait3A_122 = tpu.memref_slice %dma_wait3A_120[%add3A_101, %dma_wait3A_121] : memref<10000x64xf32, #tpu.memory_space<hbm>> -> memref<320x64xf32, #tpu.memory_space<hbm>>
        %dma_wait3A_123 = arith.constant 0 : i32
        %dma_wait3A_124 = arith.constant 0 : i32
        %dma_wait3A_125 = tpu.memref_slice %arg5[%add3A_51, %dma_wait3A_123, %dma_wait3A_124] : memref<4x10000x64xf32, #tpu.memory_space<hbm>> -> memref<1x10000x64xf32, #tpu.memory_space<hbm>>
        %dma_wait3A_126 = tpu.memref_squeeze %dma_wait3A_125 : memref<1x10000x64xf32, #tpu.memory_space<hbm>> -> memref<10000x64xf32, #tpu.memory_space<hbm>>
        %dma_wait3A_127 = arith.constant 0 : i32
        %dma_wait3A_128 = tpu.memref_slice %dma_wait3A_126[%add3A_101, %dma_wait3A_127] : memref<10000x64xf32, #tpu.memory_space<hbm>> -> memref<320x64xf32, #tpu.memory_space<hbm>>
        tpu.wait_dma2 semaphore(%run_scoped3A : memref<!tpu.dma_semaphore, #tpu.memory_space<semaphore_mem>>) src(%arg10 : memref<320x64xf32, #tpu.memory_space<vmem>>) dst(%dma_wait3A_128 : memref<320x64xf32, #tpu.memory_space<hbm>>)
        tpu.yield
      }) : () -> ()
      %add3A_102 = arith.constant 320 : i32
      %add3A_103 = arith.addi %mul3A_53, %add3A_102 : i32
      "tpu.region"() ({
        %run_scoped3A = tpu.sem_alloc : memref<!tpu.dma_semaphore, #tpu.memory_space<semaphore_mem>>
        %dma_start3A_106 = arith.constant 0 : i32
        %dma_start3A_107 = tpu.memref_slice %arg11[%add3A_103, %dma_start3A_106] : memref<10240x64xf32, #tpu.memory_space<vmem_shared>> -> memref<320x64xf32, #tpu.memory_space<vmem_shared>>
        %dma_start3A_108 = arith.constant 0 : i32
        %dma_start3A_109 = tpu.memref_slice %arg11[%add3A_103, %dma_start3A_108] : memref<10240x64xf32, #tpu.memory_space<vmem_shared>> -> memref<320x64xf32, #tpu.memory_space<vmem_shared>>
        tpu.enqueue_dma source(%dma_start3A_109 : memref<320x64xf32, #tpu.memory_space<vmem_shared>>) target(%arg10 : memref<320x64xf32, #tpu.memory_space<vmem>>) target_semaphore(%run_scoped3A : memref<!tpu.dma_semaphore, #tpu.memory_space<semaphore_mem>>)
        %dma_wait3A = arith.constant 0 : i32
        %dma_wait3A_110 = tpu.memref_slice %arg11[%add3A_103, %dma_wait3A] : memref<10240x64xf32, #tpu.memory_space<vmem_shared>> -> memref<320x64xf32, #tpu.memory_space<vmem_shared>>
        %dma_wait3A_111 = arith.constant 0 : i32
        %dma_wait3A_112 = tpu.memref_slice %arg11[%add3A_103, %dma_wait3A_111] : memref<10240x64xf32, #tpu.memory_space<vmem_shared>> -> memref<320x64xf32, #tpu.memory_space<vmem_shared>>
        tpu.wait_dma2 semaphore(%run_scoped3A : memref<!tpu.dma_semaphore, #tpu.memory_space<semaphore_mem>>) src(%dma_wait3A_112 : memref<320x64xf32, #tpu.memory_space<vmem_shared>>) dst(%arg10 : memref<320x64xf32, #tpu.memory_space<vmem>>)
        tpu.yield
      }) : () -> ()
      %add3A_104 = arith.constant 320 : i32
      %add3A_105 = arith.addi %mul3A_53, %add3A_104 : i32
      "tpu.region"() ({
        %run_scoped3A = tpu.sem_alloc : memref<!tpu.dma_semaphore, #tpu.memory_space<semaphore_mem>>
        %dma_start3A_106 = arith.constant 0 : i32
        %dma_start3A_107 = arith.constant 0 : i32
        %dma_start3A_108 = tpu.memref_slice %arg5[%add3A_51, %dma_start3A_106, %dma_start3A_107] : memref<4x10000x64xf32, #tpu.memory_space<hbm>> -> memref<1x10000x64xf32, #tpu.memory_space<hbm>>
        %dma_start3A_109 = tpu.memref_squeeze %dma_start3A_108 : memref<1x10000x64xf32, #tpu.memory_space<hbm>> -> memref<10000x64xf32, #tpu.memory_space<hbm>>
        %dma_start3A_110 = arith.constant 0 : i32
        %dma_start3A_111 = tpu.memref_slice %dma_start3A_109[%add3A_105, %dma_start3A_110] : memref<10000x64xf32, #tpu.memory_space<hbm>> -> memref<320x64xf32, #tpu.memory_space<hbm>>
        %dma_start3A_112 = arith.constant 0 : i32
        %dma_start3A_113 = arith.constant 0 : i32
        %dma_start3A_114 = tpu.memref_slice %arg5[%add3A_51, %dma_start3A_112, %dma_start3A_113] : memref<4x10000x64xf32, #tpu.memory_space<hbm>> -> memref<1x10000x64xf32, #tpu.memory_space<hbm>>
        %dma_start3A_115 = tpu.memref_squeeze %dma_start3A_114 : memref<1x10000x64xf32, #tpu.memory_space<hbm>> -> memref<10000x64xf32, #tpu.memory_space<hbm>>
        %dma_start3A_116 = arith.constant 0 : i32
        %dma_start3A_117 = tpu.memref_slice %dma_start3A_115[%add3A_105, %dma_start3A_116] : memref<10000x64xf32, #tpu.memory_space<hbm>> -> memref<320x64xf32, #tpu.memory_space<hbm>>
        tpu.enqueue_dma source(%arg10 : memref<320x64xf32, #tpu.memory_space<vmem>>) target(%dma_start3A_117 : memref<320x64xf32, #tpu.memory_space<hbm>>) target_semaphore(%run_scoped3A : memref<!tpu.dma_semaphore, #tpu.memory_space<semaphore_mem>>)
        %dma_wait3A = arith.constant 0 : i32
        %dma_wait3A_118 = arith.constant 0 : i32
        %dma_wait3A_119 = tpu.memref_slice %arg5[%add3A_51, %dma_wait3A, %dma_wait3A_118] : memref<4x10000x64xf32, #tpu.memory_space<hbm>> -> memref<1x10000x64xf32, #tpu.memory_space<hbm>>
        %dma_wait3A_120 = tpu.memref_squeeze %dma_wait3A_119 : memref<1x10000x64xf32, #tpu.memory_space<hbm>> -> memref<10000x64xf32, #tpu.memory_space<hbm>>
        %dma_wait3A_121 = arith.constant 0 : i32
        %dma_wait3A_122 = tpu.memref_slice %dma_wait3A_120[%add3A_105, %dma_wait3A_121] : memref<10000x64xf32, #tpu.memory_space<hbm>> -> memref<320x64xf32, #tpu.memory_space<hbm>>
        %dma_wait3A_123 = arith.constant 0 : i32
        %dma_wait3A_124 = arith.constant 0 : i32
        %dma_wait3A_125 = tpu.memref_slice %arg5[%add3A_51, %dma_wait3A_123, %dma_wait3A_124] : memref<4x10000x64xf32, #tpu.memory_space<hbm>> -> memref<1x10000x64xf32, #tpu.memory_space<hbm>>
        %dma_wait3A_126 = tpu.memref_squeeze %dma_wait3A_125 : memref<1x10000x64xf32, #tpu.memory_space<hbm>> -> memref<10000x64xf32, #tpu.memory_space<hbm>>
        %dma_wait3A_127 = arith.constant 0 : i32
        %dma_wait3A_128 = tpu.memref_slice %dma_wait3A_126[%add3A_105, %dma_wait3A_127] : memref<10000x64xf32, #tpu.memory_space<hbm>> -> memref<320x64xf32, #tpu.memory_space<hbm>>
        tpu.wait_dma2 semaphore(%run_scoped3A : memref<!tpu.dma_semaphore, #tpu.memory_space<semaphore_mem>>) src(%arg10 : memref<320x64xf32, #tpu.memory_space<vmem>>) dst(%dma_wait3A_128 : memref<320x64xf32, #tpu.memory_space<hbm>>)
        tpu.yield
      }) : () -> ()
    } else {
    }
    %eq3A_93 = arith.constant 15 : i32
    %eq3A_94 = arith.cmpi eq, %arg1, %eq3A_93 : i32
    %convert_element_type3A_95 = arith.extui %eq3A_94 : i1 to i32
    %cond3A_96 = arith.constant 0 : i32
    %cond3A_97 = arith.cmpi ne, %convert_element_type3A_95, %cond3A_96 : i32
    scf.if %cond3A_97 {
      "tpu.region"() ({
        %run_scoped3A = tpu.sem_alloc : memref<!tpu.dma_semaphore, #tpu.memory_space<semaphore_mem>>
        %dma_start3A_102 = arith.constant 0 : i32
        %dma_start3A_103 = tpu.memref_slice %arg11[%mul3A_53, %dma_start3A_102] : memref<10240x64xf32, #tpu.memory_space<vmem_shared>> -> memref<320x64xf32, #tpu.memory_space<vmem_shared>>
        %dma_start3A_104 = arith.constant 0 : i32
        %dma_start3A_105 = tpu.memref_slice %arg11[%mul3A_53, %dma_start3A_104] : memref<10240x64xf32, #tpu.memory_space<vmem_shared>> -> memref<320x64xf32, #tpu.memory_space<vmem_shared>>
        tpu.enqueue_dma source(%dma_start3A_105 : memref<320x64xf32, #tpu.memory_space<vmem_shared>>) target(%arg10 : memref<320x64xf32, #tpu.memory_space<vmem>>) target_semaphore(%run_scoped3A : memref<!tpu.dma_semaphore, #tpu.memory_space<semaphore_mem>>)
        %dma_wait3A = arith.constant 0 : i32
        %dma_wait3A_106 = tpu.memref_slice %arg11[%mul3A_53, %dma_wait3A] : memref<10240x64xf32, #tpu.memory_space<vmem_shared>> -> memref<320x64xf32, #tpu.memory_space<vmem_shared>>
        %dma_wait3A_107 = arith.constant 0 : i32
        %dma_wait3A_108 = tpu.memref_slice %arg11[%mul3A_53, %dma_wait3A_107] : memref<10240x64xf32, #tpu.memory_space<vmem_shared>> -> memref<320x64xf32, #tpu.memory_space<vmem_shared>>
        tpu.wait_dma2 semaphore(%run_scoped3A : memref<!tpu.dma_semaphore, #tpu.memory_space<semaphore_mem>>) src(%dma_wait3A_108 : memref<320x64xf32, #tpu.memory_space<vmem_shared>>) dst(%arg10 : memref<320x64xf32, #tpu.memory_space<vmem>>)
        tpu.yield
      }) : () -> ()
      "tpu.region"() ({
        %run_scoped3A = tpu.sem_alloc : memref<!tpu.dma_semaphore, #tpu.memory_space<semaphore_mem>>
        %dma_start3A_102 = arith.constant 0 : i32
        %dma_start3A_103 = arith.constant 0 : i32
        %dma_start3A_104 = tpu.memref_slice %arg5[%add3A_51, %dma_start3A_102, %dma_start3A_103] : memref<4x10000x64xf32, #tpu.memory_space<hbm>> -> memref<1x10000x64xf32, #tpu.memory_space<hbm>>
        %dma_start3A_105 = tpu.memref_squeeze %dma_start3A_104 : memref<1x10000x64xf32, #tpu.memory_space<hbm>> -> memref<10000x64xf32, #tpu.memory_space<hbm>>
        %dma_start3A_106 = arith.constant 0 : i32
        %dma_start3A_107 = tpu.memref_slice %dma_start3A_105[%mul3A_53, %dma_start3A_106] : memref<10000x64xf32, #tpu.memory_space<hbm>> -> memref<320x64xf32, #tpu.memory_space<hbm>>
        %dma_start3A_108 = arith.constant 0 : i32
        %dma_start3A_109 = arith.constant 0 : i32
        %dma_start3A_110 = tpu.memref_slice %arg5[%add3A_51, %dma_start3A_108, %dma_start3A_109] : memref<4x10000x64xf32, #tpu.memory_space<hbm>> -> memref<1x10000x64xf32, #tpu.memory_space<hbm>>
        %dma_start3A_111 = tpu.memref_squeeze %dma_start3A_110 : memref<1x10000x64xf32, #tpu.memory_space<hbm>> -> memref<10000x64xf32, #tpu.memory_space<hbm>>
        %dma_start3A_112 = arith.constant 0 : i32
        %dma_start3A_113 = tpu.memref_slice %dma_start3A_111[%mul3A_53, %dma_start3A_112] : memref<10000x64xf32, #tpu.memory_space<hbm>> -> memref<320x64xf32, #tpu.memory_space<hbm>>
        tpu.enqueue_dma source(%arg10 : memref<320x64xf32, #tpu.memory_space<vmem>>) target(%dma_start3A_113 : memref<320x64xf32, #tpu.memory_space<hbm>>) target_semaphore(%run_scoped3A : memref<!tpu.dma_semaphore, #tpu.memory_space<semaphore_mem>>)
        %dma_wait3A = arith.constant 0 : i32
        %dma_wait3A_114 = arith.constant 0 : i32
        %dma_wait3A_115 = tpu.memref_slice %arg5[%add3A_51, %dma_wait3A, %dma_wait3A_114] : memref<4x10000x64xf32, #tpu.memory_space<hbm>> -> memref<1x10000x64xf32, #tpu.memory_space<hbm>>
        %dma_wait3A_116 = tpu.memref_squeeze %dma_wait3A_115 : memref<1x10000x64xf32, #tpu.memory_space<hbm>> -> memref<10000x64xf32, #tpu.memory_space<hbm>>
        %dma_wait3A_117 = arith.constant 0 : i32
        %dma_wait3A_118 = tpu.memref_slice %dma_wait3A_116[%mul3A_53, %dma_wait3A_117] : memref<10000x64xf32, #tpu.memory_space<hbm>> -> memref<320x64xf32, #tpu.memory_space<hbm>>
        %dma_wait3A_119 = arith.constant 0 : i32
        %dma_wait3A_120 = arith.constant 0 : i32
        %dma_wait3A_121 = tpu.memref_slice %arg5[%add3A_51, %dma_wait3A_119, %dma_wait3A_120] : memref<4x10000x64xf32, #tpu.memory_space<hbm>> -> memref<1x10000x64xf32, #tpu.memory_space<hbm>>
        %dma_wait3A_122 = tpu.memref_squeeze %dma_wait3A_121 : memref<1x10000x64xf32, #tpu.memory_space<hbm>> -> memref<10000x64xf32, #tpu.memory_space<hbm>>
        %dma_wait3A_123 = arith.constant 0 : i32
        %dma_wait3A_124 = tpu.memref_slice %dma_wait3A_122[%mul3A_53, %dma_wait3A_123] : memref<10000x64xf32, #tpu.memory_space<hbm>> -> memref<320x64xf32, #tpu.memory_space<hbm>>
        tpu.wait_dma2 semaphore(%run_scoped3A : memref<!tpu.dma_semaphore, #tpu.memory_space<semaphore_mem>>) src(%arg10 : memref<320x64xf32, #tpu.memory_space<vmem>>) dst(%dma_wait3A_124 : memref<320x64xf32, #tpu.memory_space<hbm>>)
        tpu.yield
      }) : () -> ()
      %add3A_98 = arith.constant 320 : i32
      %add3A_99 = arith.addi %mul3A_53, %add3A_98 : i32
      "tpu.region"() ({
        %run_scoped3A = tpu.sem_alloc : memref<!tpu.dma_semaphore, #tpu.memory_space<semaphore_mem>>
        %dma_start3A_102 = arith.constant 0 : i32
        %dma_start3A_103 = arith.constant 0 : i32
        %dma_start3A_104 = tpu.memref_slice %arg10[%dma_start3A_102, %dma_start3A_103] : memref<320x64xf32, #tpu.memory_space<vmem>> -> memref<80x64xf32, #tpu.memory_space<vmem>>
        %dma_start3A_105 = arith.constant 0 : i32
        %dma_start3A_106 = tpu.memref_slice %arg11[%add3A_99, %dma_start3A_105] : memref<10240x64xf32, #tpu.memory_space<vmem_shared>> -> memref<80x64xf32, #tpu.memory_space<vmem_shared>>
        %dma_start3A_107 = arith.constant 0 : i32
        %dma_start3A_108 = arith.constant 0 : i32
        %dma_start3A_109 = tpu.memref_slice %arg10[%dma_start3A_107, %dma_start3A_108] : memref<320x64xf32, #tpu.memory_space<vmem>> -> memref<80x64xf32, #tpu.memory_space<vmem>>
        %dma_start3A_110 = arith.constant 0 : i32
        %dma_start3A_111 = tpu.memref_slice %arg11[%add3A_99, %dma_start3A_110] : memref<10240x64xf32, #tpu.memory_space<vmem_shared>> -> memref<80x64xf32, #tpu.memory_space<vmem_shared>>
        tpu.enqueue_dma source(%dma_start3A_111 : memref<80x64xf32, #tpu.memory_space<vmem_shared>>) target(%dma_start3A_109 : memref<80x64xf32, #tpu.memory_space<vmem>>) target_semaphore(%run_scoped3A : memref<!tpu.dma_semaphore, #tpu.memory_space<semaphore_mem>>)
        %dma_wait3A = arith.constant 0 : i32
        %dma_wait3A_112 = arith.constant 0 : i32
        %dma_wait3A_113 = tpu.memref_slice %arg10[%dma_wait3A, %dma_wait3A_112] : memref<320x64xf32, #tpu.memory_space<vmem>> -> memref<80x64xf32, #tpu.memory_space<vmem>>
        %dma_wait3A_114 = arith.constant 0 : i32
        %dma_wait3A_115 = tpu.memref_slice %arg11[%add3A_99, %dma_wait3A_114] : memref<10240x64xf32, #tpu.memory_space<vmem_shared>> -> memref<80x64xf32, #tpu.memory_space<vmem_shared>>
        %dma_wait3A_116 = arith.constant 0 : i32
        %dma_wait3A_117 = arith.constant 0 : i32
        %dma_wait3A_118 = tpu.memref_slice %arg10[%dma_wait3A_116, %dma_wait3A_117] : memref<320x64xf32, #tpu.memory_space<vmem>> -> memref<80x64xf32, #tpu.memory_space<vmem>>
        %dma_wait3A_119 = arith.constant 0 : i32
        %dma_wait3A_120 = tpu.memref_slice %arg11[%add3A_99, %dma_wait3A_119] : memref<10240x64xf32, #tpu.memory_space<vmem_shared>> -> memref<80x64xf32, #tpu.memory_space<vmem_shared>>
        tpu.wait_dma2 semaphore(%run_scoped3A : memref<!tpu.dma_semaphore, #tpu.memory_space<semaphore_mem>>) src(%dma_wait3A_120 : memref<80x64xf32, #tpu.memory_space<vmem_shared>>) dst(%dma_wait3A_118 : memref<80x64xf32, #tpu.memory_space<vmem>>)
        tpu.yield
      }) : () -> ()
      %add3A_100 = arith.constant 320 : i32
      %add3A_101 = arith.addi %mul3A_53, %add3A_100 : i32
      "tpu.region"() ({
        %run_scoped3A = tpu.sem_alloc : memref<!tpu.dma_semaphore, #tpu.memory_space<semaphore_mem>>
        %dma_start3A_102 = arith.constant 0 : i32
        %dma_start3A_103 = arith.constant 0 : i32
        %dma_start3A_104 = tpu.memref_slice %arg10[%dma_start3A_102, %dma_start3A_103] : memref<320x64xf32, #tpu.memory_space<vmem>> -> memref<80x64xf32, #tpu.memory_space<vmem>>
        %dma_start3A_105 = arith.constant 0 : i32
        %dma_start3A_106 = arith.constant 0 : i32
        %dma_start3A_107 = tpu.memref_slice %arg5[%add3A_51, %dma_start3A_105, %dma_start3A_106] : memref<4x10000x64xf32, #tpu.memory_space<hbm>> -> memref<1x10000x64xf32, #tpu.memory_space<hbm>>
        %dma_start3A_108 = tpu.memref_squeeze %dma_start3A_107 : memref<1x10000x64xf32, #tpu.memory_space<hbm>> -> memref<10000x64xf32, #tpu.memory_space<hbm>>
        %dma_start3A_109 = arith.constant 0 : i32
        %dma_start3A_110 = tpu.memref_slice %dma_start3A_108[%add3A_101, %dma_start3A_109] : memref<10000x64xf32, #tpu.memory_space<hbm>> -> memref<80x64xf32, #tpu.memory_space<hbm>>
        %dma_start3A_111 = arith.constant 0 : i32
        %dma_start3A_112 = arith.constant 0 : i32
        %dma_start3A_113 = tpu.memref_slice %arg5[%add3A_51, %dma_start3A_111, %dma_start3A_112] : memref<4x10000x64xf32, #tpu.memory_space<hbm>> -> memref<1x10000x64xf32, #tpu.memory_space<hbm>>
        %dma_start3A_114 = tpu.memref_squeeze %dma_start3A_113 : memref<1x10000x64xf32, #tpu.memory_space<hbm>> -> memref<10000x64xf32, #tpu.memory_space<hbm>>
        %dma_start3A_115 = arith.constant 0 : i32
        %dma_start3A_116 = tpu.memref_slice %dma_start3A_114[%add3A_101, %dma_start3A_115] : memref<10000x64xf32, #tpu.memory_space<hbm>> -> memref<80x64xf32, #tpu.memory_space<hbm>>
        %dma_start3A_117 = arith.constant 0 : i32
        %dma_start3A_118 = arith.constant 0 : i32
        %dma_start3A_119 = tpu.memref_slice %arg10[%dma_start3A_117, %dma_start3A_118] : memref<320x64xf32, #tpu.memory_space<vmem>> -> memref<80x64xf32, #tpu.memory_space<vmem>>
        tpu.enqueue_dma source(%dma_start3A_119 : memref<80x64xf32, #tpu.memory_space<vmem>>) target(%dma_start3A_116 : memref<80x64xf32, #tpu.memory_space<hbm>>) target_semaphore(%run_scoped3A : memref<!tpu.dma_semaphore, #tpu.memory_space<semaphore_mem>>)
        %dma_wait3A = arith.constant 0 : i32
        %dma_wait3A_120 = arith.constant 0 : i32
        %dma_wait3A_121 = tpu.memref_slice %arg10[%dma_wait3A, %dma_wait3A_120] : memref<320x64xf32, #tpu.memory_space<vmem>> -> memref<80x64xf32, #tpu.memory_space<vmem>>
        %dma_wait3A_122 = arith.constant 0 : i32
        %dma_wait3A_123 = arith.constant 0 : i32
        %dma_wait3A_124 = tpu.memref_slice %arg5[%add3A_51, %dma_wait3A_122, %dma_wait3A_123] : memref<4x10000x64xf32, #tpu.memory_space<hbm>> -> memref<1x10000x64xf32, #tpu.memory_space<hbm>>
        %dma_wait3A_125 = tpu.memref_squeeze %dma_wait3A_124 : memref<1x10000x64xf32, #tpu.memory_space<hbm>> -> memref<10000x64xf32, #tpu.memory_space<hbm>>
        %dma_wait3A_126 = arith.constant 0 : i32
        %dma_wait3A_127 = tpu.memref_slice %dma_wait3A_125[%add3A_101, %dma_wait3A_126] : memref<10000x64xf32, #tpu.memory_space<hbm>> -> memref<80x64xf32, #tpu.memory_space<hbm>>
        %dma_wait3A_128 = arith.constant 0 : i32
        %dma_wait3A_129 = arith.constant 0 : i32
        %dma_wait3A_130 = tpu.memref_slice %arg5[%add3A_51, %dma_wait3A_128, %dma_wait3A_129] : memref<4x10000x64xf32, #tpu.memory_space<hbm>> -> memref<1x10000x64xf32, #tpu.memory_space<hbm>>
        %dma_wait3A_131 = tpu.memref_squeeze %dma_wait3A_130 : memref<1x10000x64xf32, #tpu.memory_space<hbm>> -> memref<10000x64xf32, #tpu.memory_space<hbm>>
        %dma_wait3A_132 = arith.constant 0 : i32
        %dma_wait3A_133 = tpu.memref_slice %dma_wait3A_131[%add3A_101, %dma_wait3A_132] : memref<10000x64xf32, #tpu.memory_space<hbm>> -> memref<80x64xf32, #tpu.memory_space<hbm>>
        %dma_wait3A_134 = arith.constant 0 : i32
        %dma_wait3A_135 = arith.constant 0 : i32
        %dma_wait3A_136 = tpu.memref_slice %arg10[%dma_wait3A_134, %dma_wait3A_135] : memref<320x64xf32, #tpu.memory_space<vmem>> -> memref<80x64xf32, #tpu.memory_space<vmem>>
        tpu.wait_dma2 semaphore(%run_scoped3A : memref<!tpu.dma_semaphore, #tpu.memory_space<semaphore_mem>>) src(%dma_wait3A_136 : memref<80x64xf32, #tpu.memory_space<vmem>>) dst(%dma_wait3A_133 : memref<80x64xf32, #tpu.memory_space<hbm>>)
        tpu.yield
      }) : () -> ()
    } else {
    }
    return
  }
}

module attributes {stable_mosaic.version = 14 : i64} {
  func.func @_mm_body(%arg0: i32, %arg1: memref<2000x256xf32, #tpu.memory_space<vmem>>, %arg2: memref<256x256xf32, #tpu.memory_space<vmem>>, %arg3: memref<2000x1xf32, #tpu.memory_space<vmem>>, %arg4: memref<1x256xf32, #tpu.memory_space<vmem>>, %arg5: memref<256x256xf32, #tpu.memory_space<vmem>>, %arg6: memref<1x256xf32, #tpu.memory_space<vmem>>, %arg7: memref<4x2000x64xf32, #tpu.memory_space<vmem>>, %arg8: memref<2000x1xf32, #tpu.memory_space<vmem>>, %arg9: memref<1x256xf32, #tpu.memory_space<vmem>>) attributes {dimension_semantics = [#tpu.dimension_semantics<arbitrary>], iteration_bounds = array<i64: 5>, scalar_prefetch = 0 : i64, scratch_operands = 0 : i64, tpu.core_type = #tpu.core_type<tc>, window_params = [{transform_indices = @transform_0, window_bounds = array<i64: 2000, 256>}, {pipeline_mode = #tpu.pipeline_mode<synchronous>, transform_indices = @transform_1, window_bounds = array<i64: 256, 256>}, {transform_indices = @transform_2, window_bounds = array<i64: 2000, 1>}, {pipeline_mode = #tpu.pipeline_mode<synchronous>, transform_indices = @transform_3, window_bounds = array<i64: 1, 256>}, {pipeline_mode = #tpu.pipeline_mode<synchronous>, transform_indices = @transform_4, window_bounds = array<i64: 256, 256>}, {pipeline_mode = #tpu.pipeline_mode<synchronous>, transform_indices = @transform_5, window_bounds = array<i64: 1, 256>}, {transform_indices = @transform_6, window_bounds = array<i64: 4, 2000, 64>}, {transform_indices = @transform_7, window_bounds = array<i64: 2000, 1>}, {pipeline_mode = #tpu.pipeline_mode<synchronous>, transform_indices = @transform_8, window_bounds = array<i64: 1, 256>}]} {
    %get3A = arith.constant 0 : index
    %get3A_0 = arith.constant 0 : index
    %get3A_1 = vector.load %arg3[%get3A, %get3A_0] : memref<2000x1xf32, #tpu.memory_space<vmem>>, vector<2000x1xf32>
    %add3A = arith.constant 1.000000e+00 : f32
    %add3A_2 = vector.broadcast %add3A : f32 to vector<2000x1xf32>
    %add3A_3 = arith.addf %get3A_1, %add3A_2 : vector<2000x1xf32>
    %rsqrt3A = math.rsqrt %add3A_3 : vector<2000x1xf32>
    %swap3A = arith.constant 0 : index
    %swap3A_4 = arith.constant 0 : index
    %swap3A_5 = vector.load %arg8[%swap3A, %swap3A_4] : memref<2000x1xf32, #tpu.memory_space<vmem>>, vector<2000x1xf32>
    tpu.vector_store %arg8[%swap3A, %swap3A_4], %rsqrt3A {strides = array<i32>} : memref<2000x1xf32, #tpu.memory_space<vmem>>, vector<2000x1xf32>,
    %get3A_6 = arith.constant 0 : index
    %get3A_7 = arith.constant 0 : index
    %get3A_8 = vector.load %arg1[%get3A_6, %get3A_7] : memref<2000x256xf32, #tpu.memory_space<vmem>>, vector<2000x256xf32>
    %get3A_9 = arith.constant 0 : index
    %get3A_10 = arith.constant 0 : index
    %get3A_11 = vector.load %arg2[%get3A_9, %get3A_10] : memref<256x256xf32, #tpu.memory_space<vmem>>, vector<256x256xf32>
    %dot_general3A = arith.constant dense<0.000000e+00> : vector<2000x256xf32>
    %dot_general3A_12 = tpu.matmul %get3A_8, %get3A_11, %dot_general3A {dimension_numbers = #tpu.dot_dimension_numbers<[1], [0], [0], [1], [0, 0, 1, 1], [], []>, transpose_lhs_hint = false} : vector<2000x256xf32>, vector<256x256xf32>, vector<2000x256xf32> -> vector<2000x256xf32>
    %mul3A = vector.broadcast %rsqrt3A : vector<2000x1xf32> to vector<2000x256xf32>
    %mul3A_13 = arith.mulf %dot_general3A_12, %mul3A : vector<2000x256xf32>
    %slice3A = vector.extract_strided_slice %mul3A_13 {offsets = [0, 0], sizes = [2000, 64], strides = [1, 1]} : vector<2000x256xf32> to vector<2000x64xf32>
    %swap3A_14 = arith.constant 0 : index
    %swap3A_15 = arith.constant 0 : index
    %swap3A_16 = arith.constant 0 : index
    %swap3A_17 = vector.load %arg7[%swap3A_14, %swap3A_15, %swap3A_16] : memref<4x2000x64xf32, #tpu.memory_space<vmem>>, vector<1x2000x64xf32>
    %swap3A_18 = vector.shape_cast %swap3A_17 : vector<1x2000x64xf32> to vector<2000x64xf32>
    %swap3A_19 = vector.shape_cast %slice3A : vector<2000x64xf32> to vector<1x2000x64xf32>
    tpu.vector_store %arg7[%swap3A_14, %swap3A_15, %swap3A_16], %swap3A_19 {strides = array<i32>} : memref<4x2000x64xf32, #tpu.memory_space<vmem>>, vector<1x2000x64xf32>,
    %slice3A_20 = vector.extract_strided_slice %mul3A_13 {offsets = [0, 64], sizes = [2000, 64], strides = [1, 1]} : vector<2000x256xf32> to vector<2000x64xf32>
    %swap3A_21 = arith.constant 1 : index
    %swap3A_22 = arith.constant 0 : index
    %swap3A_23 = arith.constant 0 : index
    %swap3A_24 = vector.load %arg7[%swap3A_21, %swap3A_22, %swap3A_23] : memref<4x2000x64xf32, #tpu.memory_space<vmem>>, vector<1x2000x64xf32>
    %swap3A_25 = vector.shape_cast %swap3A_24 : vector<1x2000x64xf32> to vector<2000x64xf32>
    %swap3A_26 = vector.shape_cast %slice3A_20 : vector<2000x64xf32> to vector<1x2000x64xf32>
    tpu.vector_store %arg7[%swap3A_21, %swap3A_22, %swap3A_23], %swap3A_26 {strides = array<i32>} : memref<4x2000x64xf32, #tpu.memory_space<vmem>>, vector<1x2000x64xf32>,
    %slice3A_27 = vector.extract_strided_slice %mul3A_13 {offsets = [0, 128], sizes = [2000, 64], strides = [1, 1]} : vector<2000x256xf32> to vector<2000x64xf32>
    %swap3A_28 = arith.constant 2 : index
    %swap3A_29 = arith.constant 0 : index
    %swap3A_30 = arith.constant 0 : index
    %swap3A_31 = vector.load %arg7[%swap3A_28, %swap3A_29, %swap3A_30] : memref<4x2000x64xf32, #tpu.memory_space<vmem>>, vector<1x2000x64xf32>
    %swap3A_32 = vector.shape_cast %swap3A_31 : vector<1x2000x64xf32> to vector<2000x64xf32>
    %swap3A_33 = vector.shape_cast %slice3A_27 : vector<2000x64xf32> to vector<1x2000x64xf32>
    tpu.vector_store %arg7[%swap3A_28, %swap3A_29, %swap3A_30], %swap3A_33 {strides = array<i32>} : memref<4x2000x64xf32, #tpu.memory_space<vmem>>, vector<1x2000x64xf32>,
    %slice3A_34 = vector.extract_strided_slice %mul3A_13 {offsets = [0, 192], sizes = [2000, 64], strides = [1, 1]} : vector<2000x256xf32> to vector<2000x64xf32>
    %swap3A_35 = arith.constant 3 : index
    %swap3A_36 = arith.constant 0 : index
    %swap3A_37 = arith.constant 0 : index
    %swap3A_38 = vector.load %arg7[%swap3A_35, %swap3A_36, %swap3A_37] : memref<4x2000x64xf32, #tpu.memory_space<vmem>>, vector<1x2000x64xf32>
    %swap3A_39 = vector.shape_cast %swap3A_38 : vector<1x2000x64xf32> to vector<2000x64xf32>
    %swap3A_40 = vector.shape_cast %slice3A_34 : vector<2000x64xf32> to vector<1x2000x64xf32>
    tpu.vector_store %arg7[%swap3A_35, %swap3A_36, %swap3A_37], %swap3A_40 {strides = array<i32>} : memref<4x2000x64xf32, #tpu.memory_space<vmem>>, vector<1x2000x64xf32>,
    %eq3A = arith.constant 0 : i32
    %eq3A_41 = arith.cmpi eq, %arg0, %eq3A : i32
    %convert_element_type3A = arith.extui %eq3A_41 : i1 to i32
    %cond3A = arith.constant 0 : i32
    %cond3A_42 = arith.cmpi ne, %convert_element_type3A, %cond3A : i32
    scf.if %cond3A_42 {
      %get3A_43 = arith.constant 0 : index
      %get3A_44 = arith.constant 0 : index
      %get3A_45 = vector.load %arg4[%get3A_43, %get3A_44] : memref<1x256xf32, #tpu.memory_space<vmem>>, vector<1x256xf32>
      %get3A_46 = arith.constant 0 : index
      %get3A_47 = arith.constant 0 : index
      %get3A_48 = vector.load %arg5[%get3A_46, %get3A_47] : memref<256x256xf32, #tpu.memory_space<vmem>>, vector<256x256xf32>
      %dot_general3A_49 = arith.constant dense<0.000000e+00> : vector<1x256xf32>
      %dot_general3A_50 = tpu.matmul %get3A_45, %get3A_48, %dot_general3A_49 {dimension_numbers = #tpu.dot_dimension_numbers<[1], [0], [0], [1], [0, 0, 1, 1], [], []>, transpose_lhs_hint = false} : vector<1x256xf32>, vector<256x256xf32>, vector<1x256xf32> -> vector<1x256xf32>
      %get3A_51 = arith.constant 0 : index
      %get3A_52 = arith.constant 0 : index
      %get3A_53 = vector.load %arg6[%get3A_51, %get3A_52] : memref<1x256xf32, #tpu.memory_space<vmem>>, vector<1x256xf32>
      %add3A_54 = arith.addf %dot_general3A_50, %get3A_53 : vector<1x256xf32>
      %max3A = arith.constant 0.000000e+00 : f32
      %max3A_55 = vector.broadcast %max3A : f32 to vector<1x256xf32>
      %max3A_56 = arith.maximumf %add3A_54, %max3A_55 : vector<1x256xf32>
      %swap3A_57 = arith.constant 0 : index
      %swap3A_58 = arith.constant 0 : index
      %swap3A_59 = vector.load %arg9[%swap3A_57, %swap3A_58] : memref<1x256xf32, #tpu.memory_space<vmem>>, vector<1x256xf32>
      tpu.vector_store %arg9[%swap3A_57, %swap3A_58], %max3A_56 {strides = array<i32>} : memref<1x256xf32, #tpu.memory_space<vmem>>, vector<1x256xf32>,
    } else {
    }
    return
  }
  func.func @transform_0(%arg0: i32) -> (i32, i32) {
    %c0_i32 = arith.constant 0 : i32
    %c0_i32_0 = arith.constant 0 : i32
    return %arg0, %c0_i32 : i32, i32
  }
  func.func @transform_1(%arg0: i32) -> (i32, i32) {
    %c0_i32 = arith.constant 0 : i32
    %c0_i32_0 = arith.constant 0 : i32
    %c0_i32_1 = arith.constant 0 : i32
    return %c0_i32, %c0_i32_0 : i32, i32
  }
  func.func @transform_2(%arg0: i32) -> (i32, i32) {
    %c0_i32 = arith.constant 0 : i32
    %c0_i32_0 = arith.constant 0 : i32
    return %arg0, %c0_i32 : i32, i32
  }
  func.func @transform_3(%arg0: i32) -> (i32, i32) {
    %c0_i32 = arith.constant 0 : i32
    %c0_i32_0 = arith.constant 0 : i32
    %c0_i32_1 = arith.constant 0 : i32
    return %c0_i32, %c0_i32_0 : i32, i32
  }
  func.func @transform_4(%arg0: i32) -> (i32, i32) {
    %c0_i32 = arith.constant 0 : i32
    %c0_i32_0 = arith.constant 0 : i32
    %c0_i32_1 = arith.constant 0 : i32
    return %c0_i32, %c0_i32_0 : i32, i32
  }
  func.func @transform_5(%arg0: i32) -> (i32, i32) {
    %c0_i32 = arith.constant 0 : i32
    %c0_i32_0 = arith.constant 0 : i32
    %c0_i32_1 = arith.constant 0 : i32
    return %c0_i32, %c0_i32_0 : i32, i32
  }
  func.func @transform_6(%arg0: i32) -> (i32, i32, i32) {
    %c0_i32 = arith.constant 0 : i32
    %c0_i32_0 = arith.constant 0 : i32
    %c0_i32_1 = arith.constant 0 : i32
    return %c0_i32, %arg0, %c0_i32_0 : i32, i32, i32
  }
  func.func @transform_7(%arg0: i32) -> (i32, i32) {
    %c0_i32 = arith.constant 0 : i32
    %c0_i32_0 = arith.constant 0 : i32
    return %arg0, %c0_i32 : i32, i32
  }
  func.func @transform_8(%arg0: i32) -> (i32, i32) {
    %c0_i32 = arith.constant 0 : i32
    %c0_i32_0 = arith.constant 0 : i32
    %c0_i32_1 = arith.constant 0 : i32
    return %c0_i32, %c0_i32_0 : i32, i32
  }
}

module attributes {stable_mosaic.version = 14 : i64} {
  func.func @_fin_body(%arg0: i32, %arg1: i32, %arg2: memref<4x2000x64xf32, #tpu.memory_space<vmem>>, %arg3: memref<2000x1xf32, #tpu.memory_space<vmem>>, %arg4: memref<1x256xf32, #tpu.memory_space<vmem>>, %arg5: memref<1x256xf32, #tpu.memory_space<vmem>>, %arg6: memref<1x256xf32, #tpu.memory_space<vmem>>, %arg7: memref<1x256xf32, #tpu.memory_space<vmem>>, %arg8: memref<2000x256xf32, #tpu.memory_space<vmem>>, %arg9: memref<1x256xf32, #tpu.memory_space<vmem>>, %arg10: memref<1x256xf32, #tpu.memory_space<vmem>>) attributes {dimension_semantics = [#tpu.dimension_semantics<arbitrary>, #tpu.dimension_semantics<arbitrary>], iteration_bounds = array<i64: 2, 5>, scalar_prefetch = 0 : i64, scratch_operands = 2 : i64, tpu.core_type = #tpu.core_type<tc>, window_params = [{transform_indices = @transform_0, window_bounds = array<i64: 4, 2000, 64>}, {transform_indices = @transform_1, window_bounds = array<i64: 2000, 1>}, {pipeline_mode = #tpu.pipeline_mode<synchronous>, transform_indices = @transform_2, window_bounds = array<i64: 1, 256>}, {pipeline_mode = #tpu.pipeline_mode<synchronous>, transform_indices = @transform_3, window_bounds = array<i64: 1, 256>}, {pipeline_mode = #tpu.pipeline_mode<synchronous>, transform_indices = @transform_4, window_bounds = array<i64: 1, 256>}, {pipeline_mode = #tpu.pipeline_mode<synchronous>, transform_indices = @transform_5, window_bounds = array<i64: 1, 256>}, {transform_indices = @transform_6, window_bounds = array<i64: 2000, 256>}]} {
    %get3A = arith.constant 0 : index
    %get3A_0 = arith.constant 0 : index
    %get3A_1 = arith.constant 0 : index
    %get3A_2 = vector.load %arg2[%get3A, %get3A_0, %get3A_1] : memref<4x2000x64xf32, #tpu.memory_space<vmem>>, vector<1x2000x64xf32>
    %get3A_3 = vector.shape_cast %get3A_2 : vector<1x2000x64xf32> to vector<2000x64xf32>
    %get3A_4 = arith.constant 1 : index
    %get3A_5 = arith.constant 0 : index
    %get3A_6 = arith.constant 0 : index
    %get3A_7 = vector.load %arg2[%get3A_4, %get3A_5, %get3A_6] : memref<4x2000x64xf32, #tpu.memory_space<vmem>>, vector<1x2000x64xf32>
    %get3A_8 = vector.shape_cast %get3A_7 : vector<1x2000x64xf32> to vector<2000x64xf32>
    %get3A_9 = arith.constant 2 : index
    %get3A_10 = arith.constant 0 : index
    %get3A_11 = arith.constant 0 : index
    %get3A_12 = vector.load %arg2[%get3A_9, %get3A_10, %get3A_11] : memref<4x2000x64xf32, #tpu.memory_space<vmem>>, vector<1x2000x64xf32>
    %get3A_13 = vector.shape_cast %get3A_12 : vector<1x2000x64xf32> to vector<2000x64xf32>
    %get3A_14 = arith.constant 3 : index
    %get3A_15 = arith.constant 0 : index
    %get3A_16 = arith.constant 0 : index
    %get3A_17 = vector.load %arg2[%get3A_14, %get3A_15, %get3A_16] : memref<4x2000x64xf32, #tpu.memory_space<vmem>>, vector<1x2000x64xf32>
    %get3A_18 = vector.shape_cast %get3A_17 : vector<1x2000x64xf32> to vector<2000x64xf32>
    %concatenate3A = tpu.concatenate %get3A_3, %get3A_8, %get3A_13, %get3A_18 in 1 : vector<2000x64xf32>, vector<2000x64xf32>, vector<2000x64xf32>, vector<2000x64xf32> -> vector<2000x256xf32>
    %get3A_19 = arith.constant 0 : index
    %get3A_20 = arith.constant 0 : index
    %get3A_21 = vector.load %arg3[%get3A_19, %get3A_20] : memref<2000x1xf32, #tpu.memory_space<vmem>>, vector<2000x1xf32>
    %mul3A = vector.broadcast %get3A_21 : vector<2000x1xf32> to vector<2000x256xf32>
    %mul3A_22 = arith.mulf %mul3A, %concatenate3A : vector<2000x256xf32>
    %get3A_23 = arith.constant 0 : index
    %get3A_24 = arith.constant 0 : index
    %get3A_25 = vector.load %arg5[%get3A_23, %get3A_24] : memref<1x256xf32, #tpu.memory_space<vmem>>, vector<1x256xf32>
    %add3A = vector.broadcast %get3A_25 : vector<1x256xf32> to vector<2000x256xf32>
    %add3A_26 = arith.addf %mul3A_22, %add3A : vector<2000x256xf32>
    %get3A_27 = arith.constant 0 : index
    %get3A_28 = arith.constant 0 : index
    %get3A_29 = vector.load %arg4[%get3A_27, %get3A_28] : memref<1x256xf32, #tpu.memory_space<vmem>>, vector<1x256xf32>
    %add3A_30 = vector.broadcast %get3A_29 : vector<1x256xf32> to vector<2000x256xf32>
    %add3A_31 = arith.addf %add3A_26, %add3A_30 : vector<2000x256xf32>
    %max3A = arith.constant 0.000000e+00 : f32
    %max3A_32 = vector.broadcast %max3A : f32 to vector<2000x256xf32>
    %max3A_33 = arith.maximumf %add3A_31, %max3A_32 : vector<2000x256xf32>
    %eq3A = arith.constant 0 : i32
    %eq3A_34 = arith.cmpi eq, %arg0, %eq3A : i32
    %eq3A_35 = arith.constant 0 : i32
    %eq3A_36 = arith.cmpi eq, %arg1, %eq3A_35 : i32
    %and3A = arith.andi %eq3A_34, %eq3A_36 : i1
    %convert_element_type3A = arith.extui %and3A : i1 to i32
    %cond3A = arith.constant 0 : i32
    %cond3A_37 = arith.cmpi ne, %convert_element_type3A, %cond3A : i32
    scf.if %cond3A_37 {
      %broadcast_in_dim3A = arith.constant 0.000000e+00 : f32
      %broadcast_in_dim3A_48 = vector.broadcast %broadcast_in_dim3A : f32 to vector<1x256xf32>
      %swap3A = arith.constant 0 : index
      %swap3A_49 = arith.constant 0 : index
      %swap3A_50 = vector.load %arg9[%swap3A, %swap3A_49] : memref<1x256xf32, #tpu.memory_space<vmem>>, vector<1x256xf32>
      tpu.vector_store %arg9[%swap3A, %swap3A_49], %broadcast_in_dim3A_48 {strides = array<i32>} : memref<1x256xf32, #tpu.memory_space<vmem>>, vector<1x256xf32>,
      %broadcast_in_dim3A_51 = arith.constant 0.000000e+00 : f32
      %broadcast_in_dim3A_52 = vector.broadcast %broadcast_in_dim3A_51 : f32 to vector<1x256xf32>
      %swap3A_53 = arith.constant 0 : index
      %swap3A_54 = arith.constant 0 : index
      %swap3A_55 = vector.load %arg10[%swap3A_53, %swap3A_54] : memref<1x256xf32, #tpu.memory_space<vmem>>, vector<1x256xf32>
      tpu.vector_store %arg10[%swap3A_53, %swap3A_54], %broadcast_in_dim3A_52 {strides = array<i32>} : memref<1x256xf32, #tpu.memory_space<vmem>>, vector<1x256xf32>,
    } else {
    }
    %eq3A_38 = arith.constant 0 : i32
    %eq3A_39 = arith.cmpi eq, %arg0, %eq3A_38 : i32
    %convert_element_type3A_40 = arith.extui %eq3A_39 : i1 to i32
    %cond3A_41 = arith.constant 0 : i32
    %cond3A_42 = arith.cmpi ne, %convert_element_type3A_40, %cond3A_41 : i32
    scf.if %cond3A_42 {
      %get3A_48 = arith.constant 0 : index
      %get3A_49 = arith.constant 0 : index
      %get3A_50 = vector.load %arg9[%get3A_48, %get3A_49] : memref<1x256xf32, #tpu.memory_space<vmem>>, vector<1x256xf32>
      %reduce_sum3A = arith.constant dense<0.000000e+00> : vector<256xf32>
      %reduce_sum3A_51 = vector.multi_reduction <add>, %max3A_33, %reduce_sum3A [0] : vector<2000x256xf32> to vector<256xf32>
      %broadcast_in_dim3A = vector.shape_cast %reduce_sum3A_51 : vector<256xf32> to vector<1x256xf32>
      %add3A_52 = arith.addf %get3A_50, %broadcast_in_dim3A : vector<1x256xf32>
      %swap3A = arith.constant 0 : index
      %swap3A_53 = arith.constant 0 : index
      %swap3A_54 = vector.load %arg9[%swap3A, %swap3A_53] : memref<1x256xf32, #tpu.memory_space<vmem>>, vector<1x256xf32>
      tpu.vector_store %arg9[%swap3A, %swap3A_53], %add3A_52 {strides = array<i32>} : memref<1x256xf32, #tpu.memory_space<vmem>>, vector<1x256xf32>,
      %get3A_55 = arith.constant 0 : index
      %get3A_56 = arith.constant 0 : index
      %get3A_57 = vector.load %arg10[%get3A_55, %get3A_56] : memref<1x256xf32, #tpu.memory_space<vmem>>, vector<1x256xf32>
      %mul3A_58 = arith.mulf %max3A_33, %max3A_33 : vector<2000x256xf32>
      %reduce_sum3A_59 = arith.constant dense<0.000000e+00> : vector<256xf32>
      %reduce_sum3A_60 = vector.multi_reduction <add>, %mul3A_58, %reduce_sum3A_59 [0] : vector<2000x256xf32> to vector<256xf32>
      %broadcast_in_dim3A_61 = vector.shape_cast %reduce_sum3A_60 : vector<256xf32> to vector<1x256xf32>
      %add3A_62 = arith.addf %get3A_57, %broadcast_in_dim3A_61 : vector<1x256xf32>
      %swap3A_63 = arith.constant 0 : index
      %swap3A_64 = arith.constant 0 : index
      %swap3A_65 = vector.load %arg10[%swap3A_63, %swap3A_64] : memref<1x256xf32, #tpu.memory_space<vmem>>, vector<1x256xf32>
      tpu.vector_store %arg10[%swap3A_63, %swap3A_64], %add3A_62 {strides = array<i32>} : memref<1x256xf32, #tpu.memory_space<vmem>>, vector<1x256xf32>,
    } else {
    }
    %eq3A_43 = arith.constant 1 : i32
    %eq3A_44 = arith.cmpi eq, %arg0, %eq3A_43 : i32
    %convert_element_type3A_45 = arith.extui %eq3A_44 : i1 to i32
    %cond3A_46 = arith.constant 0 : i32
    %cond3A_47 = arith.cmpi ne, %convert_element_type3A_45, %cond3A_46 : i32
    scf.if %cond3A_47 {
      %get3A_48 = arith.constant 0 : index
      %get3A_49 = arith.constant 0 : index
      %get3A_50 = vector.load %arg9[%get3A_48, %get3A_49] : memref<1x256xf32, #tpu.memory_space<vmem>>, vector<1x256xf32>
      %mul3A_51 = arith.constant 9.99999974E-5 : f32
      %mul3A_52 = vector.broadcast %mul3A_51 : f32 to vector<1x256xf32>
      %mul3A_53 = arith.mulf %get3A_50, %mul3A_52 : vector<1x256xf32>
      %get3A_54 = arith.constant 0 : index
      %get3A_55 = arith.constant 0 : index
      %get3A_56 = vector.load %arg10[%get3A_54, %get3A_55] : memref<1x256xf32, #tpu.memory_space<vmem>>, vector<1x256xf32>
      %mul3A_57 = arith.constant 9.99999974E-5 : f32
      %mul3A_58 = vector.broadcast %mul3A_57 : f32 to vector<1x256xf32>
      %mul3A_59 = arith.mulf %get3A_56, %mul3A_58 : vector<1x256xf32>
      %mul3A_60 = arith.mulf %mul3A_53, %mul3A_53 : vector<1x256xf32>
      %sub3A = arith.subf %mul3A_59, %mul3A_60 : vector<1x256xf32>
      %get3A_61 = arith.constant 0 : index
      %get3A_62 = arith.constant 0 : index
      %get3A_63 = vector.load %arg6[%get3A_61, %get3A_62] : memref<1x256xf32, #tpu.memory_space<vmem>>, vector<1x256xf32>
      %add3A_64 = arith.constant 9.99999974E-6 : f32
      %add3A_65 = vector.broadcast %add3A_64 : f32 to vector<1x256xf32>
      %add3A_66 = arith.addf %sub3A, %add3A_65 : vector<1x256xf32>
      %rsqrt3A = math.rsqrt %add3A_66 : vector<1x256xf32>
      %mul3A_67 = arith.mulf %get3A_63, %rsqrt3A : vector<1x256xf32>
      %sub3A_68 = vector.broadcast %mul3A_53 : vector<1x256xf32> to vector<2000x256xf32>
      %sub3A_69 = arith.subf %max3A_33, %sub3A_68 : vector<2000x256xf32>
      %mul3A_70 = vector.broadcast %mul3A_67 : vector<1x256xf32> to vector<2000x256xf32>
      %mul3A_71 = arith.mulf %sub3A_69, %mul3A_70 : vector<2000x256xf32>
      %get3A_72 = arith.constant 0 : index
      %get3A_73 = arith.constant 0 : index
      %get3A_74 = vector.load %arg7[%get3A_72, %get3A_73] : memref<1x256xf32, #tpu.memory_space<vmem>>, vector<1x256xf32>
      %add3A_75 = vector.broadcast %get3A_74 : vector<1x256xf32> to vector<2000x256xf32>
      %add3A_76 = arith.addf %mul3A_71, %add3A_75 : vector<2000x256xf32>
      %swap3A = arith.constant 0 : index
      %swap3A_77 = arith.constant 0 : index
      %swap3A_78 = vector.load %arg8[%swap3A, %swap3A_77] : memref<2000x256xf32, #tpu.memory_space<vmem>>, vector<2000x256xf32>
      tpu.vector_store %arg8[%swap3A, %swap3A_77], %add3A_76 {strides = array<i32>} : memref<2000x256xf32, #tpu.memory_space<vmem>>, vector<2000x256xf32>,
    } else {
    }
    return
  }
  func.func @transform_0(%arg0: i32, %arg1: i32) -> (i32, i32, i32) {
    %c0_i32 = arith.constant 0 : i32
    %c0_i32_0 = arith.constant 0 : i32
    %c0_i32_1 = arith.constant 0 : i32
    return %c0_i32, %arg1, %c0_i32_0 : i32, i32, i32
  }
  func.func @transform_1(%arg0: i32, %arg1: i32) -> (i32, i32) {
    %c0_i32 = arith.constant 0 : i32
    %c0_i32_0 = arith.constant 0 : i32
    return %arg1, %c0_i32 : i32, i32
  }
  func.func @transform_2(%arg0: i32, %arg1: i32) -> (i32, i32) {
    %c0_i32 = arith.constant 0 : i32
    %c0_i32_0 = arith.constant 0 : i32
    %c0_i32_1 = arith.constant 0 : i32
    return %c0_i32, %c0_i32_0 : i32, i32
  }
  func.func @transform_3(%arg0: i32, %arg1: i32) -> (i32, i32) {
    %c0_i32 = arith.constant 0 : i32
    %c0_i32_0 = arith.constant 0 : i32
    %c0_i32_1 = arith.constant 0 : i32
    return %c0_i32, %c0_i32_0 : i32, i32
  }
  func.func @transform_4(%arg0: i32, %arg1: i32) -> (i32, i32) {
    %c0_i32 = arith.constant 0 : i32
    %c0_i32_0 = arith.constant 0 : i32
    %c0_i32_1 = arith.constant 0 : i32
    return %c0_i32, %c0_i32_0 : i32, i32
  }
  func.func @transform_5(%arg0: i32, %arg1: i32) -> (i32, i32) {
    %c0_i32 = arith.constant 0 : i32
    %c0_i32_0 = arith.constant 0 : i32
    %c0_i32_1 = arith.constant 0 : i32
    return %c0_i32, %c0_i32_0 : i32, i32
  }
  func.func @transform_6(%arg0: i32, %arg1: i32) -> (i32, i32) {
    %mul3A = arith.muli %arg0, %arg1 : i32
    %c0_i32 = arith.constant 0 : i32
    %c0_i32_0 = arith.constant 0 : i32
    return %mul3A, %c0_i32 : i32, i32
  }
}

</mosaic_0001>

<sc_bundles>
// kernel: kernel.6.cloned.1.call-start
scs
__scs_entry_jumppad:
0x0: {  	(pc) =	sbr.rel $0x88, $3  }
0x1: {  	(tag) =	ssettag $0x0;
	lr =	simm.s32 $0x1  }
0x2: {  	[smem:$0x3F98] =	sst lr;
	_ =	strace $0xD0000000  }
0x3: {  	_ = 	snop  }
0x4: {  	_ = 	snop  }
0x5: {  	_ = 	snop  }
0x6: {  	_ = 	snop  }
0x7: {  	_ = 	snop  }
__scs_overlays_trampoline_lowered:
0x8: {  	[smem:$0x3FA7] =	sst s0  }
0x9: {  	[smem:$0x3FA8] =	sst s1  }
0xa: {  	[smem:$0x3FA9] =	sst s2  }
0xb: {  	[smem:$0x3FAA] =	sst s3  }
0xc: {  	[smem:$0x3FAB] =	sst s4  }
0xd: {  	[smem:$0x3FAC] =	sst s5  }
0xe: {  	[smem:$0x3FAD] =	sst s6  }
0xf: {  	[smem:$0x3FAE] =	sst s7  }
0x10: {  	[smem:$0x3FAF] =	sst s8  }
0x11: {  	[smem:$0x3FB0] =	sst s9;
	s0 =	simm.s32 @!p0 $0x0  }
0x12: {  	s1 =	sld [smem:$0x3F96];
	s0 =	simm.s32 @p0 $0x1  }
0x13: {  	[smem:$0x3FB1] =	sst s0;
	s0 =	simm.s32 @!p1 $0x0  }
0x14: {  	s2 =	sld [smem:$0x3F95];
	s0 =	simm.s32 @p1 $0x1  }
0x15: {  	[smem:$0x3FB2] =	sst s0;
	s0 =	simm.s32 @!p2 $0x0  }
0x16: {  	s3 =	sld [smem:$0x3FDB];
	s0 =	simm.s32 @p2 $0x1  }
0x17: {  	s4 =	simm.s32 $0x1BF5;
	[smem:$0x3FB4] =	sst s0  }
0x18: {  	s0 =	sld [smem:$0x3F97];
	_ =	swait.ge [sflag:s4], $0x0  }
0x19: {  	s7 =	sld [smem:$0x3F98]  }
0x1a: {  	s8 =	sadd.s32 $0xFFFFE003, lr  }
0x1b: {  	s9 =	sadd.s32 $0xFFFFFEF7, lr;
	s5 =	simm.s32 $0xFFFFFFFF;
	p2 =	slt.u32 s8, $0xFFFFF086  }
0x1c: {  	p1 =	slt.u32 s9, $0xF7A;
	s5 =	simm.s32 @!p2 $0x0  }
0x1d: {  	s5 =	simm.s32 @p1 $0x1;
	p0 =	seq.s32 s7, s2  }
0x1e: {  	s7 =	smul.u32 @!p0 $0xF7A, s2;
	p2 =	seq.s32 @!p0 s5, $0x0  }
0x1f: {  	s9 =	smul.u32 $0xF7A, s1;
	s8 =	simm.s32 @!p0 $0x1BF5;
	p2 =	por !p2, p0  }
0x20: {  	[sflag:s8] =	ssyncset.s32 @!p0 $0xFFFFF086;
	s6 =	sadd.s32 @!p0 s3, s7;
	s7 =	simm.s32 @!p0 $0x108  }
0x21: {  	s3 =	sadd.s32 s3, s9;
	s6 =	sadd.s32 @!p0 $0x88, s6;
	s7 =	simm.s32 @p2 $0x1082  }
0x22: {  	[simem:s7], [sflag:s8] =	dma.local @!p0 [hbm:s6], $0xF7A  }
0x23: {  	s9 =	sor.u32 $0xD0000000, s2;
	s6 =	simm.s32 $0x108;
	_ =	swait.ge @!p0 [sflag:s8], $0x0  }
0x24: {  	s3 =	sadd.s32 $0x88, s3;
	s6 =	simm.s32 @!p1 $0x1082;
	[sflag:s4] =	ssyncset.s32 $0xFFFFF086  }
0x25: {  	[simem:s6], [sflag:s4] =	dma.local [hbm:s3], $0xF7A  }
0x26: {  	[smem:$0x3F98] =	sst s1;
	(tag) =	ssettag s2;
	_ =	strace s9  }
0x27: {  	s1 =	sld [smem:$0x3FA8]  }
0x28: {  	s2 =	sld [smem:$0x3FA9]  }
0x29: {  	s4 =	sld [smem:$0x3FAB]  }
0x2a: {  	p0 =	seq.s32 s5, $0x0;
	s5 =	sld [smem:$0x3FAC]  }
0x2b: {  	s6 =	sld [smem:$0x3FAD]  }
0x2c: {  	s7 =	sld [smem:$0x3FAE]  }
0x2d: {  	s3 =	simm.s32 $0x108;
	s8 =	sld [smem:$0x3FAF]  }
0x2e: {  	s3 =	simm.s32 @!p0 $0x1082;
	s9 =	sld [smem:$0x3FB0]  }
0x2f: {  	lr =	sadd.s32 s0, s3;
	s0 =	sld [smem:$0x3FA7]  }
0x30: {  	s3 =	sld [smem:$0x3FAA]  }
0x31: {  	[smem:$0x3FB3] =	sst s10  }
0x32: {  	s10 =	sld [smem:$0x3FB1];
	_ =	sdelay $0x3  }
0x33: {  	p0 =	seq.s32 s10, $0x1;
	s10 =	sld [smem:$0x3FB3];
	_ =	sdelay $0x3  }
0x34: {  	[smem:$0x3FB3] =	sst s10  }
0x35: {  	s10 =	sld [smem:$0x3FB2];
	_ =	sdelay $0x3  }
0x36: {  	p1 =	seq.s32 s10, $0x1;
	s10 =	sld [smem:$0x3FB3];
	_ =	sdelay $0x3  }
0x37: {  	[smem:$0x3FB3] =	sst s10  }
0x38: {  	s10 =	sld [smem:$0x3FB4]  }
0x39: {  	_ = 	snop;
	(pc) =	sbr.ind lr, $3  }
0x3a: {  	_ = 	snop  }
0x3b: {  	_ = 	snop  }
0x3c: {  	p2 =	seq.s32 s10, $0x1;
	s10 =	sld [smem:$0x3FB3]  }
0x3d: {  	_ =	shalt  }
0x3e: {  	_ =	shalt  }
0x3f: {  	_ =	shalt  }
0x40: {  	_ =	shalt  }
0x41: {  	_ =	shalt  }
0x42: {  	_ =	shalt  }
0x43: {  	_ =	shalt  }
0x44: {  	_ =	shalt  }
0x45: {  	_ =	shalt  }
0x46: {  	_ =	shalt  }
0x47: {  	_ =	shalt  }
0x48: {  	_ =	shalt  }
0x49: {  	_ =	shalt  }
0x4a: {  	_ =	shalt  }
0x4b: {  	_ =	shalt  }
0x4c: {  	_ =	shalt  }
0x4d: {  	_ =	shalt  }
0x4e: {  	_ =	shalt  }
0x4f: {  	_ =	shalt  }
0x50: {  	_ =	shalt  }
0x51: {  	_ =	shalt  }
0x52: {  	_ =	shalt  }
0x53: {  	_ =	shalt  }
0x54: {  	_ =	shalt  }
0x55: {  	_ =	shalt  }
0x56: {  	_ =	shalt  }
0x57: {  	_ =	shalt  }
0x58: {  	_ =	shalt  }
0x59: {  	_ =	shalt  }
0x5a: {  	_ =	shalt  }
0x5b: {  	_ =	shalt  }
0x5c: {  	_ =	shalt  }
0x5d: {  	_ =	shalt  }
0x5e: {  	_ =	shalt  }
0x5f: {  	_ =	shalt  }
0x60: {  	_ =	shalt  }
0x61: {  	_ =	shalt  }
0x62: {  	_ =	shalt  }
0x63: {  	_ =	shalt  }
0x64: {  	_ =	shalt  }
0x65: {  	_ =	shalt  }
0x66: {  	_ =	shalt  }
0x67: {  	_ =	shalt  }
0x68: {  	_ =	shalt  }
0x69: {  	_ =	shalt  }
0x6a: {  	_ =	shalt  }
0x6b: {  	_ =	shalt  }
0x6c: {  	_ =	shalt  }
0x6d: {  	_ =	shalt  }
0x6e: {  	_ =	shalt  }
0x6f: {  	_ =	shalt  }
0x70: {  	_ =	shalt  }
0x71: {  	_ =	shalt  }
0x72: {  	_ =	shalt  }
0x73: {  	_ =	shalt  }
0x74: {  	_ =	shalt  }
0x75: {  	_ =	shalt  }
0x76: {  	_ =	shalt  }
0x77: {  	_ =	shalt  }
0x78: {  	_ =	shalt  }
0x79: {  	_ =	shalt  }
0x7a: {  	_ =	shalt  }
0x7b: {  	_ =	shalt  }
0x7c: {  	_ =	shalt  }
0x7d: {  	_ =	shalt  }
0x7e: {  	_ =	shalt  }
0x7f: {  	_ =	shalt  }
0x80: {  	_ =	shalt  }
0x81: {  	_ =	shalt  }
0x82: {  	_ =	shalt  }
0x83: {  	_ =	shalt  }
0x84: {  	_ =	shalt  }
0x85: {  	_ =	shalt  }
0x86: {  	_ =	shalt  }
0x87: {  	_ =	shalt  }
.Lfunc_end0:
.L_simem_size_0:
called_computation_lowered:
.L_overlay_start_0:
0x88: {  	s2 =	sld [smem:$0x3FD9]  }
0x89: {  	s3 =	sld [smem:$0x3FFE];
	_ =	sdelay $0x1  }
0x8a: {  	s1 =	srdreg.scid  }
0x8b: {  	s0 =	sand.u32 $0x1, s1  }
0x8c: {  	s17 =	sshll.u32 s0, $0xA;
	s2 =	sadd.s32 s3, s2  }
0x8d: {  	s2 =	sadd.s32 s2, s17  }
0x8e: {  	[smem:$0x3FBF] =	sst s2  }
0x8f: {  	_ = 	snop  }
0x90: {  	s2 =	sld [smem:$0x3FD0];
	(tm) =	ssettm $0x1  }
0x91: {  	s18 =	sld [smem:$0x3FFB];
	_ =	sdelay $0x3  }
0x92: {  	_ =	strace s18  }
0x93: {  	s3 =	sld [smem:$0x3FFC];
	_ =	sdelay $0x3  }
0x94: {  	_ =	strace s3  }
0x95: {  	s3 =	sld [smem:$0x3FFD];
	_ =	sdelay $0x3  }
0x96: {  	_ =	strace s3  }
0x97: {  	_ =	strace $0x8FFFFFFF  }
0x98: {  	s19 =	sld [smem:$0x3FDB];
	_ =	sdelay $0x1  }
0x99: {  	s4 =	simm.s32 $_scs_section_size  }
0x9a: {  	s5 =	simm.s32 $_size__tile_overlayer_lowered;
	s6 =	simm.s32 $_tile_overlayer_lowered  }
0x9b: {  	s22 =	simm.s32 $0x1BFF;
	s21 =	sshll.u32 s6, $0x1;
	s3 =	sadd.s32 s4, s19  }
0x9c: {  	s7 =	simm.s32 $0x0;
	s20 =	sshll.u32 s5, $0x1;
	s5 =	sadd.s32 s21, s3  }
0x9d: {  	[timem:s7], [sflag:s22] =	dma.local [hbm:s5], s20  }
0x9e: {  	_ =	swait.ge [sflag:s22], s20  }
0x9f: {  	s4 =	ssub.s32 $0x0, s20;
	[sflag:s22] =	ssyncset.done $0x0  }
0xa0: {  	[sflag:s22] =	ssyncadd.s32 s4;
	_ =	sdelay $0x1  }
0xa1: {  	s23 =	simm.s32 $0x1B8B  }
0xa2: {  	_ =	swait.ge [sflag:s23], $0x1  }
0xa3: {  	[sflag:s23] =	ssyncset.done $0x0  }
0xa4: {  	s25 =	simm.s32 $0x1B8E;
	s24 =	sld [smem:$0x3FFE];
	[sflag:s23] =	ssyncadd.s32 $0xFFFFFFFF  }
0xa5: {  	s26 =	simm.s32 $execute0_lowered;
	[smem:$0x3FD2] =	sst s25  }
0xa6: {  	s5 =	sshll.u32 s26, $0x1;
	_ =	strace $0x80000046;
	[dreg:$0x1] =	wrdreg $0xFFFFFFFF  }
0xa7: {  	s28 =	simm.s32 $_size_execute0_lowered;
	s3 =	sadd.s32 s3, s5;
	[dreg:$0x0] =	wrdreg $0x0  }
0xa8: {  	s5 =	sshll.u32 s28, $0x1;
	[dreg:$0x2] =	wrdreg s3  }
0xa9: {  	[dreg:$0x3] =	wrdreg s5  }
0xaa: {  	[dreg:$0x4] =	wrdreg $0xC0  }
0xab: {  	_ =	task [dreg:s7], $0x5FFFF  }
0xac: {  	[dreg:$0x1] =	wrdreg $0xFFFFFFFF  }
0xad: {  	[dreg:$0x0] =	wrdreg $0x60  }
0xae: {  	[dreg:$0x2] =	wrdreg s2  }
0xaf: {  	[dreg:$0x3] =	wrdreg s24  }
0xb0: {  	[dreg:$0x4] =	wrdreg $0x41000  }
0xb1: {  	[dreg:$0x5] =	wrdreg $0x9  }
0xb2: {  	_ =	task.clear_ibuf [dreg:s7], $0x6FFFF;
	_ =	strace $0x90000046  }
0xb3: {  	s29 =	simm.s32 $0x9;
	_ =	strace $0x80000048  }
0xb4: {  	_ =	swait.ge [sflag:s29], $0x1  }
0xb5: {  	[sflag:s29] =	ssyncadd.s32 $0xFFFFFFFF  }
0xb6: {  	_ =	strace $0x90000048  }
0xb7: {  	_ =	sfence  }
0xb8: {  	s30 =	sld [smem:$0x0];
	_ =	sdelay $0x2  }
0xb9: {  	s31 =	sshll.u32 s1, $0xD;
	s1 =	sshrl.u32 s1, $0x2  }
0xba: {  	s3 =	sand.u32 $0x4000, s31;
	s1 =	sadd.s32 s1, s30  }
0xbb: {  	s0 =	sor.u32 s3, s0;
	s1 =	sshll.u32 s1, $0x11  }
0xbc: {  	s0 =	sor.u32 s1, s0  }
0xbd: {  	s0 =	sadd.s32 $0x8F2B, s0  }
0xbe: {  	[sflag:s0] =	ssyncadd.remote.s32 $0x1  }
0xbf: {  	_ =	sfence.sel $0xFFFF  }
0xc0: {  	[dreg:$0x0] =	wrdreg $0xFFFFFFFF;
	(pc) =	sbr.abs _section_cstart, $3  }
0xc1: {  	[dreg:$0x1] =	wrdreg $0xFFFFFFFF  }
0xc2: {  	_ =	task.clear_ibuf [dreg:s7], $0x2FFFF;
	_ =	strace $0x9FFFFFFF  }
0xc3: {  	(tm) =	ssettm $0x7FFFFFFF  }
tec
execute0_lowered:
.L_overlay_start_1:
0x0: {  	(tag) =	ssettag $0x1  }
0x1: {  	s3 =	rddreg [dreg:$0x0]  }
0x2: {  	s4 =	rddreg [dreg:$0x1]  }
0x3: {  	s7 =	rddreg [dreg:$0x2]  }
0x4: {  	s0 =	srdreg.scid;
	s1 =	rddreg [dreg:$0x3];
	s2 =	simm.s32 $0x0  }
0x5: {  	s13 =	simm.s32 $0x3C00;
	s5 =	sand.u32 $0x1, s0;
	s0 =	stileid.u32  }
0x6: {  	s14 =	simm.s32 $0x0;
	[smem:$0x7FF] =	sst s2;
	s6 =	smul.u32 $0x2800, s5  }
0x7: {  	s8 =	smul.u32 $0x280, s0;
	s9 =	sshll.u32 s5, $0x4;
	_ =	strace $0x80000047  }
0x8: {  	s5 =	ssub.s32 $0x2, s5;
	s28 =	sshll.u32 s0, $0x7;
	s10 =	smul.u32 $0xA000, s0  }
0x9: {  	s12 =	smul.u32 $0xA00, s0;
	s9 =	sor.u32 s0, s9;
	s11 =	sshrl.u32 s5, $0x1  }
0xa: {  	s6 =	sadd.s32 s8, s6;
	s26 =	sshrl.u32 s9, $0x3;
	s9 =	sand.u32 $0x380, s28  }
0xb: {  	s11 =	ssub.s32 s5, s11;
	s30 =	sshrl.u32 s10, $0x2;
	s8 =	smul.u32 $0xA000, s26  }
0xc: {  	s31 =	sshrl.u32 s12, $0x2;
	s10 =	simm.s32 $0x1;
	s6 =	sshrl.u32 s6, $0x3  }
0xd: {  	s12 =	simm.s32 $0x3E80;
	s6 =	sadd.s32 s6, s4;
	s29 =	sor.u32 s9, s8  }
0xe: {  	s5 =	sadd.s32 s31, s7;
	s6 =	sadd.s32 $0x1200, s6;
	s4 =	sshrl.u32 s29, $0x3  }
0xf: {  	s8 =	simm.s32 $0x80;
	s9 =	simm.s32 $0x400;
	s3 =	sadd.s32 s3, s4  }
0x10: {  	v0 =	vimm.f32 $0.0e+00;
	v1 =	vimm.f32 $1.000000000e+00;
	s4 =	sadd.s32 s30, s7;
	s7 =	smax.u32 s11, $0x1;
	s11 =	simm.s32 $0x1400  }
.LBB2_1:
0x11: {  	[tilespmem:s2], [sflag:$0x1] =	stream.strided.gather [hbm4b:s3+s8], $0x1400, s9, s8, $0x38;
	[tilespmem:$0x6900] =	vst v63  }
0x12: {  	_ =	swait.ge [sflag:s10], $0x1400  }
0x13: {  	[sflag:s10] =	ssyncset.done $0x0  }
0x14: {  	s15 =	simm.s32 $0x0;
	[sflag:s10] =	ssyncadd.s32 $0xFFFFEC00  }
.LBB2_2:
0x15: {  	p0 =	sne.s32 s15, $0x9FC0  }
.Ltmp0:
0x16: {  	_ = 	snop;
	(pc) =	sbr.rel @p0 .LBB2_2-.Ltmp0, $3  }
0x17: {  	_ =	sdelay $0x1  }
0x18: {  	s16 =	sshra.s32 s15, $0x2  }
0x19: {  	s15 =	sadd.s32 $0x40, s15;
	[tilespmem:s16+$0x1400] =	vst v0  }
0x1a: {  	s16 =	simm.s32 $0x0;
	s15 =	simm.s32 $0x40  }
.LBB2_4:
0x1b: {  	p0 =	sne.s32 s15, $0x4E00;
	v2 =	vld [tilespmem:s16+$0x0];
	_ =	sdelay $0x3  }
.Ltmp1:
0x1c: {  	(pc) =	sbr.rel @p0 .LBB2_4-.Ltmp1, $2  }
0x1d: {  	_ =	sdelay $0x2  }
0x1e: {  	s16 =	sshra.s32 s15, $0x2;
	s15 =	sadd.s32 $0x40, s15;
	[tilespmem:v2+s11+$0x0] =	vst.idx.add.f32.msk $0xffff, v1  }
0x1f: {  	v2 =	vld [tilespmem:s16+$0x0];
	_ =	sdelay $0x7  }
0x20: {  	[tilespmem:v2+s11+$0x0] =	vst.idx.add.f32.msk $0xffff, v1  }
0x21: {  	[spmem:s4] =	stream.linear.scatter [tilespmem:s11], [sflag:$0x1], $0x2800, $0x38;
	[tilespmem:$0x6900] =	vst v63  }
0x22: {  	_ =	swait.ge [sflag:s10], $0x2800  }
0x23: {  	[sflag:s10] =	ssyncset.done $0x0  }
0x24: {  	[sflag:s10] =	ssyncadd.s32 $0xFFFFD800  }
0x25: {  	[bflag:$0x0] =	sbarrier.arrive $0xFFFF  }
0x26: {  	[tilespmem:$0x3C00] =	vst v0  }
0x27: {  	[tilespmem:$0x3C10] =	vst v0  }
0x28: {  	[tilespmem:$0x3C20] =	vst v0  }
0x29: {  	[tilespmem:$0x3C30] =	vst v0  }
0x2a: {  	[tilespmem:$0x3C40] =	vst v0  }
0x2b: {  	[tilespmem:$0x3C50] =	vst v0  }
0x2c: {  	[tilespmem:$0x3C60] =	vst v0  }
0x2d: {  	[tilespmem:$0x3C70] =	vst v0  }
0x2e: {  	[tilespmem:$0x3C80] =	vst v0  }
0x2f: {  	[tilespmem:$0x3C90] =	vst v0  }
0x30: {  	[tilespmem:$0x3CA0] =	vst v0  }
0x31: {  	[tilespmem:$0x3CB0] =	vst v0  }
0x32: {  	[tilespmem:$0x3CC0] =	vst v0  }
0x33: {  	[tilespmem:$0x3CD0] =	vst v0  }
0x34: {  	[tilespmem:$0x3CE0] =	vst v0  }
0x35: {  	[tilespmem:$0x3CF0] =	vst v0  }
0x36: {  	[tilespmem:$0x3D00] =	vst v0  }
0x37: {  	[tilespmem:$0x3D10] =	vst v0  }
0x38: {  	[tilespmem:$0x3D20] =	vst v0  }
0x39: {  	[tilespmem:$0x3D30] =	vst v0  }
0x3a: {  	[tilespmem:$0x3D40] =	vst v0  }
0x3b: {  	[tilespmem:$0x3D50] =	vst v0  }
0x3c: {  	[tilespmem:$0x3D60] =	vst v0  }
0x3d: {  	[tilespmem:$0x3D70] =	vst v0  }
0x3e: {  	[tilespmem:$0x3D80] =	vst v0  }
0x3f: {  	[tilespmem:$0x3D90] =	vst v0  }
0x40: {  	[tilespmem:$0x3DA0] =	vst v0  }
0x41: {  	[tilespmem:$0x3DB0] =	vst v0  }
0x42: {  	[tilespmem:$0x3DC0] =	vst v0  }
0x43: {  	[tilespmem:$0x3DD0] =	vst v0  }
0x44: {  	[tilespmem:$0x3DE0] =	vst v0  }
0x45: {  	[tilespmem:$0x3DF0] =	vst v0  }
0x46: {  	[tilespmem:$0x3E00] =	vst v0  }
0x47: {  	[tilespmem:$0x3E10] =	vst v0  }
0x48: {  	[tilespmem:$0x3E20] =	vst v0  }
0x49: {  	[tilespmem:$0x3E30] =	vst v0  }
0x4a: {  	[tilespmem:$0x3E40] =	vst v0  }
0x4b: {  	[tilespmem:$0x3E50] =	vst v0  }
0x4c: {  	[tilespmem:$0x3E60] =	vst v0  }
0x4d: {  	s15 =	simm.s32 $0x0;
	[tilespmem:$0x3E70] =	vst v0  }
.LBB2_6:
0x4e: {  	s16 =	smul.u32 $0xA000, s15;
	_ =	sdelay $0x1  }
0x4f: {  	s16 =	sshra.s32 s16, $0x2  }
0x50: {  	s16 =	sadd.s32 s16, s5  }
0x51: {  	[tilespmem:s12], [sflag:$0x1] =	stream.linear.gather [spmem:s16], $0x280, $0x38;
	[tilespmem:$0x6900] =	vst v63  }
0x52: {  	_ =	swait.ge [sflag:s10], $0x280  }
0x53: {  	[sflag:s10] =	ssyncset.done $0x0  }
0x54: {  	s16 =	simm.s32 $0x0;
	[sflag:s10] =	ssyncadd.s32 $0xFFFFFD80  }
0x55: {  	s17 =	simm.s32 $0x40;
	v2 =	vld [tilespmem:s16+$0x3E80]  }
.LBB2_7:
0x56: {  	p0 =	sne.s32 s17, $0x9C0;
	v3 =	vld [tilespmem:s16+$0x3C00];
	_ =	sdelay $0x2  }
.Ltmp2:
0x57: {  	(pc) =	sbr.rel @p0 .LBB2_7-.Ltmp2, $4  }
0x58: {  	_ = 	snop  }
0x59: {  	v3 =	vadd.f32 v2, v3  }
0x5a: {  	s18 =	sshra.s32 s17, $0x2  }
0x5b: {  	s17 =	sadd.s32 $0x40, s17;
	v2 =	vld [tilespmem:s18+$0x3E80];
	[tilespmem:s16+$0x3C00] =	vst v3;
	s16 =	smov.u32 s18  }
0x5c: {  	v3 =	vld [tilespmem:s16+$0x3C00]  }
0x5d: {  	s15 =	sadd.s32 $0x1, s15  }
0x5e: {  	p0 =	sne.s32 s15, $0x10  }
.Ltmp3:
0x5f: {  	_ = 	snop;
	(pc) =	sbr.rel @p0 .LBB2_6-.Ltmp3, $3  }
0x60: {  	_ = 	snop  }
0x61: {  	v2 =	vadd.f32 v2, v3;
	_ =	sdelay $0x1  }
0x62: {  	[tilespmem:s16+$0x3C00] =	vst v2  }
0x63: {  	s14 =	sadd.s32 $0x1, s14  }
0x64: {  	p0 =	sne.s32 s14, s7  }
.Ltmp4:
0x65: {  	_ = 	snop;
	(pc) =	sbr.rel @p0 .LBB2_1-.Ltmp4, $4  }
0x66: {  	[hbm4b:s6+s2] =	stream.linear.scatter [tilespmem:s13], [sflag:$0x1], $0x280, $0x38;
	[tilespmem:$0x6900] =	vst v63  }
0x67: {  	_ =	swait.ge [sflag:s10], $0x280  }
0x68: {  	[sflag:s10] =	ssyncset.done $0x0  }
0x69: {  	[sflag:s10] =	ssyncadd.s32 $0xFFFFFD80  }
0x6a: {  	_ =	sfence.sel $0x180000  }
0x6b: {  	[bflag:$0x0] =	sbarrier.arrive $0xFFFF  }
0x6c: {  	p0 =	sne.s32 s0, $0x0;
	_ =	strace $0x90000047  }
0x6d: {  	s0 =	sadd.s32 @!p0 $0x100000, s1;
	[bflag:$0x2] =	sbarrier.arrive $0xFFFF  }
0x6e: {  	[sflag:s0] =	ssyncadd.tile.s32 @!p0 $0x1;
	_ =	shalt  }
.Lfunc_end2:
_tile_overlayer_lowered:
.L_overlay_start_2:
0x6f: {  	(tag) =	ssettag $0x2  }
0x70: {  	s0 =	rddreg [dreg:$0x0];
	s2 =	stileid.u32  }
0x71: {  	s1 =	rddreg [dreg:$0x1];
	p0 =	sne.s32 s2, $0x0  }
0x72: {  	s3 =	rddreg [dreg:$0x2];
	[bflag:$0x3] =	sbarrier.arrive $0xFFFF;
	s2 =	simm.s32 @!p0 $0x1C01  }
0x73: {  	[timem:s3], [sflag:s2] =	dma.local @!p0 [hbm:s0], s1  }
0x74: {  	s0 =	simm.s32 @!p0 $0x1  }
0x75: {  	_ =	swait.ge @!p0 [sflag:s0], s1  }
0x76: {  	s1 =	ssub.s32 @!p0 $0x0, s1;
	[sflag:s0] =	ssyncset.done @!p0 $0x0  }
0x77: {  	[sflag:s0] =	ssyncadd.s32 @!p0 s1  }
0x78: {  	[bflag:$0x3] =	sbarrier.arrive $0xFFFF  }
0x79: {  	_ =	shalt  }

// kernel: kernel.9.cloned.1.call-start
scs
__scs_entry_jumppad:
0x0: {  	(pc) =	sbr.rel $0x88, $3  }
0x1: {  	(tag) =	ssettag $0x0;
	lr =	simm.s32 $0x1  }
0x2: {  	[smem:$0x3F98] =	sst lr;
	_ =	strace $0xD0000000  }
0x3: {  	_ = 	snop  }
0x4: {  	_ = 	snop  }
0x5: {  	_ = 	snop  }
0x6: {  	_ = 	snop  }
0x7: {  	_ = 	snop  }
__scs_overlays_trampoline_lowered:
0x8: {  	[smem:$0x3FA7] =	sst s0  }
0x9: {  	[smem:$0x3FA8] =	sst s1  }
0xa: {  	[smem:$0x3FA9] =	sst s2  }
0xb: {  	[smem:$0x3FAA] =	sst s3  }
0xc: {  	[smem:$0x3FAB] =	sst s4  }
0xd: {  	[smem:$0x3FAC] =	sst s5  }
0xe: {  	[smem:$0x3FAD] =	sst s6  }
0xf: {  	[smem:$0x3FAE] =	sst s7  }
0x10: {  	[smem:$0x3FAF] =	sst s8  }
0x11: {  	[smem:$0x3FB0] =	sst s9;
	s0 =	simm.s32 @!p0 $0x0  }
0x12: {  	s1 =	sld [smem:$0x3F96];
	s0 =	simm.s32 @p0 $0x1  }
0x13: {  	[smem:$0x3FB1] =	sst s0;
	s0 =	simm.s32 @!p1 $0x0  }
0x14: {  	s2 =	sld [smem:$0x3F95];
	s0 =	simm.s32 @p1 $0x1  }
0x15: {  	[smem:$0x3FB2] =	sst s0;
	s0 =	simm.s32 @!p2 $0x0  }
0x16: {  	s3 =	sld [smem:$0x3FDB];
	s0 =	simm.s32 @p2 $0x1  }
0x17: {  	s4 =	simm.s32 $0x1BF5;
	[smem:$0x3FB4] =	sst s0  }
0x18: {  	s0 =	sld [smem:$0x3F97];
	_ =	swait.ge [sflag:s4], $0x0  }
0x19: {  	s7 =	sld [smem:$0x3F98]  }
0x1a: {  	s8 =	sadd.s32 $0xFFFFE003, lr  }
0x1b: {  	s9 =	sadd.s32 $0xFFFFFEF7, lr;
	s5 =	simm.s32 $0xFFFFFFFF;
	p2 =	slt.u32 s8, $0xFFFFF086  }
0x1c: {  	p1 =	slt.u32 s9, $0xF7A;
	s5 =	simm.s32 @!p2 $0x0  }
0x1d: {  	s5 =	simm.s32 @p1 $0x1;
	p0 =	seq.s32 s7, s2  }
0x1e: {  	s7 =	smul.u32 @!p0 $0xF7A, s2;
	p2 =	seq.s32 @!p0 s5, $0x0  }
0x1f: {  	s9 =	smul.u32 $0xF7A, s1;
	s8 =	simm.s32 @!p0 $0x1BF5;
	p2 =	por !p2, p0  }
0x20: {  	[sflag:s8] =	ssyncset.s32 @!p0 $0xFFFFF086;
	s6 =	sadd.s32 @!p0 s3, s7;
	s7 =	simm.s32 @!p0 $0x108  }
0x21: {  	s3 =	sadd.s32 s3, s9;
	s6 =	sadd.s32 @!p0 $0x88, s6;
	s7 =	simm.s32 @p2 $0x1082  }
0x22: {  	[simem:s7], [sflag:s8] =	dma.local @!p0 [hbm:s6], $0xF7A  }
0x23: {  	s9 =	sor.u32 $0xD0000000, s2;
	s6 =	simm.s32 $0x108;
	_ =	swait.ge @!p0 [sflag:s8], $0x0  }
0x24: {  	s3 =	sadd.s32 $0x88, s3;
	s6 =	simm.s32 @!p1 $0x1082;
	[sflag:s4] =	ssyncset.s32 $0xFFFFF086  }
0x25: {  	[simem:s6], [sflag:s4] =	dma.local [hbm:s3], $0xF7A  }
0x26: {  	[smem:$0x3F98] =	sst s1;
	(tag) =	ssettag s2;
	_ =	strace s9  }
0x27: {  	s1 =	sld [smem:$0x3FA8]  }
0x28: {  	s2 =	sld [smem:$0x3FA9]  }
0x29: {  	s4 =	sld [smem:$0x3FAB]  }
0x2a: {  	p0 =	seq.s32 s5, $0x0;
	s5 =	sld [smem:$0x3FAC]  }
0x2b: {  	s6 =	sld [smem:$0x3FAD]  }
0x2c: {  	s7 =	sld [smem:$0x3FAE]  }
0x2d: {  	s3 =	simm.s32 $0x108;
	s8 =	sld [smem:$0x3FAF]  }
0x2e: {  	s3 =	simm.s32 @!p0 $0x1082;
	s9 =	sld [smem:$0x3FB0]  }
0x2f: {  	lr =	sadd.s32 s0, s3;
	s0 =	sld [smem:$0x3FA7]  }
0x30: {  	s3 =	sld [smem:$0x3FAA]  }
0x31: {  	[smem:$0x3FB3] =	sst s10  }
0x32: {  	s10 =	sld [smem:$0x3FB1];
	_ =	sdelay $0x3  }
0x33: {  	p0 =	seq.s32 s10, $0x1;
	s10 =	sld [smem:$0x3FB3];
	_ =	sdelay $0x3  }
0x34: {  	[smem:$0x3FB3] =	sst s10  }
0x35: {  	s10 =	sld [smem:$0x3FB2];
	_ =	sdelay $0x3  }
0x36: {  	p1 =	seq.s32 s10, $0x1;
	s10 =	sld [smem:$0x3FB3];
	_ =	sdelay $0x3  }
0x37: {  	[smem:$0x3FB3] =	sst s10  }
0x38: {  	s10 =	sld [smem:$0x3FB4]  }
0x39: {  	_ = 	snop;
	(pc) =	sbr.ind lr, $3  }
0x3a: {  	_ = 	snop  }
0x3b: {  	_ = 	snop  }
0x3c: {  	p2 =	seq.s32 s10, $0x1;
	s10 =	sld [smem:$0x3FB3]  }
0x3d: {  	_ =	shalt  }
0x3e: {  	_ =	shalt  }
0x3f: {  	_ =	shalt  }
0x40: {  	_ =	shalt  }
0x41: {  	_ =	shalt  }
0x42: {  	_ =	shalt  }
0x43: {  	_ =	shalt  }
0x44: {  	_ =	shalt  }
0x45: {  	_ =	shalt  }
0x46: {  	_ =	shalt  }
0x47: {  	_ =	shalt  }
0x48: {  	_ =	shalt  }
0x49: {  	_ =	shalt  }
0x4a: {  	_ =	shalt  }
0x4b: {  	_ =	shalt  }
0x4c: {  	_ =	shalt  }
0x4d: {  	_ =	shalt  }
0x4e: {  	_ =	shalt  }
0x4f: {  	_ =	shalt  }
0x50: {  	_ =	shalt  }
0x51: {  	_ =	shalt  }
0x52: {  	_ =	shalt  }
0x53: {  	_ =	shalt  }
0x54: {  	_ =	shalt  }
0x55: {  	_ =	shalt  }
0x56: {  	_ =	shalt  }
0x57: {  	_ =	shalt  }
0x58: {  	_ =	shalt  }
0x59: {  	_ =	shalt  }
0x5a: {  	_ =	shalt  }
0x5b: {  	_ =	shalt  }
0x5c: {  	_ =	shalt  }
0x5d: {  	_ =	shalt  }
0x5e: {  	_ =	shalt  }
0x5f: {  	_ =	shalt  }
0x60: {  	_ =	shalt  }
0x61: {  	_ =	shalt  }
0x62: {  	_ =	shalt  }
0x63: {  	_ =	shalt  }
0x64: {  	_ =	shalt  }
0x65: {  	_ =	shalt  }
0x66: {  	_ =	shalt  }
0x67: {  	_ =	shalt  }
0x68: {  	_ =	shalt  }
0x69: {  	_ =	shalt  }
0x6a: {  	_ =	shalt  }
0x6b: {  	_ =	shalt  }
0x6c: {  	_ =	shalt  }
0x6d: {  	_ =	shalt  }
0x6e: {  	_ =	shalt  }
0x6f: {  	_ =	shalt  }
0x70: {  	_ =	shalt  }
0x71: {  	_ =	shalt  }
0x72: {  	_ =	shalt  }
0x73: {  	_ =	shalt  }
0x74: {  	_ =	shalt  }
0x75: {  	_ =	shalt  }
0x76: {  	_ =	shalt  }
0x77: {  	_ =	shalt  }
0x78: {  	_ =	shalt  }
0x79: {  	_ =	shalt  }
0x7a: {  	_ =	shalt  }
0x7b: {  	_ =	shalt  }
0x7c: {  	_ =	shalt  }
0x7d: {  	_ =	shalt  }
0x7e: {  	_ =	shalt  }
0x7f: {  	_ =	shalt  }
0x80: {  	_ =	shalt  }
0x81: {  	_ =	shalt  }
0x82: {  	_ =	shalt  }
0x83: {  	_ =	shalt  }
0x84: {  	_ =	shalt  }
0x85: {  	_ =	shalt  }
0x86: {  	_ =	shalt  }
0x87: {  	_ =	shalt  }
.Lfunc_end0:
.L_simem_size_0:
called_computation.1_lowered:
.L_overlay_start_0:
0x88: {  	s2 =	sld [smem:$0x3FD9]  }
0x89: {  	s3 =	sld [smem:$0x3FFE];
	_ =	sdelay $0x1  }
0x8a: {  	s1 =	srdreg.scid  }
0x8b: {  	s0 =	sand.u32 $0x1, s1  }
0x8c: {  	s17 =	sshll.u32 s0, $0xA;
	s2 =	sadd.s32 s3, s2  }
0x8d: {  	s2 =	sadd.s32 s2, s17  }
0x8e: {  	[smem:$0x3FBF] =	sst s2  }
0x8f: {  	_ = 	snop  }
0x90: {  	s2 =	sld [smem:$0x3FD0];
	(tm) =	ssettm $0x1  }
0x91: {  	s18 =	sld [smem:$0x3FFB];
	_ =	sdelay $0x3  }
0x92: {  	_ =	strace s18  }
0x93: {  	s3 =	sld [smem:$0x3FFC];
	_ =	sdelay $0x3  }
0x94: {  	_ =	strace s3  }
0x95: {  	s3 =	sld [smem:$0x3FFD];
	_ =	sdelay $0x3  }
0x96: {  	_ =	strace s3  }
0x97: {  	_ =	strace $0x8FFFFFFF  }
0x98: {  	s19 =	sld [smem:$0x3FDB];
	_ =	sdelay $0x1  }
0x99: {  	s4 =	simm.s32 $_scs_section_size  }
0x9a: {  	s5 =	simm.s32 $_size__tile_overlayer_lowered;
	s6 =	simm.s32 $_tile_overlayer_lowered  }
0x9b: {  	s22 =	simm.s32 $0x1BFF;
	s21 =	sshll.u32 s6, $0x1;
	s3 =	sadd.s32 s4, s19  }
0x9c: {  	s7 =	simm.s32 $0x0;
	s20 =	sshll.u32 s5, $0x1;
	s5 =	sadd.s32 s21, s3  }
0x9d: {  	[timem:s7], [sflag:s22] =	dma.local [hbm:s5], s20  }
0x9e: {  	_ =	swait.ge [sflag:s22], s20  }
0x9f: {  	s4 =	ssub.s32 $0x0, s20;
	[sflag:s22] =	ssyncset.done $0x0  }
0xa0: {  	[sflag:s22] =	ssyncadd.s32 s4;
	_ =	sdelay $0x1  }
0xa1: {  	s23 =	simm.s32 $0x1B8B  }
0xa2: {  	_ =	swait.ge [sflag:s23], $0x1  }
0xa3: {  	[sflag:s23] =	ssyncset.done $0x0  }
0xa4: {  	s25 =	simm.s32 $0x1B8E;
	s24 =	sld [smem:$0x3FFE];
	[sflag:s23] =	ssyncadd.s32 $0xFFFFFFFF  }
0xa5: {  	s26 =	simm.s32 $execute0_lowered;
	[smem:$0x3FD2] =	sst s25  }
0xa6: {  	s5 =	sshll.u32 s26, $0x1;
	_ =	strace $0x80000049;
	[dreg:$0x1] =	wrdreg $0xFFFFFFFF  }
0xa7: {  	s28 =	simm.s32 $_size_execute0_lowered;
	s3 =	sadd.s32 s3, s5;
	[dreg:$0x0] =	wrdreg $0x0  }
0xa8: {  	s5 =	sshll.u32 s28, $0x1;
	[dreg:$0x2] =	wrdreg s3  }
0xa9: {  	[dreg:$0x3] =	wrdreg s5  }
0xaa: {  	[dreg:$0x4] =	wrdreg $0xC0  }
0xab: {  	_ =	task [dreg:s7], $0x5FFFF  }
0xac: {  	[dreg:$0x1] =	wrdreg $0xFFFFFFFF  }
0xad: {  	[dreg:$0x0] =	wrdreg $0x60  }
0xae: {  	[dreg:$0x2] =	wrdreg s2  }
0xaf: {  	[dreg:$0x3] =	wrdreg s24  }
0xb0: {  	[dreg:$0x4] =	wrdreg $0xF2800  }
0xb1: {  	[dreg:$0x5] =	wrdreg $0x9  }
0xb2: {  	_ =	task.clear_ibuf [dreg:s7], $0x6FFFF;
	_ =	strace $0x90000049  }
0xb3: {  	s29 =	simm.s32 $0x9;
	_ =	strace $0x8000004B  }
0xb4: {  	_ =	swait.ge [sflag:s29], $0x1  }
0xb5: {  	[sflag:s29] =	ssyncadd.s32 $0xFFFFFFFF  }
0xb6: {  	_ =	strace $0x9000004B  }
0xb7: {  	_ =	sfence  }
0xb8: {  	s30 =	sld [smem:$0x0];
	_ =	sdelay $0x2  }
0xb9: {  	s31 =	sshll.u32 s1, $0xD;
	s1 =	sshrl.u32 s1, $0x2  }
0xba: {  	s3 =	sand.u32 $0x4000, s31;
	s1 =	sadd.s32 s1, s30  }
0xbb: {  	s0 =	sor.u32 s3, s0;
	s1 =	sshll.u32 s1, $0x11  }
0xbc: {  	s0 =	sor.u32 s1, s0  }
0xbd: {  	s0 =	sadd.s32 $0x8F2B, s0  }
0xbe: {  	[sflag:s0] =	ssyncadd.remote.s32 $0x1  }
0xbf: {  	_ =	sfence.sel $0xFFFF  }
0xc0: {  	[dreg:$0x0] =	wrdreg $0xFFFFFFFF;
	(pc) =	sbr.abs _section_cstart, $3  }
0xc1: {  	[dreg:$0x1] =	wrdreg $0xFFFFFFFF  }
0xc2: {  	_ =	task.clear_ibuf [dreg:s7], $0x2FFFF;
	_ =	strace $0x9FFFFFFF  }
0xc3: {  	(tm) =	ssettm $0x7FFFFFFF  }
tec
execute0_lowered:
.L_overlay_start_1:
0x0: {  	(tag) =	ssettag $0x1  }
0x1: {  	s0 =	rddreg [dreg:$0x0]  }
0x2: {  	s1 =	rddreg [dreg:$0x1]  }
0x3: {  	s2 =	rddreg [dreg:$0x2];
	s5 =	simm.s32 $0x0;
	s3 =	stileid.u32  }
0x4: {  	s4 =	srdreg.scid;
	s20 =	simm.s32 $0x3;
	s22 =	simm.s32 $0x7D  }
0x5: {  	s23 =	simm.s32 $0x5000;
	s24 =	simm.s32 $0x6F40;
	s28 =	simm.s32 $0x2780  }
0x6: {  	s29 =	simm.s32 $0x4F00;
	s30 =	simm.s32 $0x4F80;
	s31 =	simm.s32 $0x0  }
0x7: {  	[smem:$0x7FF] =	sst s5;
	s25 =	smul.u32 $0x500, s3;
	s4 =	sand.u32 $0x1, s4  }
0x8: {  	s9 =	smul.u32 $0xA000, s3;
	s11 =	sadd.s32 $0x96000, s2;
	s12 =	sadd.s32 $0x9B000, s2  }
0x9: {  	s16 =	sadd.s32 $0x9C400, s2;
	s17 =	sadd.s32 $0x9D800, s2;
	s18 =	sadd.s32 $0x9EC00, s2  }
0xa: {  	p0 =	seq.s32 s3, $0xF;
	_ =	strace $0x8000004A;
	s6 =	ssub.s32 $0x2, s4  }
0xb: {  	s14 =	smul.u32 $0x27100, s4;
	s5 =	sadd.s32 s25, s1;
	s7 =	sshrl.u32 s6, $0x1  }
0xc: {  	s1 =	sadd.s32 $0xBC00, s1;
	s8 =	sadd.s32 s9, s2;
	s10 =	sadd.s32 $0x5000, s9  }
0xd: {  	s25 =	simm.s32 $0x1;
	s15 =	ssub.s32 s6, s7;
	s26 =	sadd.s32 $0x6C00, s5  }
0xe: {  	s5 =	sadd.s32 $0x1C00, s5;
	s6 =	sadd.s32 s0, s14;
	s7 =	sshrl.u32 s9, $0x3  }
0xf: {  	s9 =	sshrl.u32 s10, $0x3;
	s10 =	sadd.s32 s10, s2;
	s19 =	sadd.s32 $0x13880, s14  }
0x10: {  	s13 =	sadd.s32 s1, s14;
	[dreg:$0x4] =	wrdreg s26;
	s14 =	sadd.s32 s0, s19  }
0x11: {  	v0 =	vimm.f32 $0.0e+00;
	s15 =	smax.u32 s15, $0x1;
	s19 =	sadd.s32 s1, s19;
	s26 =	simm.s32 $0x2  }
.LBB2_1:
0x12: {  	s0 =	simm.s32 $0x0;
	s1 =	rddreg [dreg:$0x4]  }
0x13: {  	[tilespmem:s0], [sflag:$0x3] =	stream.linear.gather [hbm4b:s1+s0], $0x2800, $0x38;
	[tilespmem:$0x19280] =	vst v63  }
0x14: {  	_ =	swait.ge [sflag:s20], $0x2800  }
0x15: {  	[sflag:s20] =	ssyncset.done $0x0  }
0x16: {  	s21 =	simm.s32 $0x2800;
	[sflag:s20] =	ssyncadd.s32 $0xFFFFD800  }
0x17: {  	[tilespmem:s21], [sflag:$0x3] =	stream.linear.gather [hbm4b:s5+s0], $0x2800, $0x38;
	[tilespmem:$0x19280] =	vst v63  }
0x18: {  	_ =	swait.ge [sflag:s20], $0x2800  }
0x19: {  	[sflag:s20] =	ssyncset.done $0x0  }
0x1a: {  	s1 =	simm.s32 $0x100;
	s0 =	simm.s32 $0x0;
	[sflag:s20] =	ssyncadd.s32 $0xFFFFD800  }
.LBB2_2:
0x1b: {  	p1 =	sne.s32 s1, $0x4F00;
	[tilespmem:s0+$0x8EB0] =	vst v0;
	s21 =	smov.u32 s1;
	s1 =	sadd.s32 $0x100, s1  }
.Ltmp0:
0x1c: {  	[tilespmem:s0+$0x8EA0] =	vst v0;
	(pc) =	sbr.rel @p1 .LBB2_2-.Ltmp0, $3  }
0x1d: {  	[tilespmem:s0+$0x8E80] =	vst v0  }
0x1e: {  	[tilespmem:s0+$0x8E90] =	vst v0;
	_ =	sdelay $0x1  }
0x1f: {  	s0 =	sshra.s32 s21, $0x2  }
0x20: {  	[tilespmem:s0+$0x8EB0] =	vst v0  }
0x21: {  	[tilespmem:s0+$0x8EA0] =	vst v0  }
0x22: {  	[tilespmem:s0+$0x8E80] =	vst v0  }
0x23: {  	[tilespmem:s0+$0x8E90] =	vst v0;
	s0 =	sadd.s32 @p0 $0x12C00, s6;
	s1 =	simm.s32 @p0 $0x0;
	s21 =	simm.s32 @p0 $0xA280  }
0x24: {  	[tilespmem:s21], [sflag:$0x3] =	stream.linear.gather @p0 [hbm4b:s0+s1], $0x5000, $0x38;
	[tilespmem:$0x19280] =	vst v63  }
0x25: {  	s0 =	simm.s32 @p0 $0x3  }
0x26: {  	_ =	swait.ge @p0 [sflag:s0], $0x5000  }
0x27: {  	[sflag:s0] =	ssyncset.done @p0 $0x0  }
0x28: {  	[sflag:s0] =	ssyncadd.s32 @p0 $0xFFFFB000  }
0x29: {  	[spmem:s11] =	stream.linear.scatter @p0 [tilespmem:s21], [sflag:$0x3], $0x5000, $0x38;
	[tilespmem:$0x19280] =	vst v63  }
0x2a: {  	_ =	swait.ge @p0 [sflag:s0], $0x5000  }
0x2b: {  	[sflag:s0] =	ssyncset.done @p0 $0x0  }
0x2c: {  	s3 =	sadd.s32 @p0 $0x13600, s6;
	[sflag:s0] =	ssyncadd.s32 @p0 $0xFFFFB000  }
0x2d: {  	[tilespmem:s21], [sflag:$0x3] =	stream.linear.gather @p0 [hbm4b:s3+s1], $0x1400, $0x38;
	[tilespmem:$0x19280] =	vst v63  }
0x2e: {  	_ =	swait.ge @p0 [sflag:s0], $0x1400  }
0x2f: {  	[sflag:s0] =	ssyncset.done @p0 $0x0  }
0x30: {  	[sflag:s0] =	ssyncadd.s32 @p0 $0xFFFFEC00  }
0x31: {  	[spmem:s12] =	stream.linear.scatter @p0 [tilespmem:s21], [sflag:$0x3], $0x1400, $0x38;
	[tilespmem:$0x19280] =	vst v63  }
0x32: {  	_ =	swait.ge @p0 [sflag:s0], $0x1400  }
0x33: {  	[sflag:s0] =	ssyncset.done @p0 $0x0  }
0x34: {  	s1 =	simm.s32 @p0 $0x8E80;
	[sflag:s0] =	ssyncadd.s32 @p0 $0xFFFFEC00  }
0x35: {  	[spmem:s16] =	stream.linear.scatter @p0 [tilespmem:s1], [sflag:$0x3], $0x1400, $0x38;
	[tilespmem:$0x19280] =	vst v63  }
0x36: {  	_ =	swait.ge @p0 [sflag:s0], $0x1400  }
0x37: {  	[sflag:s0] =	ssyncset.done @p0 $0x0  }
0x38: {  	[sflag:s0] =	ssyncadd.s32 @p0 $0xFFFFEC00  }
0x39: {  	[spmem:s17] =	stream.linear.scatter @p0 [tilespmem:s1], [sflag:$0x3], $0x1400, $0x38;
	[tilespmem:$0x19280] =	vst v63  }
0x3a: {  	_ =	swait.ge @p0 [sflag:s0], $0x1400  }
0x3b: {  	[sflag:s0] =	ssyncset.done @p0 $0x0  }
0x3c: {  	[sflag:s0] =	ssyncadd.s32 @p0 $0xFFFFEC00  }
0x3d: {  	[spmem:s18] =	stream.linear.scatter @p0 [tilespmem:s1], [sflag:$0x3], $0x1400, $0x38;
	[tilespmem:$0x19280] =	vst v63  }
0x3e: {  	_ =	swait.ge @p0 [sflag:s0], $0x1400  }
0x3f: {  	s3 =	simm.s32 @!p0 $0xA280;
	[sflag:s0] =	ssyncset.done @p0 $0x0  }
0x40: {  	s1 =	simm.s32 @!p0 $0x0;
	[sflag:s0] =	ssyncadd.s32 @p0 $0xFFFFEC00;
	s0 =	sadd.s32 @!p0 s7, s6  }
0x41: {  	[tilespmem:s3], [sflag:$0x3] =	stream.linear.gather @!p0 [hbm4b:s0+s1], $0x5000, $0x38;
	[tilespmem:$0x19280] =	vst v63  }
0x42: {  	s0 =	simm.s32 @!p0 $0x3  }
0x43: {  	_ =	swait.ge @!p0 [sflag:s0], $0x5000  }
0x44: {  	[sflag:s0] =	ssyncset.done @!p0 $0x0  }
0x45: {  	[sflag:s0] =	ssyncadd.s32 @!p0 $0xFFFFB000  }
0x46: {  	[spmem:s8] =	stream.linear.scatter @!p0 [tilespmem:s3], [sflag:$0x3], $0x5000, $0x38;
	[tilespmem:$0x19280] =	vst v63  }
0x47: {  	_ =	swait.ge @!p0 [sflag:s0], $0x5000  }
0x48: {  	[sflag:s0] =	ssyncset.done @!p0 $0x0  }
0x49: {  	s21 =	sadd.s32 @!p0 s9, s6;
	[sflag:s0] =	ssyncadd.s32 @!p0 $0xFFFFB000  }
0x4a: {  	[tilespmem:s3], [sflag:$0x3] =	stream.linear.gather @!p0 [hbm4b:s21+s1], $0x5000, $0x38;
	[tilespmem:$0x19280] =	vst v63  }
0x4b: {  	_ =	swait.ge @!p0 [sflag:s0], $0x5000  }
0x4c: {  	[sflag:s0] =	ssyncset.done @!p0 $0x0  }
0x4d: {  	[sflag:s0] =	ssyncadd.s32 @!p0 $0xFFFFB000  }
0x4e: {  	[spmem:s10] =	stream.linear.scatter @!p0 [tilespmem:s3], [sflag:$0x3], $0x5000, $0x38;
	[tilespmem:$0x19280] =	vst v63  }
0x4f: {  	_ =	swait.ge @!p0 [sflag:s0], $0x5000  }
0x50: {  	[sflag:s0] =	ssyncset.done @!p0 $0x0  }
0x51: {  	[sflag:s0] =	ssyncadd.s32 @!p0 $0xFFFFB000  }
0x52: {  	s21 =	simm.s32 $0x0;
	[bflag:$0x0] =	sbarrier.arrive $0xFFFF  }
0x53: {  	[tilespmem:s23], [sflag:$0x1] =	stream.indirect.gather [hbm4b:s6+s22], $0x40, s21, s22, $0xb8;
	[tilespmem:$0x19280] =	vst v63  }
0x54: {  	s1 =	simm.s32 $0x80  }
0x55: {  	[tilespmem:s24], [sflag:$0x2] =	stream.indirect.gather [hbm4b:s6+s22], $0x40, s1, s22, $0xb8;
	[tilespmem:$0x19280] =	vst v63  }
0x56: {  	_ =	swait.ge [sflag:s25], $0x1F40  }
0x57: {  	[sflag:s25] =	ssyncset.done $0x0  }
0x58: {  	s3 =	simm.s32 $0x2800;
	[sflag:s25] =	ssyncadd.s32 $0xFFFFE0C0  }
0x59: {  	[spmem:s2] =	stream.indirect.scatter.add.f32 [tilespmem:s23], [sflag:$0x3], $0x40, s3, s22, $0xb8;
	[tilespmem:$0x19280] =	vst v63  }
0x5a: {  	_ =	swait.ge [sflag:s20], $0x1F40  }
0x5b: {  	[sflag:s20] =	ssyncset.done $0x0  }
0x5c: {  	s4 =	simm.s32 $0x100;
	[sflag:s20] =	ssyncadd.s32 $0xFFFFE0C0  }
0x5d: {  	[tilespmem:s23], [sflag:$0x1] =	stream.indirect.gather [hbm4b:s6+s22], $0x40, s4, s22, $0xb8;
	[tilespmem:$0x19280] =	vst v63  }
0x5e: {  	_ =	swait.ge [sflag:s26], $0x1F40  }
0x5f: {  	[sflag:s26] =	ssyncset.done $0x0  }
0x60: {  	s21 =	simm.s32 $0x2880;
	[sflag:s26] =	ssyncadd.s32 $0xFFFFE0C0  }
0x61: {  	[spmem:s2] =	stream.indirect.scatter.add.f32 [tilespmem:s24], [sflag:$0x3], $0x40, s21, s22, $0xb8;
	[tilespmem:$0x19280] =	vst v63  }
0x62: {  	_ =	swait.ge [sflag:s20], $0x1F40  }
0x63: {  	s0 =	simm.s32 $0x100;
	s1 =	simm.s32 $0x800;
	[sflag:s20] =	ssyncset.done $0x0  }
.LBB2_4:
0x64: {  	s3 =	sadd.s32 $0x80, s0  }
0x65: {  	[sflag:s20] =	ssyncadd.s32 $0xFFFFE0C0;
	s21 =	smov.u32 s1;
	s4 =	sadd.s32 $0x400, s1  }
0x66: {  	[tilespmem:s24], [sflag:$0x2] =	stream.indirect.gather [hbm4b:s6+s22], $0x40, s3, s22, $0xb8;
	[tilespmem:$0x19280] =	vst v63  }
0x67: {  	p1 =	sne.s32 s1, $0x9800;
	_ =	swait.ge [sflag:s25], $0x1F40  }
0x68: {  	[sflag:s25] =	ssyncset.done $0x0  }
0x69: {  	s1 =	sadd.s32 $0x2800, s0;
	[sflag:s25] =	ssyncadd.s32 $0xFFFFE0C0  }
0x6a: {  	[spmem:s2] =	stream.indirect.scatter.add.f32 [tilespmem:s23], [sflag:$0x3], $0x40, s1, s22, $0xb8;
	[tilespmem:$0x19280] =	vst v63  }
0x6b: {  	_ =	swait.ge [sflag:s20], $0x1F40  }
0x6c: {  	[sflag:s20] =	ssyncset.done $0x0  }
0x6d: {  	s1 =	sadd.s32 $0x100, s0;
	[sflag:s20] =	ssyncadd.s32 $0xFFFFE0C0  }
0x6e: {  	[tilespmem:s23], [sflag:$0x1] =	stream.indirect.gather [hbm4b:s6+s22], $0x40, s1, s22, $0xb8;
	[tilespmem:$0x19280] =	vst v63  }
0x6f: {  	_ =	swait.ge [sflag:s26], $0x1F40  }
.Ltmp1:
0x70: {  	[sflag:s26] =	ssyncset.done $0x0;
	(pc) =	sbr.rel @p1 .LBB2_4-.Ltmp1, $4  }
0x71: {  	s0 =	sadd.s32 $0x2880, s0;
	[sflag:s26] =	ssyncadd.s32 $0xFFFFE0C0  }
0x72: {  	[spmem:s2] =	stream.indirect.scatter.add.f32 [tilespmem:s24], [sflag:$0x3], $0x40, s0, s22, $0xb8;
	[tilespmem:$0x19280] =	vst v63  }
0x73: {  	_ =	swait.ge [sflag:s20], $0x1F40  }
0x74: {  	s1 =	smov.u32 s4;
	s0 =	sshra.s32 s21, $0x2;
	[sflag:s20] =	ssyncset.done $0x0  }
0x75: {  	s1 =	sadd.s32 $0x80, s0;
	[sflag:s20] =	ssyncadd.s32 $0xFFFFE0C0  }
0x76: {  	[tilespmem:s24], [sflag:$0x2] =	stream.indirect.gather [hbm4b:s6+s22], $0x40, s1, s22, $0xb8;
	[tilespmem:$0x19280] =	vst v63  }
0x77: {  	_ =	swait.ge [sflag:s25], $0x1F40  }
0x78: {  	[sflag:s25] =	ssyncset.done $0x0  }
0x79: {  	s21 =	sadd.s32 $0x2800, s0;
	[sflag:s25] =	ssyncadd.s32 $0xFFFFE0C0  }
0x7a: {  	[spmem:s2] =	stream.indirect.scatter.add.f32 [tilespmem:s23], [sflag:$0x3], $0x40, s21, s22, $0xb8;
	[tilespmem:$0x19280] =	vst v63  }
0x7b: {  	_ =	swait.ge [sflag:s20], $0x1F40  }
0x7c: {  	[sflag:s20] =	ssyncset.done $0x0  }
0x7d: {  	s3 =	sadd.s32 $0x100, s0;
	[sflag:s20] =	ssyncadd.s32 $0xFFFFE0C0  }
0x7e: {  	[tilespmem:s23], [sflag:$0x1] =	stream.indirect.gather [hbm4b:s6+s22], $0x40, s3, s22, $0xb8;
	[tilespmem:$0x19280] =	vst v63  }
0x7f: {  	_ =	swait.ge [sflag:s26], $0x1F40  }
0x80: {  	[sflag:s26] =	ssyncset.done $0x0  }
0x81: {  	s4 =	sadd.s32 $0x2880, s0;
	[sflag:s26] =	ssyncadd.s32 $0xFFFFE0C0  }
0x82: {  	[spmem:s2] =	stream.indirect.scatter.add.f32 [tilespmem:s24], [sflag:$0x3], $0x40, s4, s22, $0xb8;
	[tilespmem:$0x19280] =	vst v63  }
0x83: {  	_ =	swait.ge [sflag:s20], $0x1F40  }
0x84: {  	[sflag:s20] =	ssyncset.done $0x0  }
0x85: {  	[sflag:s20] =	ssyncadd.s32 $0xFFFFE0C0  }
0x86: {  	[tilespmem:s24], [sflag:$0x2] =	stream.indirect.gather [hbm4b:s6+s22], $0x40, s28, s22, $0xb8;
	[tilespmem:$0x19280] =	vst v63  }
0x87: {  	_ =	swait.ge [sflag:s25], $0x1F40  }
0x88: {  	[sflag:s25] =	ssyncset.done $0x0  }
0x89: {  	[sflag:s25] =	ssyncadd.s32 $0xFFFFE0C0  }
0x8a: {  	[spmem:s2] =	stream.indirect.scatter.add.f32 [tilespmem:s23], [sflag:$0x3], $0x40, s29, s22, $0xb8;
	[tilespmem:$0x19280] =	vst v63  }
0x8b: {  	_ =	swait.ge [sflag:s20], $0x1F40  }
0x8c: {  	[sflag:s20] =	ssyncset.done $0x0  }
0x8d: {  	[sflag:s20] =	ssyncadd.s32 $0xFFFFE0C0  }
0x8e: {  	_ =	swait.ge [sflag:s26], $0x1F40  }
0x8f: {  	[sflag:s26] =	ssyncset.done $0x0  }
0x90: {  	[sflag:s26] =	ssyncadd.s32 $0xFFFFE0C0  }
0x91: {  	[spmem:s2] =	stream.indirect.scatter.add.f32 [tilespmem:s24], [sflag:$0x3], $0x40, s30, s22, $0xb8;
	[tilespmem:$0x19280] =	vst v63  }
0x92: {  	_ =	swait.ge [sflag:s20], $0x1F40  }
0x93: {  	[sflag:s20] =	ssyncset.done $0x0  }
0x94: {  	[sflag:s20] =	ssyncadd.s32 $0xFFFFE0C0  }
0x95: {  	s0 =	simm.s32 @p0 $0xA280;
	s1 =	simm.s32 @p0 $0x3;
	[bflag:$0x0] =	sbarrier.arrive $0xFFFF  }
0x96: {  	[tilespmem:s0], [sflag:$0x3] =	stream.linear.gather @p0 [spmem:s11], $0x5000, $0x38;
	[tilespmem:$0x19280] =	vst v63  }
0x97: {  	_ =	swait.ge @p0 [sflag:s1], $0x5000  }
0x98: {  	[sflag:s1] =	ssyncset.done @p0 $0x0  }
0x99: {  	s3 =	sadd.s32 @p0 $0x12C00, s13;
	s4 =	simm.s32 @p0 $0x0;
	[sflag:s1] =	ssyncadd.s32 @p0 $0xFFFFB000  }
0x9a: {  	[hbm4b:s3+s4] =	stream.linear.scatter @p0 [tilespmem:s0], [sflag:$0x3], $0x5000, $0x38;
	[tilespmem:$0x19280] =	vst v63  }
0x9b: {  	_ =	swait.ge @p0 [sflag:s1], $0x5000  }
0x9c: {  	[sflag:s1] =	ssyncset.done @p0 $0x0  }
0x9d: {  	[sflag:s1] =	ssyncadd.s32 @p0 $0xFFFFB000  }
0x9e: {  	[tilespmem:s0], [sflag:$0x3] =	stream.linear.gather @p0 [spmem:s12], $0x1400, $0x38;
	[tilespmem:$0x19280] =	vst v63  }
0x9f: {  	_ =	swait.ge @p0 [sflag:s1], $0x1400  }
0xa0: {  	[sflag:s1] =	ssyncset.done @p0 $0x0  }
0xa1: {  	s3 =	sadd.s32 @p0 $0x13600, s13;
	[sflag:s1] =	ssyncadd.s32 @p0 $0xFFFFEC00  }
0xa2: {  	[hbm4b:s3+s4] =	stream.linear.scatter @p0 [tilespmem:s0], [sflag:$0x3], $0x1400, $0x38;
	[tilespmem:$0x19280] =	vst v63  }
0xa3: {  	_ =	swait.ge @p0 [sflag:s1], $0x1400  }
0xa4: {  	[sflag:s1] =	ssyncset.done @p0 $0x0  }
0xa5: {  	s3 =	sadd.s32 @p0 $0x12C00, s14;
	[sflag:s1] =	ssyncadd.s32 @p0 $0xFFFFEC00  }
0xa6: {  	[tilespmem:s0], [sflag:$0x3] =	stream.linear.gather @p0 [hbm4b:s3+s4], $0x5000, $0x38;
	[tilespmem:$0x19280] =	vst v63  }
0xa7: {  	_ =	swait.ge @p0 [sflag:s1], $0x5000  }
0xa8: {  	[sflag:s1] =	ssyncset.done @p0 $0x0  }
0xa9: {  	[sflag:s1] =	ssyncadd.s32 @p0 $0xFFFFB000  }
0xaa: {  	[spmem:s11] =	stream.linear.scatter @p0 [tilespmem:s0], [sflag:$0x3], $0x5000, $0x38;
	[tilespmem:$0x19280] =	vst v63  }
0xab: {  	_ =	swait.ge @p0 [sflag:s1], $0x5000  }
0xac: {  	[sflag:s1] =	ssyncset.done @p0 $0x0  }
0xad: {  	s3 =	sadd.s32 @p0 $0x13600, s14;
	[sflag:s1] =	ssyncadd.s32 @p0 $0xFFFFB000  }
0xae: {  	[tilespmem:s0], [sflag:$0x3] =	stream.linear.gather @p0 [hbm4b:s3+s4], $0x1400, $0x38;
	[tilespmem:$0x19280] =	vst v63  }
0xaf: {  	_ =	swait.ge @p0 [sflag:s1], $0x1400  }
0xb0: {  	[sflag:s1] =	ssyncset.done @p0 $0x0  }
0xb1: {  	[sflag:s1] =	ssyncadd.s32 @p0 $0xFFFFEC00  }
0xb2: {  	[spmem:s12] =	stream.linear.scatter @p0 [tilespmem:s0], [sflag:$0x3], $0x1400, $0x38;
	[tilespmem:$0x19280] =	vst v63  }
0xb3: {  	_ =	swait.ge @p0 [sflag:s1], $0x1400  }
0xb4: {  	[sflag:s1] =	ssyncset.done @p0 $0x0  }
0xb5: {  	s0 =	simm.s32 @p0 $0x8E80;
	[sflag:s1] =	ssyncadd.s32 @p0 $0xFFFFEC00  }
0xb6: {  	[spmem:s16] =	stream.linear.scatter @p0 [tilespmem:s0], [sflag:$0x3], $0x1400, $0x38;
	[tilespmem:$0x19280] =	vst v63  }
0xb7: {  	_ =	swait.ge @p0 [sflag:s1], $0x1400  }
0xb8: {  	[sflag:s1] =	ssyncset.done @p0 $0x0  }
0xb9: {  	[sflag:s1] =	ssyncadd.s32 @p0 $0xFFFFEC00  }
0xba: {  	[spmem:s17] =	stream.linear.scatter @p0 [tilespmem:s0], [sflag:$0x3], $0x1400, $0x38;
	[tilespmem:$0x19280] =	vst v63  }
0xbb: {  	_ =	swait.ge @p0 [sflag:s1], $0x1400  }
0xbc: {  	[sflag:s1] =	ssyncset.done @p0 $0x0  }
0xbd: {  	[sflag:s1] =	ssyncadd.s32 @p0 $0xFFFFEC00  }
0xbe: {  	[spmem:s18] =	stream.linear.scatter @p0 [tilespmem:s0], [sflag:$0x3], $0x1400, $0x38;
	[tilespmem:$0x19280] =	vst v63  }
0xbf: {  	_ =	swait.ge @p0 [sflag:s1], $0x1400  }
0xc0: {  	[sflag:s1] =	ssyncset.done @p0 $0x0  }
0xc1: {  	s0 =	simm.s32 @!p0 $0xA280;
	[sflag:s1] =	ssyncadd.s32 @p0 $0xFFFFEC00;
	s1 =	simm.s32 @!p0 $0x3  }
0xc2: {  	[tilespmem:s0], [sflag:$0x3] =	stream.linear.gather @!p0 [spmem:s8], $0x5000, $0x38;
	[tilespmem:$0x19280] =	vst v63  }
0xc3: {  	_ =	swait.ge @!p0 [sflag:s1], $0x5000  }
0xc4: {  	[sflag:s1] =	ssyncset.done @!p0 $0x0  }
0xc5: {  	s3 =	sadd.s32 @!p0 s7, s13;
	s4 =	simm.s32 @!p0 $0x0;
	[sflag:s1] =	ssyncadd.s32 @!p0 $0xFFFFB000  }
0xc6: {  	[hbm4b:s3+s4] =	stream.linear.scatter @!p0 [tilespmem:s0], [sflag:$0x3], $0x5000, $0x38;
	[tilespmem:$0x19280] =	vst v63  }
0xc7: {  	_ =	swait.ge @!p0 [sflag:s1], $0x5000  }
0xc8: {  	[sflag:s1] =	ssyncset.done @!p0 $0x0  }
0xc9: {  	[sflag:s1] =	ssyncadd.s32 @!p0 $0xFFFFB000  }
0xca: {  	[tilespmem:s0], [sflag:$0x3] =	stream.linear.gather @!p0 [spmem:s10], $0x5000, $0x38;
	[tilespmem:$0x19280] =	vst v63  }
0xcb: {  	_ =	swait.ge @!p0 [sflag:s1], $0x5000  }
0xcc: {  	[sflag:s1] =	ssyncset.done @!p0 $0x0  }
0xcd: {  	s3 =	sadd.s32 @!p0 s9, s13;
	[sflag:s1] =	ssyncadd.s32 @!p0 $0xFFFFB000  }
0xce: {  	[hbm4b:s3+s4] =	stream.linear.scatter @!p0 [tilespmem:s0], [sflag:$0x3], $0x5000, $0x38;
	[tilespmem:$0x19280] =	vst v63  }
0xcf: {  	_ =	swait.ge @!p0 [sflag:s1], $0x5000  }
0xd0: {  	[sflag:s1] =	ssyncset.done @!p0 $0x0  }
0xd1: {  	s3 =	sadd.s32 @!p0 s7, s14;
	[sflag:s1] =	ssyncadd.s32 @!p0 $0xFFFFB000  }
0xd2: {  	[tilespmem:s0], [sflag:$0x3] =	stream.linear.gather @!p0 [hbm4b:s3+s4], $0x5000, $0x38;
	[tilespmem:$0x19280] =	vst v63  }
0xd3: {  	_ =	swait.ge @!p0 [sflag:s1], $0x5000  }
0xd4: {  	[sflag:s1] =	ssyncset.done @!p0 $0x0  }
0xd5: {  	[sflag:s1] =	ssyncadd.s32 @!p0 $0xFFFFB000  }
0xd6: {  	[spmem:s8] =	stream.linear.scatter @!p0 [tilespmem:s0], [sflag:$0x3], $0x5000, $0x38;
	[tilespmem:$0x19280] =	vst v63  }
0xd7: {  	_ =	swait.ge @!p0 [sflag:s1], $0x5000  }
0xd8: {  	[sflag:s1] =	ssyncset.done @!p0 $0x0  }
0xd9: {  	s3 =	sadd.s32 @!p0 s9, s14;
	[sflag:s1] =	ssyncadd.s32 @!p0 $0xFFFFB000  }
0xda: {  	[tilespmem:s0], [sflag:$0x3] =	stream.linear.gather @!p0 [hbm4b:s3+s4], $0x5000, $0x38;
	[tilespmem:$0x19280] =	vst v63  }
0xdb: {  	_ =	swait.ge @!p0 [sflag:s1], $0x5000  }
0xdc: {  	[sflag:s1] =	ssyncset.done @!p0 $0x0  }
0xdd: {  	[sflag:s1] =	ssyncadd.s32 @!p0 $0xFFFFB000  }
0xde: {  	[spmem:s10] =	stream.linear.scatter @!p0 [tilespmem:s0], [sflag:$0x3], $0x5000, $0x38;
	[tilespmem:$0x19280] =	vst v63  }
0xdf: {  	_ =	swait.ge @!p0 [sflag:s1], $0x5000  }
0xe0: {  	[sflag:s1] =	ssyncset.done @!p0 $0x0  }
0xe1: {  	[sflag:s1] =	ssyncadd.s32 @!p0 $0xFFFFB000  }
0xe2: {  	s21 =	simm.s32 $0x0;
	[bflag:$0x0] =	sbarrier.arrive $0xFFFF  }
0xe3: {  	[tilespmem:s23], [sflag:$0x1] =	stream.indirect.gather [hbm4b:s14+s22], $0x40, s21, s22, $0xb8;
	[tilespmem:$0x19280] =	vst v63  }
0xe4: {  	s1 =	simm.s32 $0x80  }
0xe5: {  	[tilespmem:s24], [sflag:$0x2] =	stream.indirect.gather [hbm4b:s14+s22], $0x40, s1, s22, $0xb8;
	[tilespmem:$0x19280] =	vst v63  }
0xe6: {  	_ =	swait.ge [sflag:s25], $0x1F40  }
0xe7: {  	[sflag:s25] =	ssyncset.done $0x0  }
0xe8: {  	s3 =	simm.s32 $0x2800;
	[sflag:s25] =	ssyncadd.s32 $0xFFFFE0C0  }
0xe9: {  	[spmem:s2] =	stream.indirect.scatter.add.f32 [tilespmem:s23], [sflag:$0x3], $0x40, s3, s22, $0xb8;
	[tilespmem:$0x19280] =	vst v63  }
0xea: {  	_ =	swait.ge [sflag:s20], $0x1F40  }
0xeb: {  	[sflag:s20] =	ssyncset.done $0x0  }
0xec: {  	s4 =	simm.s32 $0x100;
	[sflag:s20] =	ssyncadd.s32 $0xFFFFE0C0  }
0xed: {  	[tilespmem:s23], [sflag:$0x1] =	stream.indirect.gather [hbm4b:s14+s22], $0x40, s4, s22, $0xb8;
	[tilespmem:$0x19280] =	vst v63  }
0xee: {  	_ =	swait.ge [sflag:s26], $0x1F40  }
0xef: {  	[sflag:s26] =	ssyncset.done $0x0  }
0xf0: {  	s21 =	simm.s32 $0x2880;
	[sflag:s26] =	ssyncadd.s32 $0xFFFFE0C0  }
0xf1: {  	[spmem:s2] =	stream.indirect.scatter.add.f32 [tilespmem:s24], [sflag:$0x3], $0x40, s21, s22, $0xb8;
	[tilespmem:$0x19280] =	vst v63  }
0xf2: {  	_ =	swait.ge [sflag:s20], $0x1F40  }
0xf3: {  	s0 =	simm.s32 $0x100;
	s1 =	simm.s32 $0x800;
	[sflag:s20] =	ssyncset.done $0x0  }
.LBB2_6:
0xf4: {  	s3 =	sadd.s32 $0x80, s0  }
0xf5: {  	[sflag:s20] =	ssyncadd.s32 $0xFFFFE0C0;
	s4 =	smov.u32 s1;
	s21 =	sadd.s32 $0x400, s1  }
0xf6: {  	[tilespmem:s24], [sflag:$0x2] =	stream.indirect.gather [hbm4b:s14+s22], $0x40, s3, s22, $0xb8;
	[tilespmem:$0x19280] =	vst v63  }
0xf7: {  	p1 =	sne.s32 s1, $0x9800;
	_ =	swait.ge [sflag:s25], $0x1F40  }
0xf8: {  	[sflag:s25] =	ssyncset.done $0x0  }
0xf9: {  	s1 =	sadd.s32 $0x2800, s0;
	[sflag:s25] =	ssyncadd.s32 $0xFFFFE0C0  }
0xfa: {  	[spmem:s2] =	stream.indirect.scatter.add.f32 [tilespmem:s23], [sflag:$0x3], $0x40, s1, s22, $0xb8;
	[tilespmem:$0x19280] =	vst v63  }
0xfb: {  	_ =	swait.ge [sflag:s20], $0x1F40  }
0xfc: {  	[sflag:s20] =	ssyncset.done $0x0  }
0xfd: {  	s1 =	sadd.s32 $0x100, s0;
	[sflag:s20] =	ssyncadd.s32 $0xFFFFE0C0  }
0xfe: {  	[tilespmem:s23], [sflag:$0x1] =	stream.indirect.gather [hbm4b:s14+s22], $0x40, s1, s22, $0xb8;
	[tilespmem:$0x19280] =	vst v63  }
0xff: {  	_ =	swait.ge [sflag:s26], $0x1F40  }
.Ltmp2:
0x100: {  	[sflag:s26] =	ssyncset.done $0x0;
	(pc) =	sbr.rel @p1 .LBB2_6-.Ltmp2, $4  }
0x101: {  	s0 =	sadd.s32 $0x2880, s0;
	[sflag:s26] =	ssyncadd.s32 $0xFFFFE0C0  }
0x102: {  	[spmem:s2] =	stream.indirect.scatter.add.f32 [tilespmem:s24], [sflag:$0x3], $0x40, s0, s22, $0xb8;
	[tilespmem:$0x19280] =	vst v63  }
0x103: {  	_ =	swait.ge [sflag:s20], $0x1F40  }
0x104: {  	s1 =	smov.u32 s21;
	s0 =	sshra.s32 s4, $0x2;
	[sflag:s20] =	ssyncset.done $0x0  }
0x105: {  	s1 =	sadd.s32 $0x80, s0;
	[sflag:s20] =	ssyncadd.s32 $0xFFFFE0C0  }
0x106: {  	[tilespmem:s24], [sflag:$0x2] =	stream.indirect.gather [hbm4b:s14+s22], $0x40, s1, s22, $0xb8;
	[tilespmem:$0x19280] =	vst v63  }
0x107: {  	_ =	swait.ge [sflag:s25], $0x1F40  }
0x108: {  	[sflag:s25] =	ssyncset.done $0x0  }
0x109: {  	s3 =	sadd.s32 $0x2800, s0;
	[sflag:s25] =	ssyncadd.s32 $0xFFFFE0C0  }
0x10a: {  	[spmem:s2] =	stream.indirect.scatter.add.f32 [tilespmem:s23], [sflag:$0x3], $0x40, s3, s22, $0xb8;
	[tilespmem:$0x19280] =	vst v63  }
0x10b: {  	_ =	swait.ge [sflag:s20], $0x1F40  }
0x10c: {  	[sflag:s20] =	ssyncset.done $0x0  }
0x10d: {  	s4 =	sadd.s32 $0x100, s0;
	[sflag:s20] =	ssyncadd.s32 $0xFFFFE0C0  }
0x10e: {  	[tilespmem:s23], [sflag:$0x1] =	stream.indirect.gather [hbm4b:s14+s22], $0x40, s4, s22, $0xb8;
	[tilespmem:$0x19280] =	vst v63  }
0x10f: {  	_ =	swait.ge [sflag:s26], $0x1F40  }
0x110: {  	[sflag:s26] =	ssyncset.done $0x0  }
0x111: {  	s21 =	sadd.s32 $0x2880, s0;
	[sflag:s26] =	ssyncadd.s32 $0xFFFFE0C0  }
0x112: {  	[spmem:s2] =	stream.indirect.scatter.add.f32 [tilespmem:s24], [sflag:$0x3], $0x40, s21, s22, $0xb8;
	[tilespmem:$0x19280] =	vst v63  }
0x113: {  	_ =	swait.ge [sflag:s20], $0x1F40  }
0x114: {  	[sflag:s20] =	ssyncset.done $0x0  }
0x115: {  	[sflag:s20] =	ssyncadd.s32 $0xFFFFE0C0  }
0x116: {  	[tilespmem:s24], [sflag:$0x2] =	stream.indirect.gather [hbm4b:s14+s22], $0x40, s28, s22, $0xb8;
	[tilespmem:$0x19280] =	vst v63  }
0x117: {  	_ =	swait.ge [sflag:s25], $0x1F40  }
0x118: {  	[sflag:s25] =	ssyncset.done $0x0  }
0x119: {  	[sflag:s25] =	ssyncadd.s32 $0xFFFFE0C0  }
0x11a: {  	[spmem:s2] =	stream.indirect.scatter.add.f32 [tilespmem:s23], [sflag:$0x3], $0x40, s29, s22, $0xb8;
	[tilespmem:$0x19280] =	vst v63  }
0x11b: {  	_ =	swait.ge [sflag:s20], $0x1F40  }
0x11c: {  	[sflag:s20] =	ssyncset.done $0x0  }
0x11d: {  	[sflag:s20] =	ssyncadd.s32 $0xFFFFE0C0  }
0x11e: {  	_ =	swait.ge [sflag:s26], $0x1F40  }
0x11f: {  	[sflag:s26] =	ssyncset.done $0x0  }
0x120: {  	[sflag:s26] =	ssyncadd.s32 $0xFFFFE0C0  }
0x121: {  	[spmem:s2] =	stream.indirect.scatter.add.f32 [tilespmem:s24], [sflag:$0x3], $0x40, s30, s22, $0xb8;
	[tilespmem:$0x19280] =	vst v63  }
0x122: {  	_ =	swait.ge [sflag:s20], $0x1F40  }
0x123: {  	[sflag:s20] =	ssyncset.done $0x0  }
0x124: {  	[sflag:s20] =	ssyncadd.s32 $0xFFFFE0C0  }
0x125: {  	s0 =	simm.s32 @p0 $0xA280;
	s1 =	simm.s32 @p0 $0x3;
	[bflag:$0x0] =	sbarrier.arrive $0xFFFF  }
0x126: {  	[tilespmem:s0], [sflag:$0x3] =	stream.linear.gather @p0 [spmem:s11], $0x5000, $0x38;
	[tilespmem:$0x19280] =	vst v63  }
0x127: {  	_ =	swait.ge @p0 [sflag:s1], $0x5000  }
0x128: {  	[sflag:s1] =	ssyncset.done @p0 $0x0  }
0x129: {  	s3 =	sadd.s32 @p0 $0x12C00, s19;
	s4 =	simm.s32 @p0 $0x0;
	[sflag:s1] =	ssyncadd.s32 @p0 $0xFFFFB000  }
0x12a: {  	[hbm4b:s3+s4] =	stream.linear.scatter @p0 [tilespmem:s0], [sflag:$0x3], $0x5000, $0x38;
	[tilespmem:$0x19280] =	vst v63  }
0x12b: {  	_ =	swait.ge @p0 [sflag:s1], $0x5000  }
0x12c: {  	[sflag:s1] =	ssyncset.done @p0 $0x0  }
0x12d: {  	[sflag:s1] =	ssyncadd.s32 @p0 $0xFFFFB000  }
0x12e: {  	[tilespmem:s0], [sflag:$0x3] =	stream.linear.gather @p0 [spmem:s12], $0x1400, $0x38;
	[tilespmem:$0x19280] =	vst v63  }
0x12f: {  	_ =	swait.ge @p0 [sflag:s1], $0x1400  }
0x130: {  	[sflag:s1] =	ssyncset.done @p0 $0x0  }
0x131: {  	s3 =	sadd.s32 @p0 $0x13600, s19;
	[sflag:s1] =	ssyncadd.s32 @p0 $0xFFFFEC00  }
0x132: {  	[hbm4b:s3+s4] =	stream.linear.scatter @p0 [tilespmem:s0], [sflag:$0x3], $0x1400, $0x38;
	[tilespmem:$0x19280] =	vst v63  }
0x133: {  	_ =	swait.ge @p0 [sflag:s1], $0x1400  }
0x134: {  	[sflag:s1] =	ssyncset.done @p0 $0x0  }
0x135: {  	s0 =	simm.s32 @!p0 $0xA280;
	[sflag:s1] =	ssyncadd.s32 @p0 $0xFFFFEC00;
	s1 =	simm.s32 @!p0 $0x3  }
0x136: {  	[tilespmem:s0], [sflag:$0x3] =	stream.linear.gather @!p0 [spmem:s8], $0x5000, $0x38;
	[tilespmem:$0x19280] =	vst v63  }
0x137: {  	_ =	swait.ge @!p0 [sflag:s1], $0x5000  }
0x138: {  	[sflag:s1] =	ssyncset.done @!p0 $0x0  }
0x139: {  	s3 =	sadd.s32 @!p0 s7, s19;
	s4 =	simm.s32 @!p0 $0x0;
	[sflag:s1] =	ssyncadd.s32 @!p0 $0xFFFFB000  }
0x13a: {  	[hbm4b:s3+s4] =	stream.linear.scatter @!p0 [tilespmem:s0], [sflag:$0x3], $0x5000, $0x38;
	[tilespmem:$0x19280] =	vst v63  }
0x13b: {  	_ =	swait.ge @!p0 [sflag:s1], $0x5000  }
0x13c: {  	[sflag:s1] =	ssyncset.done @!p0 $0x0  }
0x13d: {  	[sflag:s1] =	ssyncadd.s32 @!p0 $0xFFFFB000  }
0x13e: {  	[tilespmem:s0], [sflag:$0x3] =	stream.linear.gather @!p0 [spmem:s10], $0x5000, $0x38;
	[tilespmem:$0x19280] =	vst v63  }
0x13f: {  	s31 =	sadd.s32 $0x1, s31;
	_ =	swait.ge @!p0 [sflag:s1], $0x5000  }
0x140: {  	p1 =	sne.s32 s31, s15;
	[sflag:s1] =	ssyncset.done @!p0 $0x0  }
.Ltmp3:
0x141: {  	s3 =	sadd.s32 @!p0 s9, s19;
	[sflag:s1] =	ssyncadd.s32 @!p0 $0xFFFFB000;
	(pc) =	sbr.rel @p1 .LBB2_1-.Ltmp3, $4  }
0x142: {  	[hbm4b:s3+s4] =	stream.linear.scatter @!p0 [tilespmem:s0], [sflag:$0x3], $0x5000, $0x38;
	[tilespmem:$0x19280] =	vst v63  }
0x143: {  	_ =	swait.ge @!p0 [sflag:s1], $0x5000  }
0x144: {  	[sflag:s1] =	ssyncset.done @!p0 $0x0  }
0x145: {  	[sflag:s1] =	ssyncadd.s32 @!p0 $0xFFFFB000  }
0x146: {  	_ =	sfence.sel $0x180000  }
0x147: {  	[bflag:$0x0] =	sbarrier.arrive $0xFFFF  }
0x148: {  	_ =	strace $0x9000004A  }
0x149: {  	s0 =	stileid.u32;
	[bflag:$0x2] =	sbarrier.arrive $0xFFFF  }
0x14a: {  	p0 =	sne.s32 s0, $0x0;
	s0 =	rddreg [dreg:$0x3]  }
0x14b: {  	s0 =	sadd.s32 @!p0 $0x100000, s0  }
0x14c: {  	[sflag:s0] =	ssyncadd.tile.s32 @!p0 $0x1;
	_ =	shalt  }
.Lfunc_end2:
_tile_overlayer_lowered:
.L_overlay_start_2:
0x14d: {  	(tag) =	ssettag $0x2  }
0x14e: {  	s0 =	rddreg [dreg:$0x0];
	s2 =	stileid.u32  }
0x14f: {  	s1 =	rddreg [dreg:$0x1];
	p0 =	sne.s32 s2, $0x0  }
0x150: {  	s3 =	rddreg [dreg:$0x2];
	[bflag:$0x3] =	sbarrier.arrive $0xFFFF;
	s2 =	simm.s32 @!p0 $0x1C03  }
0x151: {  	[timem:s3], [sflag:s2] =	dma.local @!p0 [hbm:s0], s1  }
0x152: {  	s0 =	simm.s32 @!p0 $0x3  }
0x153: {  	_ =	swait.ge @!p0 [sflag:s0], s1  }
0x154: {  	s1 =	ssub.s32 @!p0 $0x0, s1;
	[sflag:s0] =	ssyncset.done @!p0 $0x0  }
0x155: {  	[sflag:s0] =	ssyncadd.s32 @!p0 s1  }
0x156: {  	[bflag:$0x3] =	sbarrier.arrive $0xFFFF  }
0x157: {  	_ =	shalt  }

</sc_bundles>
